<compile_context>
chip_gen: v7x
topology: tpu7x:2x2x1
jax: 0.10.2.dev20260603
libtpu: 0.0.44.dev20260713+nightly
codegen_flags: <defaults>
</compile_context>

<pallas_src>
import functools

import jax
import jax.numpy as jnp
from jax import lax
from jax.experimental import pallas as pl
from jax.experimental.pallas import tpu as pltpu
from jax.experimental.pallas import tpu_sc as plsc

N = 10000
E = 160000
D = 256
H = 128
N_SUB = 16
BLK = 128
EPAD_ROWS = 1280
N_ACC = N + 16
SINK = N

ROW_CHUNK = 640
LAST_CHUNK = N - 15 * ROW_CHUNK
ZROWS = 128

DEG_RPC = EPAD_ROWS // 2
DEG_RPT = DEG_RPC // N_SUB
DEG_INFLIGHT = 4

_MESH = plsc.VectorSubcoreMesh(core_axis_name="c", subcore_axis_name="s")


def _tile_row0(tile):
    return pl.multiple_of(tile * ROW_CHUNK, 8)


def _zero_acc_slice(acc, zbuf, tile):
    nz = zbuf.shape[0]
    last_main = (LAST_CHUNK // nz) * nz
    tail = LAST_CHUNK - last_main
    row0 = _tile_row0(tile)

    @pl.when(tile < 15)
    def _():
        @pl.loop(0, ROW_CHUNK, step=nz)
        def _(m):
            pltpu.sync_copy(zbuf, acc.at[pl.ds(pl.multiple_of(row0 + m, 8), nz)])

    @pl.when(tile == 15)
    def _():
        @pl.loop(0, last_main, step=nz)
        def _(m):
            pltpu.sync_copy(zbuf, acc.at[pl.ds(pl.multiple_of(row0 + m, 8), nz)])

        if tail:
            pltpu.sync_copy(
                zbuf.at[pl.ds(0, tail)],
                acc.at[pl.ds(pl.multiple_of(row0 + last_main, 8), tail)])


def _copy_out_slice(acc, out_hbm, tile):
    row0 = _tile_row0(tile)

    @pl.when(tile < 15)
    def _():
        pltpu.sync_copy(acc.at[pl.ds(row0, ROW_CHUNK)],
                        out_hbm.at[pl.ds(row0, ROW_CHUNK)])

    @pl.when(tile == 15)
    def _():
        pltpu.sync_copy(acc.at[pl.ds(row0, LAST_CHUNK)],
                        out_hbm.at[pl.ds(row0, LAST_CHUNK)])


DEG_W = H


def _sc_degree(dst2, ones_hbm, zeros_hbm):
    @functools.partial(
        pl.kernel,
        out_type=(
            jax.ShapeDtypeStruct((N, DEG_W), jnp.float32),
            jax.ShapeDtypeStruct((N, DEG_W), jnp.float32),
        ),
        mesh=_MESH,
        scratch_types=[
            pltpu.VMEM_SHARED((N_ACC, DEG_W), jnp.float32),
            pltpu.VMEM((DEG_RPT, BLK), jnp.int32),
            pltpu.VMEM((BLK, DEG_W), jnp.float32),
            pltpu.VMEM((ZROWS, DEG_W), jnp.float32),
            pltpu.SemaphoreType.DMA,
        ],
    )
    def deg_kernel(dst2_hbm, ones_in, zeros_in, dega_hbm, degb_hbm,
                   acc, idx, ones_buf, zbuf, sem):
        c = lax.axis_index("c")
        t = lax.axis_index("s")

        pltpu.sync_copy(zeros_in, zbuf)
        _zero_acc_slice(acc, zbuf, t)
        pltpu.sync_copy(ones_in, ones_buf)
        irow0 = pl.multiple_of(c * DEG_RPC + t * DEG_RPT, 8)
        pltpu.sync_copy(dst2_hbm.at[pl.ds(irow0, DEG_RPT)], idx)

        plsc.subcore_barrier()

        @pl.loop(0, DEG_RPT)
        def _(k):
            pltpu.async_copy(ones_buf, acc.at[idx.at[k]], sem, add=True)

            @pl.when(k >= DEG_INFLIGHT)
            def _():
                pltpu.make_async_copy(
                    ones_buf, acc.at[idx.at[k - DEG_INFLIGHT]], sem).wait()

        for i in range(DEG_INFLIGHT):
            pltpu.make_async_copy(
                ones_buf, acc.at[idx.at[DEG_RPT - DEG_INFLIGHT + i]], sem).wait()

        plsc.subcore_barrier()

        @pl.when(c == 0)
        def _():
            _copy_out_slice(acc, dega_hbm, t)

        @pl.when(c == 1)
        def _():
            _copy_out_slice(acc, degb_hbm, t)

    return deg_kernel(dst2, ones_hbm, zeros_hbm)


SC_E_PER_TILE = E // N_SUB
SC_BLK = 80
SC_NBLK = SC_E_PER_TILE // SC_BLK


def _sc_scatter(ga, gb, src1, dst1, zeros_hbm):
    @functools.partial(
        pl.kernel,
        out_type=(
            jax.ShapeDtypeStruct((N, H), jnp.float32),
            jax.ShapeDtypeStruct((N, H), jnp.float32),
        ),
        mesh=_MESH,
        scratch_types=[
            pltpu.VMEM_SHARED((N_ACC, H), jnp.float32),
            pltpu.VMEM((SC_E_PER_TILE,), jnp.int32),
            pltpu.VMEM((SC_E_PER_TILE,), jnp.int32),
            pltpu.VMEM((SC_BLK,), jnp.int32),
            pltpu.VMEM((SC_BLK,), jnp.int32),
            pltpu.VMEM((SC_BLK, H), jnp.float32),
            pltpu.VMEM((SC_BLK, H), jnp.float32),
            pltpu.SemaphoreType.DMA,
            pltpu.SemaphoreType.DMA,
        ],
    )
    def scat_kernel(ga_hbm, gb_hbm, src_hbm, dst_hbm, zeros_in, sa_hbm, sb_hbm,
                    acc, src_all, dst_all, di0, di1, rows0, rows1, gsem0, gsem1):
        c = lax.axis_index("c")
        t = lax.axis_index("s")

        pltpu.sync_copy(zeros_in.at[pl.ds(0, SC_BLK)], rows0)
        _zero_acc_slice(acc, rows0, t)

        ebase = t * SC_E_PER_TILE
        pltpu.sync_copy(src_hbm.at[pl.ds(ebase, SC_E_PER_TILE)], src_all)
        pltpu.sync_copy(dst_hbm.at[pl.ds(ebase, SC_E_PER_TILE)], dst_all)

        plsc.subcore_barrier()

        def run(g_hbm, out_hbm):
            slots = ((rows0, di0, gsem0), (rows1, di1, gsem1))

            def gidx(kk):
                return src_all.at[pl.ds(kk * SC_BLK, SC_BLK)]

            def do_block(kk, rb, di, gsem, last):
                @pl.loop(0, SC_BLK, step=16)
                def _(j):
                    di.at[pl.ds(j, 16)][...] = dst_all.at[
                        pl.ds(kk * SC_BLK + j, 16)][...]
                pltpu.make_async_copy(g_hbm.at[gidx(kk)], rb, gsem).wait()
                pltpu.sync_copy(rb, acc.at[di], add=True)
                if not last:
                    @pl.when(kk + 2 < SC_NBLK)
                    def _():
                        pltpu.async_copy(g_hbm.at[gidx(kk + 2)], rb, gsem)

            for s, (rb, _di, gsem) in enumerate(slots):
                pltpu.async_copy(g_hbm.at[gidx(s)], rb, gsem)

            paired = SC_NBLK - (SC_NBLK % 2)

            @pl.loop(0, paired, step=2)
            def _(k):
                for s, (rb, di, gsem) in enumerate(slots):
                    do_block(k + s, rb, di, gsem, last=False)

            if SC_NBLK % 2:
                do_block(SC_NBLK - 1, rows0, di0, gsem0, last=True)

            plsc.subcore_barrier()
            _copy_out_slice(acc, out_hbm, t)

        @pl.when(c == 0)
        def _():
            run(ga_hbm, sa_hbm)

        @pl.when(c == 1)
        def _():
            run(gb_hbm, sb_hbm)

    return scat_kernel(ga, gb, src1, dst1, zeros_hbm)


def _tc_matmul_scale(x, w, dega, degb):
    def body(x_ref, w_ref, da_ref, db_ref, ga_ref, gb_ref, dinv_ref):
        h = jnp.dot(x_ref[...], w_ref[...], preferred_element_type=jnp.float32)
        deg = 1.0 + da_ref[:, 0:1] + db_ref[:, 0:1]
        dinv = lax.rsqrt(deg)
        g = h * dinv
        ga_ref[...] = g[:, :H]
        gb_ref[...] = g[:, H:]
        dinv_ref[...] = jnp.broadcast_to(dinv, (dinv.shape[0], 8))

    return pl.pallas_call(
        body,
        grid=(10,),
        in_specs=[
            pl.BlockSpec((1000, D), lambda i: (i, 0)),
            pl.BlockSpec((D, D), lambda i: (0, 0)),
            pl.BlockSpec((1000, DEG_W), lambda i: (i, 0)),
            pl.BlockSpec((1000, DEG_W), lambda i: (i, 0)),
        ],
        out_specs=[
            pl.BlockSpec((1000, H), lambda i: (i, 0)),
            pl.BlockSpec((1000, H), lambda i: (i, 0)),
            pl.BlockSpec((1000, 8), lambda i: (i, 0)),
        ],
        out_shape=[
            jax.ShapeDtypeStruct((N, H), jnp.float32),
            jax.ShapeDtypeStruct((N, H), jnp.float32),
            jax.ShapeDtypeStruct((N, 8), jnp.float32),
        ],
    )(x, w, dega, degb)


def _tc_mid(sa, sb, ga, gb, dinv8, b0, w1):
    b0r = b0.reshape(1, D)

    def body(sa_ref, sb_ref, ga_ref, gb_ref, dv_ref, b0_ref, w1_ref,
             g1a_ref, g1b_ref):
        dinv = dv_ref[:, 0:1]
        pre_a = (sa_ref[...] + ga_ref[...]) * dinv
        pre_b = (sb_ref[...] + gb_ref[...]) * dinv
        pre = jnp.concatenate([pre_a, pre_b], axis=1) + b0_ref[...]
        a = jnp.tanh(pre)
        h1 = jnp.dot(a, w1_ref[...], preferred_element_type=jnp.float32)
        g1 = h1 * dinv
        g1a_ref[...] = g1[:, :H]
        g1b_ref[...] = g1[:, H:]

    return pl.pallas_call(
        body,
        grid=(10,),
        in_specs=[
            pl.BlockSpec((1000, H), lambda i: (i, 0)),
            pl.BlockSpec((1000, H), lambda i: (i, 0)),
            pl.BlockSpec((1000, H), lambda i: (i, 0)),
            pl.BlockSpec((1000, H), lambda i: (i, 0)),
            pl.BlockSpec((1000, 8), lambda i: (i, 0)),
            pl.BlockSpec((1, D), lambda i: (0, 0)),
            pl.BlockSpec((D, D), lambda i: (0, 0)),
        ],
        out_specs=[
            pl.BlockSpec((1000, H), lambda i: (i, 0)),
            pl.BlockSpec((1000, H), lambda i: (i, 0)),
        ],
        out_shape=[
            jax.ShapeDtypeStruct((N, H), jnp.float32),
            jax.ShapeDtypeStruct((N, H), jnp.float32),
        ],
    )(sa, sb, ga, gb, dinv8, b0r, w1)


def _tc_out(s1a, s1b, g1a, g1b, dinv8, b1):
    b1r = b1.reshape(1, D)

    def body(sa_ref, sb_ref, ga_ref, gb_ref, dv_ref, b1_ref, o_ref):
        dinv = dv_ref[:, 0:1]
        oa = (sa_ref[...] + ga_ref[...]) * dinv
        ob = (sb_ref[...] + gb_ref[...]) * dinv
        o_ref[...] = jnp.concatenate([oa, ob], axis=1) + b1_ref[...]

    return pl.pallas_call(
        body,
        grid=(10,),
        in_specs=[
            pl.BlockSpec((1000, H), lambda i: (i, 0)),
            pl.BlockSpec((1000, H), lambda i: (i, 0)),
            pl.BlockSpec((1000, H), lambda i: (i, 0)),
            pl.BlockSpec((1000, H), lambda i: (i, 0)),
            pl.BlockSpec((1000, 8), lambda i: (i, 0)),
            pl.BlockSpec((1, D), lambda i: (0, 0)),
        ],
        out_specs=pl.BlockSpec((1000, D), lambda i: (i, 0)),
        out_shape=jax.ShapeDtypeStruct((N, D), jnp.float32),
    )(s1a, s1b, g1a, g1b, dinv8, b1r)


def kernel(x, edge_index, x_batch, W0, b0, W1, b1):
    del x_batch
    npad = EPAD_ROWS * BLK - E
    src1 = edge_index[0]
    dst1 = edge_index[1]
    dst2 = jnp.concatenate(
        [dst1, jnp.full((npad,), SINK, jnp.int32)]).reshape(EPAD_ROWS, BLK)
    ones_deg = jnp.ones((BLK, DEG_W), jnp.float32)
    zeros_deg = jnp.zeros((ZROWS, DEG_W), jnp.float32)
    zeros_hbm = jnp.zeros((ZROWS, H), jnp.float32)

    dega, degb = _sc_degree(dst2, ones_deg, zeros_deg)
    ga, gb, dinv8 = _tc_matmul_scale(x, W0, dega, degb)
    sa, sb = _sc_scatter(ga, gb, src1, dst1, zeros_hbm)
    g1a, g1b = _tc_mid(sa, sb, ga, gb, dinv8, b0, W1)
    s1a, s1b = _sc_scatter(g1a, g1b, src1, dst1, zeros_hbm)
    return _tc_out(s1a, s1b, g1a, g1b, dinv8, b1)

# --- scband reference (transcript-rebuilt; emitter-appended) ---
"""Pipeline reference for scband-fw-gnn-51084341019435 (READ-ONLY COPY).

The authoritative reference and input builder live on the scoring server;
editing this copy changes nothing except your own understanding.
"""

import jax, jax.numpy as jnp
import numpy as np

N_NODES = 10000
N_EDGES = 160000
D_IN = 256
D_HID = 256
D_OUT = 256


def gcn_conv(x, src, dst, num_nodes, W, b):
    # PyG-style GCNConv with self-loops already appended to (src, dst):
    # h = X W; norm = deg^{-1/2}[src] * deg^{-1/2}[dst]; out = scatter_add(norm * h[src], dst) + b
    h = x @ W
    deg = jnp.zeros((num_nodes,), dtype=h.dtype).at[dst].add(1.0)
    dinv = jnp.where(deg > 0, 1.0 / jnp.sqrt(deg), 0.0)
    norm = dinv[src] * dinv[dst]
    msgs = jnp.take(h, src, axis=0) * norm[:, None]
    out = jnp.zeros((num_nodes, h.shape[1]), dtype=h.dtype).at[dst].add(msgs)
    return out + b


def setup_inputs(seed: int = 0) -> dict:
    key = jax.random.key(seed)
    ks = jax.random.split(key, 6)
    x = jax.random.normal(ks[0], (N_NODES, D_IN), dtype=jnp.float32)
    edge_index = jax.random.randint(ks[1], (2, N_EDGES), 0, N_NODES, dtype=jnp.int32)
    x_batch = jnp.zeros((N_NODES,), dtype=jnp.int32)
    # learned params (Glorot-ish init)
    W0 = jax.random.normal(ks[2], (D_IN, D_HID), dtype=jnp.float32) * (1.0 / np.sqrt(D_IN))
    b0 = jnp.zeros((D_HID,), dtype=jnp.float32)
    W1 = jax.random.normal(ks[3], (D_HID, D_OUT), dtype=jnp.float32) * (1.0 / np.sqrt(D_HID))
    b1 = jnp.zeros((D_OUT,), dtype=jnp.float32)
    return {"x": x, "edge_index": edge_index, "x_batch": x_batch, "W0": W0, "b0": b0, "W1": W1, "b1": b1}


def reference(x, edge_index, x_batch, W0, b0, W1, b1):
    # FwGNN forward with gnn_type='GCN', num_layers=2, act_type='tanh', dropout=0.0 (eval)
    num_nodes = x.shape[0]
    loops = jnp.arange(num_nodes, dtype=edge_index.dtype)
    src = jnp.concatenate([edge_index[0], loops])
    dst = jnp.concatenate([edge_index[1], loops])
    h = gcn_conv(x, src, dst, num_nodes, W0, b0)
    h = jnp.tanh(h)  # act_type != 'relu' -> act applied; dropout p=0.0 is identity
    out = gcn_conv(h, src, dst, num_nodes, W1, b1)
    return out

if __name__ == "__main__":
    import jax
    _d = setup_inputs()
    print(jax.jit(kernel)(*tuple(_d.values())))

</pallas_src>

<mosaic_0001>
#map = affine_map<(d0, d1) -> (0, 0)>
module attributes {stable_mosaic.version = 14 : i64} {
  func.func @deg_kernel(%arg0: i32, %arg1: i32, %arg2: memref<1280x128xi32, #tpu.memory_space<hbm>>, %arg3: memref<128x128xf32, #tpu.memory_space<hbm>>, %arg4: memref<128x128xf32, #tpu.memory_space<hbm>>, %arg5: memref<10000x128xf32, #tpu.memory_space<hbm>>, %arg6: memref<10000x128xf32, #tpu.memory_space<hbm>>, %arg7: memref<10016x128xf32, #tpu.memory_space<vmem_shared>>, %arg8: memref<40x128xi32, #tpu.memory_space<vmem>>, %arg9: memref<128x128xf32, #tpu.memory_space<vmem>>, %arg10: memref<128x128xf32, #tpu.memory_space<vmem>>, %arg11: memref<!tpu.dma_semaphore, #tpu.memory_space<semaphore_mem>>) attributes {dimension_semantics = [#tpu.dimension_semantics<core_parallel>, #tpu.dimension_semantics<subcore_parallel>], iteration_bounds = array<i64: 2, 16>, scalar_prefetch = 0 : i64, scratch_operands = 5 : i64, tpu.core_type = #tpu.core_type<sc_vector_subcore>, window_params = [{transform_indices = #map}, {transform_indices = #map}, {transform_indices = #map}, {transform_indices = #map}, {transform_indices = #map}]} {
    "tpu.region"() ({
      %run_scoped3A = tpu.sem_alloc : memref<!tpu.dma_semaphore, #tpu.memory_space<semaphore_mem>>
      tpu.enqueue_dma source(%arg4 : memref<128x128xf32, #tpu.memory_space<hbm>>) target(%arg10 : memref<128x128xf32, #tpu.memory_space<vmem>>) target_semaphore(%run_scoped3A : memref<!tpu.dma_semaphore, #tpu.memory_space<semaphore_mem>>)
      tpu.wait_dma2 semaphore(%run_scoped3A : memref<!tpu.dma_semaphore, #tpu.memory_space<semaphore_mem>>) src(%arg4 : memref<128x128xf32, #tpu.memory_space<hbm>>) dst(%arg10 : memref<128x128xf32, #tpu.memory_space<vmem>>)
      tpu.yield
    }) : () -> ()
    %mul3A = arith.constant 640 : i32
    %mul3A_0 = arith.muli %arg1, %mul3A : i32
    %multiple_of3A = tpu.assume_multiple %mul3A_0, 8 : i32
    %lt3A = arith.constant 15 : i32
    %lt3A_1 = arith.cmpi slt, %arg1, %lt3A : i32
    %convert_element_type3A = arith.extui %lt3A_1 : i1 to i32
    %cond3A = arith.constant 0 : i32
    %cond3A_2 = arith.cmpi ne, %convert_element_type3A, %cond3A : i32
    scf.if %cond3A_2 {
      %scan3A_54 = arith.constant 0 : i32
      %scan3A_55 = arith.constant 5 : i32
      %scan3A_56 = arith.addi %scan3A_54, %scan3A_55 : i32
      %scan3A_57 = arith.constant 1 : i32
      scf.for %scan3A_59 = %scan3A_54 to %scan3A_56 step %scan3A_57  : i32 {
        %mul3A_60 = arith.constant 128 : i32
        %mul3A_61 = arith.muli %scan3A_59, %mul3A_60 : i32
        %add3A_62 = arith.constant 0 : i32
        %add3A_63 = arith.addi %add3A_62, %mul3A_61 : i32
        %add3A_64 = arith.addi %multiple_of3A, %add3A_63 : i32
        %multiple_of3A_65 = tpu.assume_multiple %add3A_64, 8 : i32
        "tpu.region"() ({
          %run_scoped3A = tpu.sem_alloc : memref<!tpu.dma_semaphore, #tpu.memory_space<semaphore_mem>>
          %dma_start3A = arith.constant 0 : i32
          %dma_start3A_66 = tpu.memref_slice %arg7[%multiple_of3A_65, %dma_start3A] : memref<10016x128xf32, #tpu.memory_space<vmem_shared>> -> memref<128x128xf32, #tpu.memory_space<vmem_shared>>
          %dma_start3A_67 = arith.constant 0 : i32
          %dma_start3A_68 = tpu.memref_slice %arg7[%multiple_of3A_65, %dma_start3A_67] : memref<10016x128xf32, #tpu.memory_space<vmem_shared>> -> memref<128x128xf32, #tpu.memory_space<vmem_shared>>
          tpu.enqueue_dma source(%arg10 : memref<128x128xf32, #tpu.memory_space<vmem>>) target(%dma_start3A_68 : memref<128x128xf32, #tpu.memory_space<vmem_shared>>) target_semaphore(%run_scoped3A : memref<!tpu.dma_semaphore, #tpu.memory_space<semaphore_mem>>)
          %dma_wait3A_69 = arith.constant 0 : i32
          %dma_wait3A_70 = tpu.memref_slice %arg7[%multiple_of3A_65, %dma_wait3A_69] : memref<10016x128xf32, #tpu.memory_space<vmem_shared>> -> memref<128x128xf32, #tpu.memory_space<vmem_shared>>
          %dma_wait3A_71 = arith.constant 0 : i32
          %dma_wait3A_72 = tpu.memref_slice %arg7[%multiple_of3A_65, %dma_wait3A_71] : memref<10016x128xf32, #tpu.memory_space<vmem_shared>> -> memref<128x128xf32, #tpu.memory_space<vmem_shared>>
          tpu.wait_dma2 semaphore(%run_scoped3A : memref<!tpu.dma_semaphore, #tpu.memory_space<semaphore_mem>>) src(%arg10 : memref<128x128xf32, #tpu.memory_space<vmem>>) dst(%dma_wait3A_72 : memref<128x128xf32, #tpu.memory_space<vmem_shared>>)
          tpu.yield
        }) : () -> ()
      }
      %scan3A_58 = arith.constant 5 : i32
    } else {
    }
    %eq3A = arith.constant 15 : i32
    %eq3A_3 = arith.cmpi eq, %arg1, %eq3A : i32
    %convert_element_type3A_4 = arith.extui %eq3A_3 : i1 to i32
    %cond3A_5 = arith.constant 0 : i32
    %cond3A_6 = arith.cmpi ne, %convert_element_type3A_4, %cond3A_5 : i32
    scf.if %cond3A_6 {
      %scan3A_54 = arith.constant 0 : i32
      %scan3A_55 = arith.constant 3 : i32
      %scan3A_56 = arith.addi %scan3A_54, %scan3A_55 : i32
      %scan3A_57 = arith.constant 1 : i32
      scf.for %scan3A_62 = %scan3A_54 to %scan3A_56 step %scan3A_57  : i32 {
        %mul3A_63 = arith.constant 128 : i32
        %mul3A_64 = arith.muli %scan3A_62, %mul3A_63 : i32
        %add3A_65 = arith.constant 0 : i32
        %add3A_66 = arith.addi %add3A_65, %mul3A_64 : i32
        %add3A_67 = arith.addi %multiple_of3A, %add3A_66 : i32
        %multiple_of3A_68 = tpu.assume_multiple %add3A_67, 8 : i32
        "tpu.region"() ({
          %run_scoped3A = tpu.sem_alloc : memref<!tpu.dma_semaphore, #tpu.memory_space<semaphore_mem>>
          %dma_start3A = arith.constant 0 : i32
          %dma_start3A_69 = tpu.memref_slice %arg7[%multiple_of3A_68, %dma_start3A] : memref<10016x128xf32, #tpu.memory_space<vmem_shared>> -> memref<128x128xf32, #tpu.memory_space<vmem_shared>>
          %dma_start3A_70 = arith.constant 0 : i32
          %dma_start3A_71 = tpu.memref_slice %arg7[%multiple_of3A_68, %dma_start3A_70] : memref<10016x128xf32, #tpu.memory_space<vmem_shared>> -> memref<128x128xf32, #tpu.memory_space<vmem_shared>>
          tpu.enqueue_dma source(%arg10 : memref<128x128xf32, #tpu.memory_space<vmem>>) target(%dma_start3A_71 : memref<128x128xf32, #tpu.memory_space<vmem_shared>>) target_semaphore(%run_scoped3A : memref<!tpu.dma_semaphore, #tpu.memory_space<semaphore_mem>>)
          %dma_wait3A_72 = arith.constant 0 : i32
          %dma_wait3A_73 = tpu.memref_slice %arg7[%multiple_of3A_68, %dma_wait3A_72] : memref<10016x128xf32, #tpu.memory_space<vmem_shared>> -> memref<128x128xf32, #tpu.memory_space<vmem_shared>>
          %dma_wait3A_74 = arith.constant 0 : i32
          %dma_wait3A_75 = tpu.memref_slice %arg7[%multiple_of3A_68, %dma_wait3A_74] : memref<10016x128xf32, #tpu.memory_space<vmem_shared>> -> memref<128x128xf32, #tpu.memory_space<vmem_shared>>
          tpu.wait_dma2 semaphore(%run_scoped3A : memref<!tpu.dma_semaphore, #tpu.memory_space<semaphore_mem>>) src(%arg10 : memref<128x128xf32, #tpu.memory_space<vmem>>) dst(%dma_wait3A_75 : memref<128x128xf32, #tpu.memory_space<vmem_shared>>)
          tpu.yield
        }) : () -> ()
      }
      %scan3A_58 = arith.constant 3 : i32
      %add3A_59 = arith.constant 384 : i32
      %add3A_60 = arith.addi %multiple_of3A, %add3A_59 : i32
      %multiple_of3A_61 = tpu.assume_multiple %add3A_60, 8 : i32
      "tpu.region"() ({
        %run_scoped3A = tpu.sem_alloc : memref<!tpu.dma_semaphore, #tpu.memory_space<semaphore_mem>>
        %dma_start3A = arith.constant 0 : i32
        %dma_start3A_62 = arith.constant 0 : i32
        %dma_start3A_63 = tpu.memref_slice %arg10[%dma_start3A, %dma_start3A_62] : memref<128x128xf32, #tpu.memory_space<vmem>> -> memref<16x128xf32, #tpu.memory_space<vmem>>
        %dma_start3A_64 = arith.constant 0 : i32
        %dma_start3A_65 = tpu.memref_slice %arg7[%multiple_of3A_61, %dma_start3A_64] : memref<10016x128xf32, #tpu.memory_space<vmem_shared>> -> memref<16x128xf32, #tpu.memory_space<vmem_shared>>
        %dma_start3A_66 = arith.constant 0 : i32
        %dma_start3A_67 = tpu.memref_slice %arg7[%multiple_of3A_61, %dma_start3A_66] : memref<10016x128xf32, #tpu.memory_space<vmem_shared>> -> memref<16x128xf32, #tpu.memory_space<vmem_shared>>
        %dma_start3A_68 = arith.constant 0 : i32
        %dma_start3A_69 = arith.constant 0 : i32
        %dma_start3A_70 = tpu.memref_slice %arg10[%dma_start3A_68, %dma_start3A_69] : memref<128x128xf32, #tpu.memory_space<vmem>> -> memref<16x128xf32, #tpu.memory_space<vmem>>
        tpu.enqueue_dma source(%dma_start3A_70 : memref<16x128xf32, #tpu.memory_space<vmem>>) target(%dma_start3A_67 : memref<16x128xf32, #tpu.memory_space<vmem_shared>>) target_semaphore(%run_scoped3A : memref<!tpu.dma_semaphore, #tpu.memory_space<semaphore_mem>>)
        %dma_wait3A_71 = arith.constant 0 : i32
        %dma_wait3A_72 = arith.constant 0 : i32
        %dma_wait3A_73 = tpu.memref_slice %arg10[%dma_wait3A_71, %dma_wait3A_72] : memref<128x128xf32, #tpu.memory_space<vmem>> -> memref<16x128xf32, #tpu.memory_space<vmem>>
        %dma_wait3A_74 = arith.constant 0 : i32
        %dma_wait3A_75 = tpu.memref_slice %arg7[%multiple_of3A_61, %dma_wait3A_74] : memref<10016x128xf32, #tpu.memory_space<vmem_shared>> -> memref<16x128xf32, #tpu.memory_space<vmem_shared>>
        %dma_wait3A_76 = arith.constant 0 : i32
        %dma_wait3A_77 = tpu.memref_slice %arg7[%multiple_of3A_61, %dma_wait3A_76] : memref<10016x128xf32, #tpu.memory_space<vmem_shared>> -> memref<16x128xf32, #tpu.memory_space<vmem_shared>>
        %dma_wait3A_78 = arith.constant 0 : i32
        %dma_wait3A_79 = arith.constant 0 : i32
        %dma_wait3A_80 = tpu.memref_slice %arg10[%dma_wait3A_78, %dma_wait3A_79] : memref<128x128xf32, #tpu.memory_space<vmem>> -> memref<16x128xf32, #tpu.memory_space<vmem>>
        tpu.wait_dma2 semaphore(%run_scoped3A : memref<!tpu.dma_semaphore, #tpu.memory_space<semaphore_mem>>) src(%dma_wait3A_80 : memref<16x128xf32, #tpu.memory_space<vmem>>) dst(%dma_wait3A_77 : memref<16x128xf32, #tpu.memory_space<vmem_shared>>)
        tpu.yield
      }) : () -> ()
    } else {
    }
    "tpu.region"() ({
      %run_scoped3A = tpu.sem_alloc : memref<!tpu.dma_semaphore, #tpu.memory_space<semaphore_mem>>
      tpu.enqueue_dma source(%arg3 : memref<128x128xf32, #tpu.memory_space<hbm>>) target(%arg9 : memref<128x128xf32, #tpu.memory_space<vmem>>) target_semaphore(%run_scoped3A : memref<!tpu.dma_semaphore, #tpu.memory_space<semaphore_mem>>)
      tpu.wait_dma2 semaphore(%run_scoped3A : memref<!tpu.dma_semaphore, #tpu.memory_space<semaphore_mem>>) src(%arg3 : memref<128x128xf32, #tpu.memory_space<hbm>>) dst(%arg9 : memref<128x128xf32, #tpu.memory_space<vmem>>)
      tpu.yield
    }) : () -> ()
    %mul3A_7 = arith.constant 640 : i32
    %mul3A_8 = arith.muli %arg0, %mul3A_7 : i32
    %mul3A_9 = arith.constant 40 : i32
    %mul3A_10 = arith.muli %arg1, %mul3A_9 : i32
    %add3A = arith.addi %mul3A_8, %mul3A_10 : i32
    %multiple_of3A_11 = tpu.assume_multiple %add3A, 8 : i32
    "tpu.region"() ({
      %run_scoped3A = tpu.sem_alloc : memref<!tpu.dma_semaphore, #tpu.memory_space<semaphore_mem>>
      %dma_start3A = arith.constant 0 : i32
      %dma_start3A_54 = tpu.memref_slice %arg2[%multiple_of3A_11, %dma_start3A] : memref<1280x128xi32, #tpu.memory_space<hbm>> -> memref<40x128xi32, #tpu.memory_space<hbm>>
      %dma_start3A_55 = arith.constant 0 : i32
      %dma_start3A_56 = tpu.memref_slice %arg2[%multiple_of3A_11, %dma_start3A_55] : memref<1280x128xi32, #tpu.memory_space<hbm>> -> memref<40x128xi32, #tpu.memory_space<hbm>>
      tpu.enqueue_dma source(%dma_start3A_56 : memref<40x128xi32, #tpu.memory_space<hbm>>) target(%arg8 : memref<40x128xi32, #tpu.memory_space<vmem>>) target_semaphore(%run_scoped3A : memref<!tpu.dma_semaphore, #tpu.memory_space<semaphore_mem>>)
      %dma_wait3A_57 = arith.constant 0 : i32
      %dma_wait3A_58 = tpu.memref_slice %arg2[%multiple_of3A_11, %dma_wait3A_57] : memref<1280x128xi32, #tpu.memory_space<hbm>> -> memref<40x128xi32, #tpu.memory_space<hbm>>
      %dma_wait3A_59 = arith.constant 0 : i32
      %dma_wait3A_60 = tpu.memref_slice %arg2[%multiple_of3A_11, %dma_wait3A_59] : memref<1280x128xi32, #tpu.memory_space<hbm>> -> memref<40x128xi32, #tpu.memory_space<hbm>>
      tpu.wait_dma2 semaphore(%run_scoped3A : memref<!tpu.dma_semaphore, #tpu.memory_space<semaphore_mem>>) src(%dma_wait3A_60 : memref<40x128xi32, #tpu.memory_space<hbm>>) dst(%arg8 : memref<40x128xi32, #tpu.memory_space<vmem>>)
      tpu.yield
    }) : () -> ()
    %barrier3A = arith.constant 0 : index
    tpu.barrier barrier_id(%barrier3A)
    %scan3A = arith.constant 0 : i32
    %scan3A_12 = arith.constant 40 : i32
    %scan3A_13 = arith.addi %scan3A, %scan3A_12 : i32
    %scan3A_14 = arith.constant 1 : i32
    scf.for %scan3A_54 = %scan3A to %scan3A_13 step %scan3A_14  : i32 {
      %mul3A_55 = arith.constant 1 : i32
      %mul3A_56 = arith.muli %scan3A_54, %mul3A_55 : i32
      %add3A_57 = arith.constant 0 : i32
      %add3A_58 = arith.addi %add3A_57, %mul3A_56 : i32
      %dma_start3A = arith.constant 0 : i32
      %dma_start3A_59 = tpu.memref_slice %arg8[%add3A_58, %dma_start3A] : memref<40x128xi32, #tpu.memory_space<vmem>> -> memref<1x128xi32, #tpu.memory_space<vmem>>
      %dma_start3A_60 = tpu.memref_squeeze %dma_start3A_59 : memref<1x128xi32, #tpu.memory_space<vmem>> -> memref<128xi32, #tpu.memory_space<vmem>>
      %dma_start3A_61 = arith.constant 0 : i32
      %dma_start3A_62 = arith.constant 0 : i32
      %dma_start3A_63 = tpu.memref_slice %arg7[%dma_start3A_61, %dma_start3A_62] : memref<10016x128xf32, #tpu.memory_space<vmem_shared>> -> memref<10016x128xf32, #tpu.memory_space<vmem_shared>>
      tpu.enqueue_indirect_dma source(%arg9 : memref<128x128xf32, #tpu.memory_space<vmem>>) target(%dma_start3A_63 : memref<10016x128xf32, #tpu.memory_space<vmem_shared>>) offsets(%dma_start3A_60 : memref<128xi32, #tpu.memory_space<vmem>>) semaphore(%arg11 : memref<!tpu.dma_semaphore, #tpu.memory_space<semaphore_mem>>) {add = true}
      %ge3A = arith.constant 4 : i32
      %ge3A_64 = arith.cmpi sge, %add3A_58, %ge3A : i32
      %convert_element_type3A_65 = arith.extui %ge3A_64 : i1 to i32
      %cond3A_66 = arith.constant 0 : i32
      %cond3A_67 = arith.cmpi ne, %convert_element_type3A_65, %cond3A_66 : i32
      scf.if %cond3A_67 {
        %sub3A = arith.constant 4 : i32
        %sub3A_68 = arith.subi %add3A_58, %sub3A : i32
        %dma_wait3A_69 = arith.constant 0 : i32
        %dma_wait3A_70 = tpu.memref_slice %arg8[%sub3A_68, %dma_wait3A_69] : memref<40x128xi32, #tpu.memory_space<vmem>> -> memref<1x128xi32, #tpu.memory_space<vmem>>
        %dma_wait3A_71 = tpu.memref_squeeze %dma_wait3A_70 : memref<1x128xi32, #tpu.memory_space<vmem>> -> memref<128xi32, #tpu.memory_space<vmem>>
        %dma_wait3A_72 = arith.constant 0 : i32
        %dma_wait3A_73 = arith.constant 0 : i32
        %dma_wait3A_74 = tpu.memref_slice %arg7[%dma_wait3A_72, %dma_wait3A_73] : memref<10016x128xf32, #tpu.memory_space<vmem_shared>> -> memref<10016x128xf32, #tpu.memory_space<vmem_shared>>
        tpu.wait_indirect_dma semaphore(%arg11 : memref<!tpu.dma_semaphore, #tpu.memory_space<semaphore_mem>>) src(%arg9 : memref<128x128xf32, #tpu.memory_space<vmem>>) dst(%dma_wait3A_74 : memref<10016x128xf32, #tpu.memory_space<vmem_shared>>)
      } else {
      }
    }
    %scan3A_15 = arith.constant 40 : i32
    %dma_wait3A = arith.constant 36 : i32
    %dma_wait3A_16 = arith.constant 0 : i32
    %dma_wait3A_17 = tpu.memref_slice %arg8[%dma_wait3A, %dma_wait3A_16] : memref<40x128xi32, #tpu.memory_space<vmem>> -> memref<1x128xi32, #tpu.memory_space<vmem>>
    %dma_wait3A_18 = tpu.memref_squeeze %dma_wait3A_17 : memref<1x128xi32, #tpu.memory_space<vmem>> -> memref<128xi32, #tpu.memory_space<vmem>>
    %dma_wait3A_19 = arith.constant 0 : i32
    %dma_wait3A_20 = arith.constant 0 : i32
    %dma_wait3A_21 = tpu.memref_slice %arg7[%dma_wait3A_19, %dma_wait3A_20] : memref<10016x128xf32, #tpu.memory_space<vmem_shared>> -> memref<10016x128xf32, #tpu.memory_space<vmem_shared>>
    tpu.wait_indirect_dma semaphore(%arg11 : memref<!tpu.dma_semaphore, #tpu.memory_space<semaphore_mem>>) src(%arg9 : memref<128x128xf32, #tpu.memory_space<vmem>>) dst(%dma_wait3A_21 : memref<10016x128xf32, #tpu.memory_space<vmem_shared>>)
    %dma_wait3A_22 = arith.constant 37 : i32
    %dma_wait3A_23 = arith.constant 0 : i32
    %dma_wait3A_24 = tpu.memref_slice %arg8[%dma_wait3A_22, %dma_wait3A_23] : memref<40x128xi32, #tpu.memory_space<vmem>> -> memref<1x128xi32, #tpu.memory_space<vmem>>
    %dma_wait3A_25 = tpu.memref_squeeze %dma_wait3A_24 : memref<1x128xi32, #tpu.memory_space<vmem>> -> memref<128xi32, #tpu.memory_space<vmem>>
    %dma_wait3A_26 = arith.constant 0 : i32
    %dma_wait3A_27 = arith.constant 0 : i32
    %dma_wait3A_28 = tpu.memref_slice %arg7[%dma_wait3A_26, %dma_wait3A_27] : memref<10016x128xf32, #tpu.memory_space<vmem_shared>> -> memref<10016x128xf32, #tpu.memory_space<vmem_shared>>
    tpu.wait_indirect_dma semaphore(%arg11 : memref<!tpu.dma_semaphore, #tpu.memory_space<semaphore_mem>>) src(%arg9 : memref<128x128xf32, #tpu.memory_space<vmem>>) dst(%dma_wait3A_28 : memref<10016x128xf32, #tpu.memory_space<vmem_shared>>)
    %dma_wait3A_29 = arith.constant 38 : i32
    %dma_wait3A_30 = arith.constant 0 : i32
    %dma_wait3A_31 = tpu.memref_slice %arg8[%dma_wait3A_29, %dma_wait3A_30] : memref<40x128xi32, #tpu.memory_space<vmem>> -> memref<1x128xi32, #tpu.memory_space<vmem>>
    %dma_wait3A_32 = tpu.memref_squeeze %dma_wait3A_31 : memref<1x128xi32, #tpu.memory_space<vmem>> -> memref<128xi32, #tpu.memory_space<vmem>>
    %dma_wait3A_33 = arith.constant 0 : i32
    %dma_wait3A_34 = arith.constant 0 : i32
    %dma_wait3A_35 = tpu.memref_slice %arg7[%dma_wait3A_33, %dma_wait3A_34] : memref<10016x128xf32, #tpu.memory_space<vmem_shared>> -> memref<10016x128xf32, #tpu.memory_space<vmem_shared>>
    tpu.wait_indirect_dma semaphore(%arg11 : memref<!tpu.dma_semaphore, #tpu.memory_space<semaphore_mem>>) src(%arg9 : memref<128x128xf32, #tpu.memory_space<vmem>>) dst(%dma_wait3A_35 : memref<10016x128xf32, #tpu.memory_space<vmem_shared>>)
    %dma_wait3A_36 = arith.constant 39 : i32
    %dma_wait3A_37 = arith.constant 0 : i32
    %dma_wait3A_38 = tpu.memref_slice %arg8[%dma_wait3A_36, %dma_wait3A_37] : memref<40x128xi32, #tpu.memory_space<vmem>> -> memref<1x128xi32, #tpu.memory_space<vmem>>
    %dma_wait3A_39 = tpu.memref_squeeze %dma_wait3A_38 : memref<1x128xi32, #tpu.memory_space<vmem>> -> memref<128xi32, #tpu.memory_space<vmem>>
    %dma_wait3A_40 = arith.constant 0 : i32
    %dma_wait3A_41 = arith.constant 0 : i32
    %dma_wait3A_42 = tpu.memref_slice %arg7[%dma_wait3A_40, %dma_wait3A_41] : memref<10016x128xf32, #tpu.memory_space<vmem_shared>> -> memref<10016x128xf32, #tpu.memory_space<vmem_shared>>
    tpu.wait_indirect_dma semaphore(%arg11 : memref<!tpu.dma_semaphore, #tpu.memory_space<semaphore_mem>>) src(%arg9 : memref<128x128xf32, #tpu.memory_space<vmem>>) dst(%dma_wait3A_42 : memref<10016x128xf32, #tpu.memory_space<vmem_shared>>)
    %barrier3A_43 = arith.constant 0 : index
    tpu.barrier barrier_id(%barrier3A_43)
    %eq3A_44 = arith.constant 0 : i32
    %eq3A_45 = arith.cmpi eq, %arg0, %eq3A_44 : i32
    %convert_element_type3A_46 = arith.extui %eq3A_45 : i1 to i32
    %cond3A_47 = arith.constant 0 : i32
    %cond3A_48 = arith.cmpi ne, %convert_element_type3A_46, %cond3A_47 : i32
    scf.if %cond3A_48 {
      %mul3A_54 = arith.constant 640 : i32
      %mul3A_55 = arith.muli %arg1, %mul3A_54 : i32
      %multiple_of3A_56 = tpu.assume_multiple %mul3A_55, 8 : i32
      %lt3A_57 = arith.constant 15 : i32
      %lt3A_58 = arith.cmpi slt, %arg1, %lt3A_57 : i32
      %convert_element_type3A_59 = arith.extui %lt3A_58 : i1 to i32
      %cond3A_60 = arith.constant 0 : i32
      %cond3A_61 = arith.cmpi ne, %convert_element_type3A_59, %cond3A_60 : i32
      scf.if %cond3A_61 {
        "tpu.region"() ({
          %run_scoped3A = tpu.sem_alloc : memref<!tpu.dma_semaphore, #tpu.memory_space<semaphore_mem>>
          %dma_start3A = arith.constant 0 : i32
          %dma_start3A_67 = tpu.memref_slice %arg5[%multiple_of3A_56, %dma_start3A] : memref<10000x128xf32, #tpu.memory_space<hbm>> -> memref<640x128xf32, #tpu.memory_space<hbm>>
          %dma_start3A_68 = arith.constant 0 : i32
          %dma_start3A_69 = tpu.memref_slice %arg7[%multiple_of3A_56, %dma_start3A_68] : memref<10016x128xf32, #tpu.memory_space<vmem_shared>> -> memref<640x128xf32, #tpu.memory_space<vmem_shared>>
          tpu.enqueue_dma source(%dma_start3A_69 : memref<640x128xf32, #tpu.memory_space<vmem_shared>>) target(%dma_start3A_67 : memref<640x128xf32, #tpu.memory_space<hbm>>) target_semaphore(%run_scoped3A : memref<!tpu.dma_semaphore, #tpu.memory_space<semaphore_mem>>)
          %dma_wait3A_70 = arith.constant 0 : i32
          %dma_wait3A_71 = tpu.memref_slice %arg5[%multiple_of3A_56, %dma_wait3A_70] : memref<10000x128xf32, #tpu.memory_space<hbm>> -> memref<640x128xf32, #tpu.memory_space<hbm>>
          %dma_wait3A_72 = arith.constant 0 : i32
          %dma_wait3A_73 = tpu.memref_slice %arg7[%multiple_of3A_56, %dma_wait3A_72] : memref<10016x128xf32, #tpu.memory_space<vmem_shared>> -> memref<640x128xf32, #tpu.memory_space<vmem_shared>>
          tpu.wait_dma2 semaphore(%run_scoped3A : memref<!tpu.dma_semaphore, #tpu.memory_space<semaphore_mem>>) src(%dma_wait3A_73 : memref<640x128xf32, #tpu.memory_space<vmem_shared>>) dst(%dma_wait3A_71 : memref<640x128xf32, #tpu.memory_space<hbm>>)
          tpu.yield
        }) : () -> ()
      } else {
      }
      %eq3A_62 = arith.constant 15 : i32
      %eq3A_63 = arith.cmpi eq, %arg1, %eq3A_62 : i32
      %convert_element_type3A_64 = arith.extui %eq3A_63 : i1 to i32
      %cond3A_65 = arith.constant 0 : i32
      %cond3A_66 = arith.cmpi ne, %convert_element_type3A_64, %cond3A_65 : i32
      scf.if %cond3A_66 {
        "tpu.region"() ({
          %run_scoped3A = tpu.sem_alloc : memref<!tpu.dma_semaphore, #tpu.memory_space<semaphore_mem>>
          %dma_start3A = arith.constant 0 : i32
          %dma_start3A_67 = tpu.memref_slice %arg5[%multiple_of3A_56, %dma_start3A] : memref<10000x128xf32, #tpu.memory_space<hbm>> -> memref<400x128xf32, #tpu.memory_space<hbm>>
          %dma_start3A_68 = arith.constant 0 : i32
          %dma_start3A_69 = tpu.memref_slice %arg7[%multiple_of3A_56, %dma_start3A_68] : memref<10016x128xf32, #tpu.memory_space<vmem_shared>> -> memref<400x128xf32, #tpu.memory_space<vmem_shared>>
          tpu.enqueue_dma source(%dma_start3A_69 : memref<400x128xf32, #tpu.memory_space<vmem_shared>>) target(%dma_start3A_67 : memref<400x128xf32, #tpu.memory_space<hbm>>) target_semaphore(%run_scoped3A : memref<!tpu.dma_semaphore, #tpu.memory_space<semaphore_mem>>)
          %dma_wait3A_70 = arith.constant 0 : i32
          %dma_wait3A_71 = tpu.memref_slice %arg5[%multiple_of3A_56, %dma_wait3A_70] : memref<10000x128xf32, #tpu.memory_space<hbm>> -> memref<400x128xf32, #tpu.memory_space<hbm>>
          %dma_wait3A_72 = arith.constant 0 : i32
          %dma_wait3A_73 = tpu.memref_slice %arg7[%multiple_of3A_56, %dma_wait3A_72] : memref<10016x128xf32, #tpu.memory_space<vmem_shared>> -> memref<400x128xf32, #tpu.memory_space<vmem_shared>>
          tpu.wait_dma2 semaphore(%run_scoped3A : memref<!tpu.dma_semaphore, #tpu.memory_space<semaphore_mem>>) src(%dma_wait3A_73 : memref<400x128xf32, #tpu.memory_space<vmem_shared>>) dst(%dma_wait3A_71 : memref<400x128xf32, #tpu.memory_space<hbm>>)
          tpu.yield
        }) : () -> ()
      } else {
      }
    } else {
    }
    %eq3A_49 = arith.constant 1 : i32
    %eq3A_50 = arith.cmpi eq, %arg0, %eq3A_49 : i32
    %convert_element_type3A_51 = arith.extui %eq3A_50 : i1 to i32
    %cond3A_52 = arith.constant 0 : i32
    %cond3A_53 = arith.cmpi ne, %convert_element_type3A_51, %cond3A_52 : i32
    scf.if %cond3A_53 {
      %mul3A_54 = arith.constant 640 : i32
      %mul3A_55 = arith.muli %arg1, %mul3A_54 : i32
      %multiple_of3A_56 = tpu.assume_multiple %mul3A_55, 8 : i32
      %lt3A_57 = arith.constant 15 : i32
      %lt3A_58 = arith.cmpi slt, %arg1, %lt3A_57 : i32
      %convert_element_type3A_59 = arith.extui %lt3A_58 : i1 to i32
      %cond3A_60 = arith.constant 0 : i32
      %cond3A_61 = arith.cmpi ne, %convert_element_type3A_59, %cond3A_60 : i32
      scf.if %cond3A_61 {
        "tpu.region"() ({
          %run_scoped3A = tpu.sem_alloc : memref<!tpu.dma_semaphore, #tpu.memory_space<semaphore_mem>>
          %dma_start3A = arith.constant 0 : i32
          %dma_start3A_67 = tpu.memref_slice %arg6[%multiple_of3A_56, %dma_start3A] : memref<10000x128xf32, #tpu.memory_space<hbm>> -> memref<640x128xf32, #tpu.memory_space<hbm>>
          %dma_start3A_68 = arith.constant 0 : i32
          %dma_start3A_69 = tpu.memref_slice %arg7[%multiple_of3A_56, %dma_start3A_68] : memref<10016x128xf32, #tpu.memory_space<vmem_shared>> -> memref<640x128xf32, #tpu.memory_space<vmem_shared>>
          tpu.enqueue_dma source(%dma_start3A_69 : memref<640x128xf32, #tpu.memory_space<vmem_shared>>) target(%dma_start3A_67 : memref<640x128xf32, #tpu.memory_space<hbm>>) target_semaphore(%run_scoped3A : memref<!tpu.dma_semaphore, #tpu.memory_space<semaphore_mem>>)
          %dma_wait3A_70 = arith.constant 0 : i32
          %dma_wait3A_71 = tpu.memref_slice %arg6[%multiple_of3A_56, %dma_wait3A_70] : memref<10000x128xf32, #tpu.memory_space<hbm>> -> memref<640x128xf32, #tpu.memory_space<hbm>>
          %dma_wait3A_72 = arith.constant 0 : i32
          %dma_wait3A_73 = tpu.memref_slice %arg7[%multiple_of3A_56, %dma_wait3A_72] : memref<10016x128xf32, #tpu.memory_space<vmem_shared>> -> memref<640x128xf32, #tpu.memory_space<vmem_shared>>
          tpu.wait_dma2 semaphore(%run_scoped3A : memref<!tpu.dma_semaphore, #tpu.memory_space<semaphore_mem>>) src(%dma_wait3A_73 : memref<640x128xf32, #tpu.memory_space<vmem_shared>>) dst(%dma_wait3A_71 : memref<640x128xf32, #tpu.memory_space<hbm>>)
          tpu.yield
        }) : () -> ()
      } else {
      }
      %eq3A_62 = arith.constant 15 : i32
      %eq3A_63 = arith.cmpi eq, %arg1, %eq3A_62 : i32
      %convert_element_type3A_64 = arith.extui %eq3A_63 : i1 to i32
      %cond3A_65 = arith.constant 0 : i32
      %cond3A_66 = arith.cmpi ne, %convert_element_type3A_64, %cond3A_65 : i32
      scf.if %cond3A_66 {
        "tpu.region"() ({
          %run_scoped3A = tpu.sem_alloc : memref<!tpu.dma_semaphore, #tpu.memory_space<semaphore_mem>>
          %dma_start3A = arith.constant 0 : i32
          %dma_start3A_67 = tpu.memref_slice %arg6[%multiple_of3A_56, %dma_start3A] : memref<10000x128xf32, #tpu.memory_space<hbm>> -> memref<400x128xf32, #tpu.memory_space<hbm>>
          %dma_start3A_68 = arith.constant 0 : i32
          %dma_start3A_69 = tpu.memref_slice %arg7[%multiple_of3A_56, %dma_start3A_68] : memref<10016x128xf32, #tpu.memory_space<vmem_shared>> -> memref<400x128xf32, #tpu.memory_space<vmem_shared>>
          tpu.enqueue_dma source(%dma_start3A_69 : memref<400x128xf32, #tpu.memory_space<vmem_shared>>) target(%dma_start3A_67 : memref<400x128xf32, #tpu.memory_space<hbm>>) target_semaphore(%run_scoped3A : memref<!tpu.dma_semaphore, #tpu.memory_space<semaphore_mem>>)
          %dma_wait3A_70 = arith.constant 0 : i32
          %dma_wait3A_71 = tpu.memref_slice %arg6[%multiple_of3A_56, %dma_wait3A_70] : memref<10000x128xf32, #tpu.memory_space<hbm>> -> memref<400x128xf32, #tpu.memory_space<hbm>>
          %dma_wait3A_72 = arith.constant 0 : i32
          %dma_wait3A_73 = tpu.memref_slice %arg7[%multiple_of3A_56, %dma_wait3A_72] : memref<10016x128xf32, #tpu.memory_space<vmem_shared>> -> memref<400x128xf32, #tpu.memory_space<vmem_shared>>
          tpu.wait_dma2 semaphore(%run_scoped3A : memref<!tpu.dma_semaphore, #tpu.memory_space<semaphore_mem>>) src(%dma_wait3A_73 : memref<400x128xf32, #tpu.memory_space<vmem_shared>>) dst(%dma_wait3A_71 : memref<400x128xf32, #tpu.memory_space<hbm>>)
          tpu.yield
        }) : () -> ()
      } else {
      }
    } else {
    }
    return
  }
}

#map = affine_map<(d0, d1) -> (0, 0)>
#map1 = affine_map<(d0, d1) -> (0)>
module attributes {stable_mosaic.version = 14 : i64} {
  func.func @scat_kernel(%arg0: i32, %arg1: i32, %arg2: memref<10000x128xf32, #tpu.memory_space<hbm>>, %arg3: memref<10000x128xf32, #tpu.memory_space<hbm>>, %arg4: memref<160000xi32, #tpu.memory_space<hbm>>, %arg5: memref<160000xi32, #tpu.memory_space<hbm>>, %arg6: memref<128x128xf32, #tpu.memory_space<hbm>>, %arg7: memref<10000x128xf32, #tpu.memory_space<hbm>>, %arg8: memref<10000x128xf32, #tpu.memory_space<hbm>>, %arg9: memref<10016x128xf32, #tpu.memory_space<vmem_shared>>, %arg10: memref<10000xi32, #tpu.memory_space<vmem>>, %arg11: memref<10000xi32, #tpu.memory_space<vmem>>, %arg12: memref<80xi32, #tpu.memory_space<vmem>>, %arg13: memref<80xi32, #tpu.memory_space<vmem>>, %arg14: memref<80x128xf32, #tpu.memory_space<vmem>>, %arg15: memref<80x128xf32, #tpu.memory_space<vmem>>, %arg16: memref<!tpu.dma_semaphore, #tpu.memory_space<semaphore_mem>>, %arg17: memref<!tpu.dma_semaphore, #tpu.memory_space<semaphore_mem>>) attributes {dimension_semantics = [#tpu.dimension_semantics<core_parallel>, #tpu.dimension_semantics<subcore_parallel>], iteration_bounds = array<i64: 2, 16>, scalar_prefetch = 0 : i64, scratch_operands = 9 : i64, tpu.core_type = #tpu.core_type<sc_vector_subcore>, window_params = [{transform_indices = #map}, {transform_indices = #map}, {transform_indices = #map1}, {transform_indices = #map1}, {transform_indices = #map}, {transform_indices = #map}, {transform_indices = #map}]} {
    "tpu.region"() ({
      %run_scoped3A = tpu.sem_alloc : memref<!tpu.dma_semaphore, #tpu.memory_space<semaphore_mem>>
      %dma_start3A = arith.constant 0 : i32
      %dma_start3A_19 = arith.constant 0 : i32
      %dma_start3A_20 = tpu.memref_slice %arg6[%dma_start3A, %dma_start3A_19] : memref<128x128xf32, #tpu.memory_space<hbm>> -> memref<80x128xf32, #tpu.memory_space<hbm>>
      %dma_start3A_21 = arith.constant 0 : i32
      %dma_start3A_22 = arith.constant 0 : i32
      %dma_start3A_23 = tpu.memref_slice %arg6[%dma_start3A_21, %dma_start3A_22] : memref<128x128xf32, #tpu.memory_space<hbm>> -> memref<80x128xf32, #tpu.memory_space<hbm>>
      tpu.enqueue_dma source(%dma_start3A_23 : memref<80x128xf32, #tpu.memory_space<hbm>>) target(%arg14 : memref<80x128xf32, #tpu.memory_space<vmem>>) target_semaphore(%run_scoped3A : memref<!tpu.dma_semaphore, #tpu.memory_space<semaphore_mem>>)
      %dma_wait3A = arith.constant 0 : i32
      %dma_wait3A_24 = arith.constant 0 : i32
      %dma_wait3A_25 = tpu.memref_slice %arg6[%dma_wait3A, %dma_wait3A_24] : memref<128x128xf32, #tpu.memory_space<hbm>> -> memref<80x128xf32, #tpu.memory_space<hbm>>
      %dma_wait3A_26 = arith.constant 0 : i32
      %dma_wait3A_27 = arith.constant 0 : i32
      %dma_wait3A_28 = tpu.memref_slice %arg6[%dma_wait3A_26, %dma_wait3A_27] : memref<128x128xf32, #tpu.memory_space<hbm>> -> memref<80x128xf32, #tpu.memory_space<hbm>>
      tpu.wait_dma2 semaphore(%run_scoped3A : memref<!tpu.dma_semaphore, #tpu.memory_space<semaphore_mem>>) src(%dma_wait3A_28 : memref<80x128xf32, #tpu.memory_space<hbm>>) dst(%arg14 : memref<80x128xf32, #tpu.memory_space<vmem>>)
      tpu.yield
    }) : () -> ()
    %mul3A = arith.constant 640 : i32
    %mul3A_0 = arith.muli %arg1, %mul3A : i32
    %multiple_of3A = tpu.assume_multiple %mul3A_0, 8 : i32
    %lt3A = arith.constant 15 : i32
    %lt3A_1 = arith.cmpi slt, %arg1, %lt3A : i32
    %convert_element_type3A = arith.extui %lt3A_1 : i1 to i32
    %cond3A = arith.constant 0 : i32
    %cond3A_2 = arith.cmpi ne, %convert_element_type3A, %cond3A : i32
    scf.if %cond3A_2 {
      %scan3A = arith.constant 0 : i32
      %scan3A_19 = arith.constant 8 : i32
      %scan3A_20 = arith.addi %scan3A, %scan3A_19 : i32
      %scan3A_21 = arith.constant 1 : i32
      scf.for %scan3A_23 = %scan3A to %scan3A_20 step %scan3A_21  : i32 {
        %mul3A_24 = arith.constant 80 : i32
        %mul3A_25 = arith.muli %scan3A_23, %mul3A_24 : i32
        %add3A = arith.constant 0 : i32
        %add3A_26 = arith.addi %add3A, %mul3A_25 : i32
        %add3A_27 = arith.addi %multiple_of3A, %add3A_26 : i32
        %multiple_of3A_28 = tpu.assume_multiple %add3A_27, 8 : i32
        "tpu.region"() ({
          %run_scoped3A = tpu.sem_alloc : memref<!tpu.dma_semaphore, #tpu.memory_space<semaphore_mem>>
          %dma_start3A = arith.constant 0 : i32
          %dma_start3A_29 = tpu.memref_slice %arg9[%multiple_of3A_28, %dma_start3A] : memref<10016x128xf32, #tpu.memory_space<vmem_shared>> -> memref<80x128xf32, #tpu.memory_space<vmem_shared>>
          %dma_start3A_30 = arith.constant 0 : i32
          %dma_start3A_31 = tpu.memref_slice %arg9[%multiple_of3A_28, %dma_start3A_30] : memref<10016x128xf32, #tpu.memory_space<vmem_shared>> -> memref<80x128xf32, #tpu.memory_space<vmem_shared>>
          tpu.enqueue_dma source(%arg14 : memref<80x128xf32, #tpu.memory_space<vmem>>) target(%dma_start3A_31 : memref<80x128xf32, #tpu.memory_space<vmem_shared>>) target_semaphore(%run_scoped3A : memref<!tpu.dma_semaphore, #tpu.memory_space<semaphore_mem>>)
          %dma_wait3A = arith.constant 0 : i32
          %dma_wait3A_32 = tpu.memref_slice %arg9[%multiple_of3A_28, %dma_wait3A] : memref<10016x128xf32, #tpu.memory_space<vmem_shared>> -> memref<80x128xf32, #tpu.memory_space<vmem_shared>>
          %dma_wait3A_33 = arith.constant 0 : i32
          %dma_wait3A_34 = tpu.memref_slice %arg9[%multiple_of3A_28, %dma_wait3A_33] : memref<10016x128xf32, #tpu.memory_space<vmem_shared>> -> memref<80x128xf32, #tpu.memory_space<vmem_shared>>
          tpu.wait_dma2 semaphore(%run_scoped3A : memref<!tpu.dma_semaphore, #tpu.memory_space<semaphore_mem>>) src(%arg14 : memref<80x128xf32, #tpu.memory_space<vmem>>) dst(%dma_wait3A_34 : memref<80x128xf32, #tpu.memory_space<vmem_shared>>)
          tpu.yield
        }) : () -> ()
      }
      %scan3A_22 = arith.constant 8 : i32
    } else {
    }
    %eq3A = arith.constant 15 : i32
    %eq3A_3 = arith.cmpi eq, %arg1, %eq3A : i32
    %convert_element_type3A_4 = arith.extui %eq3A_3 : i1 to i32
    %cond3A_5 = arith.constant 0 : i32
    %cond3A_6 = arith.cmpi ne, %convert_element_type3A_4, %cond3A_5 : i32
    scf.if %cond3A_6 {
      %scan3A = arith.constant 0 : i32
      %scan3A_19 = arith.constant 5 : i32
      %scan3A_20 = arith.addi %scan3A, %scan3A_19 : i32
      %scan3A_21 = arith.constant 1 : i32
      scf.for %scan3A_23 = %scan3A to %scan3A_20 step %scan3A_21  : i32 {
        %mul3A_24 = arith.constant 80 : i32
        %mul3A_25 = arith.muli %scan3A_23, %mul3A_24 : i32
        %add3A = arith.constant 0 : i32
        %add3A_26 = arith.addi %add3A, %mul3A_25 : i32
        %add3A_27 = arith.addi %multiple_of3A, %add3A_26 : i32
        %multiple_of3A_28 = tpu.assume_multiple %add3A_27, 8 : i32
        "tpu.region"() ({
          %run_scoped3A = tpu.sem_alloc : memref<!tpu.dma_semaphore, #tpu.memory_space<semaphore_mem>>
          %dma_start3A = arith.constant 0 : i32
          %dma_start3A_29 = tpu.memref_slice %arg9[%multiple_of3A_28, %dma_start3A] : memref<10016x128xf32, #tpu.memory_space<vmem_shared>> -> memref<80x128xf32, #tpu.memory_space<vmem_shared>>
          %dma_start3A_30 = arith.constant 0 : i32
          %dma_start3A_31 = tpu.memref_slice %arg9[%multiple_of3A_28, %dma_start3A_30] : memref<10016x128xf32, #tpu.memory_space<vmem_shared>> -> memref<80x128xf32, #tpu.memory_space<vmem_shared>>
          tpu.enqueue_dma source(%arg14 : memref<80x128xf32, #tpu.memory_space<vmem>>) target(%dma_start3A_31 : memref<80x128xf32, #tpu.memory_space<vmem_shared>>) target_semaphore(%run_scoped3A : memref<!tpu.dma_semaphore, #tpu.memory_space<semaphore_mem>>)
          %dma_wait3A = arith.constant 0 : i32
          %dma_wait3A_32 = tpu.memref_slice %arg9[%multiple_of3A_28, %dma_wait3A] : memref<10016x128xf32, #tpu.memory_space<vmem_shared>> -> memref<80x128xf32, #tpu.memory_space<vmem_shared>>
          %dma_wait3A_33 = arith.constant 0 : i32
          %dma_wait3A_34 = tpu.memref_slice %arg9[%multiple_of3A_28, %dma_wait3A_33] : memref<10016x128xf32, #tpu.memory_space<vmem_shared>> -> memref<80x128xf32, #tpu.memory_space<vmem_shared>>
          tpu.wait_dma2 semaphore(%run_scoped3A : memref<!tpu.dma_semaphore, #tpu.memory_space<semaphore_mem>>) src(%arg14 : memref<80x128xf32, #tpu.memory_space<vmem>>) dst(%dma_wait3A_34 : memref<80x128xf32, #tpu.memory_space<vmem_shared>>)
          tpu.yield
        }) : () -> ()
      }
      %scan3A_22 = arith.constant 5 : i32
    } else {
    }
    %mul3A_7 = arith.constant 10000 : i32
    %mul3A_8 = arith.muli %arg1, %mul3A_7 : i32
    "tpu.region"() ({
      %run_scoped3A = tpu.sem_alloc : memref<!tpu.dma_semaphore, #tpu.memory_space<semaphore_mem>>
      %dma_start3A = tpu.memref_slice %arg4[%mul3A_8] : memref<160000xi32, #tpu.memory_space<hbm>> -> memref<10000xi32, #tpu.memory_space<hbm>>
      %dma_start3A_19 = tpu.memref_slice %arg4[%mul3A_8] : memref<160000xi32, #tpu.memory_space<hbm>> -> memref<10000xi32, #tpu.memory_space<hbm>>
      tpu.enqueue_dma source(%dma_start3A_19 : memref<10000xi32, #tpu.memory_space<hbm>>) target(%arg10 : memref<10000xi32, #tpu.memory_space<vmem>>) target_semaphore(%run_scoped3A : memref<!tpu.dma_semaphore, #tpu.memory_space<semaphore_mem>>)
      %dma_wait3A = tpu.memref_slice %arg4[%mul3A_8] : memref<160000xi32, #tpu.memory_space<hbm>> -> memref<10000xi32, #tpu.memory_space<hbm>>
      %dma_wait3A_20 = tpu.memref_slice %arg4[%mul3A_8] : memref<160000xi32, #tpu.memory_space<hbm>> -> memref<10000xi32, #tpu.memory_space<hbm>>
      tpu.wait_dma2 semaphore(%run_scoped3A : memref<!tpu.dma_semaphore, #tpu.memory_space<semaphore_mem>>) src(%dma_wait3A_20 : memref<10000xi32, #tpu.memory_space<hbm>>) dst(%arg10 : memref<10000xi32, #tpu.memory_space<vmem>>)
      tpu.yield
    }) : () -> ()
    "tpu.region"() ({
      %run_scoped3A = tpu.sem_alloc : memref<!tpu.dma_semaphore, #tpu.memory_space<semaphore_mem>>
      %dma_start3A = tpu.memref_slice %arg5[%mul3A_8] : memref<160000xi32, #tpu.memory_space<hbm>> -> memref<10000xi32, #tpu.memory_space<hbm>>
      %dma_start3A_19 = tpu.memref_slice %arg5[%mul3A_8] : memref<160000xi32, #tpu.memory_space<hbm>> -> memref<10000xi32, #tpu.memory_space<hbm>>
      tpu.enqueue_dma source(%dma_start3A_19 : memref<10000xi32, #tpu.memory_space<hbm>>) target(%arg11 : memref<10000xi32, #tpu.memory_space<vmem>>) target_semaphore(%run_scoped3A : memref<!tpu.dma_semaphore, #tpu.memory_space<semaphore_mem>>)
      %dma_wait3A = tpu.memref_slice %arg5[%mul3A_8] : memref<160000xi32, #tpu.memory_space<hbm>> -> memref<10000xi32, #tpu.memory_space<hbm>>
      %dma_wait3A_20 = tpu.memref_slice %arg5[%mul3A_8] : memref<160000xi32, #tpu.memory_space<hbm>> -> memref<10000xi32, #tpu.memory_space<hbm>>
      tpu.wait_dma2 semaphore(%run_scoped3A : memref<!tpu.dma_semaphore, #tpu.memory_space<semaphore_mem>>) src(%dma_wait3A_20 : memref<10000xi32, #tpu.memory_space<hbm>>) dst(%arg11 : memref<10000xi32, #tpu.memory_space<vmem>>)
      tpu.yield
    }) : () -> ()
    %barrier3A = arith.constant 0 : index
    tpu.barrier barrier_id(%barrier3A)
    %eq3A_9 = arith.constant 0 : i32
    %eq3A_10 = arith.cmpi eq, %arg0, %eq3A_9 : i32
    %convert_element_type3A_11 = arith.extui %eq3A_10 : i1 to i32
    %cond3A_12 = arith.constant 0 : i32
    %cond3A_13 = arith.cmpi ne, %convert_element_type3A_11, %cond3A_12 : i32
    scf.if %cond3A_13 {
      %dma_start3A = arith.constant 0 : i32
      %dma_start3A_19 = tpu.memref_slice %arg10[%dma_start3A] : memref<10000xi32, #tpu.memory_space<vmem>> -> memref<80xi32, #tpu.memory_space<vmem>>
      %dma_start3A_20 = arith.constant 0 : i32
      %dma_start3A_21 = arith.constant 0 : i32
      %dma_start3A_22 = tpu.memref_slice %arg2[%dma_start3A_20, %dma_start3A_21] : memref<10000x128xf32, #tpu.memory_space<hbm>> -> memref<10000x128xf32, #tpu.memory_space<hbm>>
      tpu.enqueue_indirect_dma source(%dma_start3A_22 : memref<10000x128xf32, #tpu.memory_space<hbm>>) target(%arg14 : memref<80x128xf32, #tpu.memory_space<vmem>>) offsets(%dma_start3A_19 : memref<80xi32, #tpu.memory_space<vmem>>) semaphore(%arg16 : memref<!tpu.dma_semaphore, #tpu.memory_space<semaphore_mem>>)
      %dma_start3A_23 = arith.constant 80 : i32
      %dma_start3A_24 = tpu.memref_slice %arg10[%dma_start3A_23] : memref<10000xi32, #tpu.memory_space<vmem>> -> memref<80xi32, #tpu.memory_space<vmem>>
      %dma_start3A_25 = arith.constant 0 : i32
      %dma_start3A_26 = arith.constant 0 : i32
      %dma_start3A_27 = tpu.memref_slice %arg2[%dma_start3A_25, %dma_start3A_26] : memref<10000x128xf32, #tpu.memory_space<hbm>> -> memref<10000x128xf32, #tpu.memory_space<hbm>>
      tpu.enqueue_indirect_dma source(%dma_start3A_27 : memref<10000x128xf32, #tpu.memory_space<hbm>>) target(%arg15 : memref<80x128xf32, #tpu.memory_space<vmem>>) offsets(%dma_start3A_24 : memref<80xi32, #tpu.memory_space<vmem>>) semaphore(%arg17 : memref<!tpu.dma_semaphore, #tpu.memory_space<semaphore_mem>>)
      %scan3A = arith.constant 0 : i32
      %scan3A_28 = arith.constant 62 : i32
      %scan3A_29 = arith.addi %scan3A, %scan3A_28 : i32
      %scan3A_30 = arith.constant 1 : i32
      scf.for %scan3A_55 = %scan3A to %scan3A_29 step %scan3A_30  : i32 {
        %mul3A_56 = arith.constant 2 : i32
        %mul3A_57 = arith.muli %scan3A_55, %mul3A_56 : i32
        %add3A = arith.constant 0 : i32
        %add3A_58 = arith.addi %add3A, %mul3A_57 : i32
        %add3A_59 = arith.constant 0 : i32
        %add3A_60 = arith.addi %add3A_58, %add3A_59 : i32
        %scan3A_61 = arith.constant 0 : i32
        %scan3A_62 = arith.constant 5 : i32
        %scan3A_63 = arith.addi %scan3A_61, %scan3A_62 : i32
        %scan3A_64 = arith.constant 1 : i32
        scf.for %scan3A_99 = %scan3A_61 to %scan3A_63 step %scan3A_64  : i32 {
          %mul3A_100 = arith.constant 16 : i32
          %mul3A_101 = arith.muli %scan3A_99, %mul3A_100 : i32
          %add3A_102 = arith.constant 0 : i32
          %add3A_103 = arith.addi %add3A_102, %mul3A_101 : i32
          %mul3A_104 = arith.constant 80 : i32
          %mul3A_105 = arith.muli %add3A_60, %mul3A_104 : i32
          %add3A_106 = arith.addi %mul3A_105, %add3A_103 : i32
          %get3A = arith.index_cast %add3A_106 : i32 to index
          %get3A_107 = tpu.vector_load %arg11[%get3A] {strides = array<i32>} : memref<10000xi32, #tpu.memory_space<vmem>>, vector<16xi32>,
          %get3A_108 = vector.shape_cast %get3A_107 : vector<16xi32> to vector<16xi32>
          %swap3A = arith.index_cast %add3A_103 : i32 to index
          %swap3A_109 = tpu.vector_load %arg12[%swap3A] {strides = array<i32>} : memref<80xi32, #tpu.memory_space<vmem>>, vector<16xi32>,
          %swap3A_110 = vector.shape_cast %swap3A_109 : vector<16xi32> to vector<16xi32>
          %swap3A_111 = vector.shape_cast %get3A_108 : vector<16xi32> to vector<16xi32>
          tpu.vector_store %arg12[%swap3A], %swap3A_111 {strides = array<i32>} : memref<80xi32, #tpu.memory_space<vmem>>, vector<16xi32>,
        }
        %scan3A_65 = arith.constant 5 : i32
        %mul3A_66 = arith.constant 80 : i32
        %mul3A_67 = arith.muli %add3A_60, %mul3A_66 : i32
        %dma_wait3A_68 = tpu.memref_slice %arg10[%mul3A_67] : memref<10000xi32, #tpu.memory_space<vmem>> -> memref<80xi32, #tpu.memory_space<vmem>>
        %dma_wait3A_69 = arith.constant 0 : i32
        %dma_wait3A_70 = arith.constant 0 : i32
        %dma_wait3A_71 = tpu.memref_slice %arg2[%dma_wait3A_69, %dma_wait3A_70] : memref<10000x128xf32, #tpu.memory_space<hbm>> -> memref<10000x128xf32, #tpu.memory_space<hbm>>
        tpu.wait_indirect_dma semaphore(%arg16 : memref<!tpu.dma_semaphore, #tpu.memory_space<semaphore_mem>>) src(%dma_wait3A_71 : memref<10000x128xf32, #tpu.memory_space<hbm>>) dst(%arg14 : memref<80x128xf32, #tpu.memory_space<vmem>>)
        "tpu.region"() ({
          %run_scoped3A = tpu.sem_alloc : memref<!tpu.dma_semaphore, #tpu.memory_space<semaphore_mem>>
          %dma_start3A_99 = arith.constant 0 : i32
          %dma_start3A_100 = arith.constant 0 : i32
          %dma_start3A_101 = tpu.memref_slice %arg9[%dma_start3A_99, %dma_start3A_100] : memref<10016x128xf32, #tpu.memory_space<vmem_shared>> -> memref<10016x128xf32, #tpu.memory_space<vmem_shared>>
          tpu.enqueue_indirect_dma source(%arg14 : memref<80x128xf32, #tpu.memory_space<vmem>>) target(%dma_start3A_101 : memref<10016x128xf32, #tpu.memory_space<vmem_shared>>) offsets(%arg12 : memref<80xi32, #tpu.memory_space<vmem>>) semaphore(%run_scoped3A : memref<!tpu.dma_semaphore, #tpu.memory_space<semaphore_mem>>) {add = true}
          %dma_wait3A_102 = arith.constant 0 : i32
          %dma_wait3A_103 = arith.constant 0 : i32
          %dma_wait3A_104 = tpu.memref_slice %arg9[%dma_wait3A_102, %dma_wait3A_103] : memref<10016x128xf32, #tpu.memory_space<vmem_shared>> -> memref<10016x128xf32, #tpu.memory_space<vmem_shared>>
          tpu.wait_indirect_dma semaphore(%run_scoped3A : memref<!tpu.dma_semaphore, #tpu.memory_space<semaphore_mem>>) src(%arg14 : memref<80x128xf32, #tpu.memory_space<vmem>>) dst(%dma_wait3A_104 : memref<10016x128xf32, #tpu.memory_space<vmem_shared>>)
          tpu.yield
        }) : () -> ()
        %add3A_72 = arith.constant 2 : i32
        %add3A_73 = arith.addi %add3A_60, %add3A_72 : i32
        %lt3A_74 = arith.constant 125 : i32
        %lt3A_75 = arith.cmpi slt, %add3A_73, %lt3A_74 : i32
        %convert_element_type3A_76 = arith.extui %lt3A_75 : i1 to i32
        %cond3A_77 = arith.constant 0 : i32
        %cond3A_78 = arith.cmpi ne, %convert_element_type3A_76, %cond3A_77 : i32
        scf.if %cond3A_78 {
          %add3A_99 = arith.constant 2 : i32
          %add3A_100 = arith.addi %add3A_60, %add3A_99 : i32
          %mul3A_101 = arith.constant 80 : i32
          %mul3A_102 = arith.muli %add3A_100, %mul3A_101 : i32
          %dma_start3A_103 = tpu.memref_slice %arg10[%mul3A_102] : memref<10000xi32, #tpu.memory_space<vmem>> -> memref<80xi32, #tpu.memory_space<vmem>>
          %dma_start3A_104 = arith.constant 0 : i32
          %dma_start3A_105 = arith.constant 0 : i32
          %dma_start3A_106 = tpu.memref_slice %arg2[%dma_start3A_104, %dma_start3A_105] : memref<10000x128xf32, #tpu.memory_space<hbm>> -> memref<10000x128xf32, #tpu.memory_space<hbm>>
          tpu.enqueue_indirect_dma source(%dma_start3A_106 : memref<10000x128xf32, #tpu.memory_space<hbm>>) target(%arg14 : memref<80x128xf32, #tpu.memory_space<vmem>>) offsets(%dma_start3A_103 : memref<80xi32, #tpu.memory_space<vmem>>) semaphore(%arg16 : memref<!tpu.dma_semaphore, #tpu.memory_space<semaphore_mem>>)
        } else {
        }
        %add3A_79 = arith.constant 1 : i32
        %add3A_80 = arith.addi %add3A_58, %add3A_79 : i32
        %scan3A_81 = arith.constant 0 : i32
        %scan3A_82 = arith.constant 5 : i32
        %scan3A_83 = arith.addi %scan3A_81, %scan3A_82 : i32
        %scan3A_84 = arith.constant 1 : i32
        scf.for %scan3A_99 = %scan3A_81 to %scan3A_83 step %scan3A_84  : i32 {
          %mul3A_100 = arith.constant 16 : i32
          %mul3A_101 = arith.muli %scan3A_99, %mul3A_100 : i32
          %add3A_102 = arith.constant 0 : i32
          %add3A_103 = arith.addi %add3A_102, %mul3A_101 : i32
          %mul3A_104 = arith.constant 80 : i32
          %mul3A_105 = arith.muli %add3A_80, %mul3A_104 : i32
          %add3A_106 = arith.addi %mul3A_105, %add3A_103 : i32
          %get3A = arith.index_cast %add3A_106 : i32 to index
          %get3A_107 = tpu.vector_load %arg11[%get3A] {strides = array<i32>} : memref<10000xi32, #tpu.memory_space<vmem>>, vector<16xi32>,
          %get3A_108 = vector.shape_cast %get3A_107 : vector<16xi32> to vector<16xi32>
          %swap3A = arith.index_cast %add3A_103 : i32 to index
          %swap3A_109 = tpu.vector_load %arg13[%swap3A] {strides = array<i32>} : memref<80xi32, #tpu.memory_space<vmem>>, vector<16xi32>,
          %swap3A_110 = vector.shape_cast %swap3A_109 : vector<16xi32> to vector<16xi32>
          %swap3A_111 = vector.shape_cast %get3A_108 : vector<16xi32> to vector<16xi32>
          tpu.vector_store %arg13[%swap3A], %swap3A_111 {strides = array<i32>} : memref<80xi32, #tpu.memory_space<vmem>>, vector<16xi32>,
        }
        %scan3A_85 = arith.constant 5 : i32
        %mul3A_86 = arith.constant 80 : i32
        %mul3A_87 = arith.muli %add3A_80, %mul3A_86 : i32
        %dma_wait3A_88 = tpu.memref_slice %arg10[%mul3A_87] : memref<10000xi32, #tpu.memory_space<vmem>> -> memref<80xi32, #tpu.memory_space<vmem>>
        %dma_wait3A_89 = arith.constant 0 : i32
        %dma_wait3A_90 = arith.constant 0 : i32
        %dma_wait3A_91 = tpu.memref_slice %arg2[%dma_wait3A_89, %dma_wait3A_90] : memref<10000x128xf32, #tpu.memory_space<hbm>> -> memref<10000x128xf32, #tpu.memory_space<hbm>>
        tpu.wait_indirect_dma semaphore(%arg17 : memref<!tpu.dma_semaphore, #tpu.memory_space<semaphore_mem>>) src(%dma_wait3A_91 : memref<10000x128xf32, #tpu.memory_space<hbm>>) dst(%arg15 : memref<80x128xf32, #tpu.memory_space<vmem>>)
        "tpu.region"() ({
          %run_scoped3A = tpu.sem_alloc : memref<!tpu.dma_semaphore, #tpu.memory_space<semaphore_mem>>
          %dma_start3A_99 = arith.constant 0 : i32
          %dma_start3A_100 = arith.constant 0 : i32
          %dma_start3A_101 = tpu.memref_slice %arg9[%dma_start3A_99, %dma_start3A_100] : memref<10016x128xf32, #tpu.memory_space<vmem_shared>> -> memref<10016x128xf32, #tpu.memory_space<vmem_shared>>
          tpu.enqueue_indirect_dma source(%arg15 : memref<80x128xf32, #tpu.memory_space<vmem>>) target(%dma_start3A_101 : memref<10016x128xf32, #tpu.memory_space<vmem_shared>>) offsets(%arg13 : memref<80xi32, #tpu.memory_space<vmem>>) semaphore(%run_scoped3A : memref<!tpu.dma_semaphore, #tpu.memory_space<semaphore_mem>>) {add = true}
          %dma_wait3A_102 = arith.constant 0 : i32
          %dma_wait3A_103 = arith.constant 0 : i32
          %dma_wait3A_104 = tpu.memref_slice %arg9[%dma_wait3A_102, %dma_wait3A_103] : memref<10016x128xf32, #tpu.memory_space<vmem_shared>> -> memref<10016x128xf32, #tpu.memory_space<vmem_shared>>
          tpu.wait_indirect_dma semaphore(%run_scoped3A : memref<!tpu.dma_semaphore, #tpu.memory_space<semaphore_mem>>) src(%arg15 : memref<80x128xf32, #tpu.memory_space<vmem>>) dst(%dma_wait3A_104 : memref<10016x128xf32, #tpu.memory_space<vmem_shared>>)
          tpu.yield
        }) : () -> ()
        %add3A_92 = arith.constant 2 : i32
        %add3A_93 = arith.addi %add3A_80, %add3A_92 : i32
        %lt3A_94 = arith.constant 125 : i32
        %lt3A_95 = arith.cmpi slt, %add3A_93, %lt3A_94 : i32
        %convert_element_type3A_96 = arith.extui %lt3A_95 : i1 to i32
        %cond3A_97 = arith.constant 0 : i32
        %cond3A_98 = arith.cmpi ne, %convert_element_type3A_96, %cond3A_97 : i32
        scf.if %cond3A_98 {
          %add3A_99 = arith.constant 2 : i32
          %add3A_100 = arith.addi %add3A_80, %add3A_99 : i32
          %mul3A_101 = arith.constant 80 : i32
          %mul3A_102 = arith.muli %add3A_100, %mul3A_101 : i32
          %dma_start3A_103 = tpu.memref_slice %arg10[%mul3A_102] : memref<10000xi32, #tpu.memory_space<vmem>> -> memref<80xi32, #tpu.memory_space<vmem>>
          %dma_start3A_104 = arith.constant 0 : i32
          %dma_start3A_105 = arith.constant 0 : i32
          %dma_start3A_106 = tpu.memref_slice %arg2[%dma_start3A_104, %dma_start3A_105] : memref<10000x128xf32, #tpu.memory_space<hbm>> -> memref<10000x128xf32, #tpu.memory_space<hbm>>
          tpu.enqueue_indirect_dma source(%dma_start3A_106 : memref<10000x128xf32, #tpu.memory_space<hbm>>) target(%arg15 : memref<80x128xf32, #tpu.memory_space<vmem>>) offsets(%dma_start3A_103 : memref<80xi32, #tpu.memory_space<vmem>>) semaphore(%arg17 : memref<!tpu.dma_semaphore, #tpu.memory_space<semaphore_mem>>)
        } else {
        }
      }
      %scan3A_31 = arith.constant 62 : i32
      %scan3A_32 = arith.constant 0 : i32
      %scan3A_33 = arith.constant 5 : i32
      %scan3A_34 = arith.addi %scan3A_32, %scan3A_33 : i32
      %scan3A_35 = arith.constant 1 : i32
      scf.for %scan3A_55 = %scan3A_32 to %scan3A_34 step %scan3A_35  : i32 {
        %mul3A_56 = arith.constant 16 : i32
        %mul3A_57 = arith.muli %scan3A_55, %mul3A_56 : i32
        %add3A = arith.constant 0 : i32
        %add3A_58 = arith.addi %add3A, %mul3A_57 : i32
        %add3A_59 = arith.constant 9920 : i32
        %add3A_60 = arith.addi %add3A_59, %add3A_58 : i32
        %get3A = arith.index_cast %add3A_60 : i32 to index
        %get3A_61 = tpu.vector_load %arg11[%get3A] {strides = array<i32>} : memref<10000xi32, #tpu.memory_space<vmem>>, vector<16xi32>,
        %get3A_62 = vector.shape_cast %get3A_61 : vector<16xi32> to vector<16xi32>
        %swap3A = arith.index_cast %add3A_58 : i32 to index
        %swap3A_63 = tpu.vector_load %arg12[%swap3A] {strides = array<i32>} : memref<80xi32, #tpu.memory_space<vmem>>, vector<16xi32>,
        %swap3A_64 = vector.shape_cast %swap3A_63 : vector<16xi32> to vector<16xi32>
        %swap3A_65 = vector.shape_cast %get3A_62 : vector<16xi32> to vector<16xi32>
        tpu.vector_store %arg12[%swap3A], %swap3A_65 {strides = array<i32>} : memref<80xi32, #tpu.memory_space<vmem>>, vector<16xi32>,
      }
      %scan3A_36 = arith.constant 5 : i32
      %dma_wait3A = arith.constant 9920 : i32
      %dma_wait3A_37 = tpu.memref_slice %arg10[%dma_wait3A] : memref<10000xi32, #tpu.memory_space<vmem>> -> memref<80xi32, #tpu.memory_space<vmem>>
      %dma_wait3A_38 = arith.constant 0 : i32
      %dma_wait3A_39 = arith.constant 0 : i32
      %dma_wait3A_40 = tpu.memref_slice %arg2[%dma_wait3A_38, %dma_wait3A_39] : memref<10000x128xf32, #tpu.memory_space<hbm>> -> memref<10000x128xf32, #tpu.memory_space<hbm>>
      tpu.wait_indirect_dma semaphore(%arg16 : memref<!tpu.dma_semaphore, #tpu.memory_space<semaphore_mem>>) src(%dma_wait3A_40 : memref<10000x128xf32, #tpu.memory_space<hbm>>) dst(%arg14 : memref<80x128xf32, #tpu.memory_space<vmem>>)
      "tpu.region"() ({
        %run_scoped3A = tpu.sem_alloc : memref<!tpu.dma_semaphore, #tpu.memory_space<semaphore_mem>>
        %dma_start3A_55 = arith.constant 0 : i32
        %dma_start3A_56 = arith.constant 0 : i32
        %dma_start3A_57 = tpu.memref_slice %arg9[%dma_start3A_55, %dma_start3A_56] : memref<10016x128xf32, #tpu.memory_space<vmem_shared>> -> memref<10016x128xf32, #tpu.memory_space<vmem_shared>>
        tpu.enqueue_indirect_dma source(%arg14 : memref<80x128xf32, #tpu.memory_space<vmem>>) target(%dma_start3A_57 : memref<10016x128xf32, #tpu.memory_space<vmem_shared>>) offsets(%arg12 : memref<80xi32, #tpu.memory_space<vmem>>) semaphore(%run_scoped3A : memref<!tpu.dma_semaphore, #tpu.memory_space<semaphore_mem>>) {add = true}
        %dma_wait3A_58 = arith.constant 0 : i32
        %dma_wait3A_59 = arith.constant 0 : i32
        %dma_wait3A_60 = tpu.memref_slice %arg9[%dma_wait3A_58, %dma_wait3A_59] : memref<10016x128xf32, #tpu.memory_space<vmem_shared>> -> memref<10016x128xf32, #tpu.memory_space<vmem_shared>>
        tpu.wait_indirect_dma semaphore(%run_scoped3A : memref<!tpu.dma_semaphore, #tpu.memory_space<semaphore_mem>>) src(%arg14 : memref<80x128xf32, #tpu.memory_space<vmem>>) dst(%dma_wait3A_60 : memref<10016x128xf32, #tpu.memory_space<vmem_shared>>)
        tpu.yield
      }) : () -> ()
      %barrier3A_41 = arith.constant 0 : index
      tpu.barrier barrier_id(%barrier3A_41)
      %mul3A_42 = arith.constant 640 : i32
      %mul3A_43 = arith.muli %arg1, %mul3A_42 : i32
      %multiple_of3A_44 = tpu.assume_multiple %mul3A_43, 8 : i32
      %lt3A_45 = arith.constant 15 : i32
      %lt3A_46 = arith.cmpi slt, %arg1, %lt3A_45 : i32
      %convert_element_type3A_47 = arith.extui %lt3A_46 : i1 to i32
      %cond3A_48 = arith.constant 0 : i32
      %cond3A_49 = arith.cmpi ne, %convert_element_type3A_47, %cond3A_48 : i32
      scf.if %cond3A_49 {
        "tpu.region"() ({
          %run_scoped3A = tpu.sem_alloc : memref<!tpu.dma_semaphore, #tpu.memory_space<semaphore_mem>>
          %dma_start3A_55 = arith.constant 0 : i32
          %dma_start3A_56 = tpu.memref_slice %arg7[%multiple_of3A_44, %dma_start3A_55] : memref<10000x128xf32, #tpu.memory_space<hbm>> -> memref<640x128xf32, #tpu.memory_space<hbm>>
          %dma_start3A_57 = arith.constant 0 : i32
          %dma_start3A_58 = tpu.memref_slice %arg9[%multiple_of3A_44, %dma_start3A_57] : memref<10016x128xf32, #tpu.memory_space<vmem_shared>> -> memref<640x128xf32, #tpu.memory_space<vmem_shared>>
          tpu.enqueue_dma source(%dma_start3A_58 : memref<640x128xf32, #tpu.memory_space<vmem_shared>>) target(%dma_start3A_56 : memref<640x128xf32, #tpu.memory_space<hbm>>) target_semaphore(%run_scoped3A : memref<!tpu.dma_semaphore, #tpu.memory_space<semaphore_mem>>)
          %dma_wait3A_59 = arith.constant 0 : i32
          %dma_wait3A_60 = tpu.memref_slice %arg7[%multiple_of3A_44, %dma_wait3A_59] : memref<10000x128xf32, #tpu.memory_space<hbm>> -> memref<640x128xf32, #tpu.memory_space<hbm>>
          %dma_wait3A_61 = arith.constant 0 : i32
          %dma_wait3A_62 = tpu.memref_slice %arg9[%multiple_of3A_44, %dma_wait3A_61] : memref<10016x128xf32, #tpu.memory_space<vmem_shared>> -> memref<640x128xf32, #tpu.memory_space<vmem_shared>>
          tpu.wait_dma2 semaphore(%run_scoped3A : memref<!tpu.dma_semaphore, #tpu.memory_space<semaphore_mem>>) src(%dma_wait3A_62 : memref<640x128xf32, #tpu.memory_space<vmem_shared>>) dst(%dma_wait3A_60 : memref<640x128xf32, #tpu.memory_space<hbm>>)
          tpu.yield
        }) : () -> ()
      } else {
      }
      %eq3A_50 = arith.constant 15 : i32
      %eq3A_51 = arith.cmpi eq, %arg1, %eq3A_50 : i32
      %convert_element_type3A_52 = arith.extui %eq3A_51 : i1 to i32
      %cond3A_53 = arith.constant 0 : i32
      %cond3A_54 = arith.cmpi ne, %convert_element_type3A_52, %cond3A_53 : i32
      scf.if %cond3A_54 {
        "tpu.region"() ({
          %run_scoped3A = tpu.sem_alloc : memref<!tpu.dma_semaphore, #tpu.memory_space<semaphore_mem>>
          %dma_start3A_55 = arith.constant 0 : i32
          %dma_start3A_56 = tpu.memref_slice %arg7[%multiple_of3A_44, %dma_start3A_55] : memref<10000x128xf32, #tpu.memory_space<hbm>> -> memref<400x128xf32, #tpu.memory_space<hbm>>
          %dma_start3A_57 = arith.constant 0 : i32
          %dma_start3A_58 = tpu.memref_slice %arg9[%multiple_of3A_44, %dma_start3A_57] : memref<10016x128xf32, #tpu.memory_space<vmem_shared>> -> memref<400x128xf32, #tpu.memory_space<vmem_shared>>
          tpu.enqueue_dma source(%dma_start3A_58 : memref<400x128xf32, #tpu.memory_space<vmem_shared>>) target(%dma_start3A_56 : memref<400x128xf32, #tpu.memory_space<hbm>>) target_semaphore(%run_scoped3A : memref<!tpu.dma_semaphore, #tpu.memory_space<semaphore_mem>>)
          %dma_wait3A_59 = arith.constant 0 : i32
          %dma_wait3A_60 = tpu.memref_slice %arg7[%multiple_of3A_44, %dma_wait3A_59] : memref<10000x128xf32, #tpu.memory_space<hbm>> -> memref<400x128xf32, #tpu.memory_space<hbm>>
          %dma_wait3A_61 = arith.constant 0 : i32
          %dma_wait3A_62 = tpu.memref_slice %arg9[%multiple_of3A_44, %dma_wait3A_61] : memref<10016x128xf32, #tpu.memory_space<vmem_shared>> -> memref<400x128xf32, #tpu.memory_space<vmem_shared>>
          tpu.wait_dma2 semaphore(%run_scoped3A : memref<!tpu.dma_semaphore, #tpu.memory_space<semaphore_mem>>) src(%dma_wait3A_62 : memref<400x128xf32, #tpu.memory_space<vmem_shared>>) dst(%dma_wait3A_60 : memref<400x128xf32, #tpu.memory_space<hbm>>)
          tpu.yield
        }) : () -> ()
      } else {
      }
    } else {
    }
    %eq3A_14 = arith.constant 1 : i32
    %eq3A_15 = arith.cmpi eq, %arg0, %eq3A_14 : i32
    %convert_element_type3A_16 = arith.extui %eq3A_15 : i1 to i32
    %cond3A_17 = arith.constant 0 : i32
    %cond3A_18 = arith.cmpi ne, %convert_element_type3A_16, %cond3A_17 : i32
    scf.if %cond3A_18 {
      %dma_start3A = arith.constant 0 : i32
      %dma_start3A_19 = tpu.memref_slice %arg10[%dma_start3A] : memref<10000xi32, #tpu.memory_space<vmem>> -> memref<80xi32, #tpu.memory_space<vmem>>
      %dma_start3A_20 = arith.constant 0 : i32
      %dma_start3A_21 = arith.constant 0 : i32
      %dma_start3A_22 = tpu.memref_slice %arg3[%dma_start3A_20, %dma_start3A_21] : memref<10000x128xf32, #tpu.memory_space<hbm>> -> memref<10000x128xf32, #tpu.memory_space<hbm>>
      tpu.enqueue_indirect_dma source(%dma_start3A_22 : memref<10000x128xf32, #tpu.memory_space<hbm>>) target(%arg14 : memref<80x128xf32, #tpu.memory_space<vmem>>) offsets(%dma_start3A_19 : memref<80xi32, #tpu.memory_space<vmem>>) semaphore(%arg16 : memref<!tpu.dma_semaphore, #tpu.memory_space<semaphore_mem>>)
      %dma_start3A_23 = arith.constant 80 : i32
      %dma_start3A_24 = tpu.memref_slice %arg10[%dma_start3A_23] : memref<10000xi32, #tpu.memory_space<vmem>> -> memref<80xi32, #tpu.memory_space<vmem>>
      %dma_start3A_25 = arith.constant 0 : i32
      %dma_start3A_26 = arith.constant 0 : i32
      %dma_start3A_27 = tpu.memref_slice %arg3[%dma_start3A_25, %dma_start3A_26] : memref<10000x128xf32, #tpu.memory_space<hbm>> -> memref<10000x128xf32, #tpu.memory_space<hbm>>
      tpu.enqueue_indirect_dma source(%dma_start3A_27 : memref<10000x128xf32, #tpu.memory_space<hbm>>) target(%arg15 : memref<80x128xf32, #tpu.memory_space<vmem>>) offsets(%dma_start3A_24 : memref<80xi32, #tpu.memory_space<vmem>>) semaphore(%arg17 : memref<!tpu.dma_semaphore, #tpu.memory_space<semaphore_mem>>)
      %scan3A = arith.constant 0 : i32
      %scan3A_28 = arith.constant 62 : i32
      %scan3A_29 = arith.addi %scan3A, %scan3A_28 : i32
      %scan3A_30 = arith.constant 1 : i32
      scf.for %scan3A_55 = %scan3A to %scan3A_29 step %scan3A_30  : i32 {
        %mul3A_56 = arith.constant 2 : i32
        %mul3A_57 = arith.muli %scan3A_55, %mul3A_56 : i32
        %add3A = arith.constant 0 : i32
        %add3A_58 = arith.addi %add3A, %mul3A_57 : i32
        %add3A_59 = arith.constant 0 : i32
        %add3A_60 = arith.addi %add3A_58, %add3A_59 : i32
        %scan3A_61 = arith.constant 0 : i32
        %scan3A_62 = arith.constant 5 : i32
        %scan3A_63 = arith.addi %scan3A_61, %scan3A_62 : i32
        %scan3A_64 = arith.constant 1 : i32
        scf.for %scan3A_99 = %scan3A_61 to %scan3A_63 step %scan3A_64  : i32 {
          %mul3A_100 = arith.constant 16 : i32
          %mul3A_101 = arith.muli %scan3A_99, %mul3A_100 : i32
          %add3A_102 = arith.constant 0 : i32
          %add3A_103 = arith.addi %add3A_102, %mul3A_101 : i32
          %mul3A_104 = arith.constant 80 : i32
          %mul3A_105 = arith.muli %add3A_60, %mul3A_104 : i32
          %add3A_106 = arith.addi %mul3A_105, %add3A_103 : i32
          %get3A = arith.index_cast %add3A_106 : i32 to index
          %get3A_107 = tpu.vector_load %arg11[%get3A] {strides = array<i32>} : memref<10000xi32, #tpu.memory_space<vmem>>, vector<16xi32>,
          %get3A_108 = vector.shape_cast %get3A_107 : vector<16xi32> to vector<16xi32>
          %swap3A = arith.index_cast %add3A_103 : i32 to index
          %swap3A_109 = tpu.vector_load %arg12[%swap3A] {strides = array<i32>} : memref<80xi32, #tpu.memory_space<vmem>>, vector<16xi32>,
          %swap3A_110 = vector.shape_cast %swap3A_109 : vector<16xi32> to vector<16xi32>
          %swap3A_111 = vector.shape_cast %get3A_108 : vector<16xi32> to vector<16xi32>
          tpu.vector_store %arg12[%swap3A], %swap3A_111 {strides = array<i32>} : memref<80xi32, #tpu.memory_space<vmem>>, vector<16xi32>,
        }
        %scan3A_65 = arith.constant 5 : i32
        %mul3A_66 = arith.constant 80 : i32
        %mul3A_67 = arith.muli %add3A_60, %mul3A_66 : i32
        %dma_wait3A_68 = tpu.memref_slice %arg10[%mul3A_67] : memref<10000xi32, #tpu.memory_space<vmem>> -> memref<80xi32, #tpu.memory_space<vmem>>
        %dma_wait3A_69 = arith.constant 0 : i32
        %dma_wait3A_70 = arith.constant 0 : i32
        %dma_wait3A_71 = tpu.memref_slice %arg3[%dma_wait3A_69, %dma_wait3A_70] : memref<10000x128xf32, #tpu.memory_space<hbm>> -> memref<10000x128xf32, #tpu.memory_space<hbm>>
        tpu.wait_indirect_dma semaphore(%arg16 : memref<!tpu.dma_semaphore, #tpu.memory_space<semaphore_mem>>) src(%dma_wait3A_71 : memref<10000x128xf32, #tpu.memory_space<hbm>>) dst(%arg14 : memref<80x128xf32, #tpu.memory_space<vmem>>)
        "tpu.region"() ({
          %run_scoped3A = tpu.sem_alloc : memref<!tpu.dma_semaphore, #tpu.memory_space<semaphore_mem>>
          %dma_start3A_99 = arith.constant 0 : i32
          %dma_start3A_100 = arith.constant 0 : i32
          %dma_start3A_101 = tpu.memref_slice %arg9[%dma_start3A_99, %dma_start3A_100] : memref<10016x128xf32, #tpu.memory_space<vmem_shared>> -> memref<10016x128xf32, #tpu.memory_space<vmem_shared>>
          tpu.enqueue_indirect_dma source(%arg14 : memref<80x128xf32, #tpu.memory_space<vmem>>) target(%dma_start3A_101 : memref<10016x128xf32, #tpu.memory_space<vmem_shared>>) offsets(%arg12 : memref<80xi32, #tpu.memory_space<vmem>>) semaphore(%run_scoped3A : memref<!tpu.dma_semaphore, #tpu.memory_space<semaphore_mem>>) {add = true}
          %dma_wait3A_102 = arith.constant 0 : i32
          %dma_wait3A_103 = arith.constant 0 : i32
          %dma_wait3A_104 = tpu.memref_slice %arg9[%dma_wait3A_102, %dma_wait3A_103] : memref<10016x128xf32, #tpu.memory_space<vmem_shared>> -> memref<10016x128xf32, #tpu.memory_space<vmem_shared>>
          tpu.wait_indirect_dma semaphore(%run_scoped3A : memref<!tpu.dma_semaphore, #tpu.memory_space<semaphore_mem>>) src(%arg14 : memref<80x128xf32, #tpu.memory_space<vmem>>) dst(%dma_wait3A_104 : memref<10016x128xf32, #tpu.memory_space<vmem_shared>>)
          tpu.yield
        }) : () -> ()
        %add3A_72 = arith.constant 2 : i32
        %add3A_73 = arith.addi %add3A_60, %add3A_72 : i32
        %lt3A_74 = arith.constant 125 : i32
        %lt3A_75 = arith.cmpi slt, %add3A_73, %lt3A_74 : i32
        %convert_element_type3A_76 = arith.extui %lt3A_75 : i1 to i32
        %cond3A_77 = arith.constant 0 : i32
        %cond3A_78 = arith.cmpi ne, %convert_element_type3A_76, %cond3A_77 : i32
        scf.if %cond3A_78 {
          %add3A_99 = arith.constant 2 : i32
          %add3A_100 = arith.addi %add3A_60, %add3A_99 : i32
          %mul3A_101 = arith.constant 80 : i32
          %mul3A_102 = arith.muli %add3A_100, %mul3A_101 : i32
          %dma_start3A_103 = tpu.memref_slice %arg10[%mul3A_102] : memref<10000xi32, #tpu.memory_space<vmem>> -> memref<80xi32, #tpu.memory_space<vmem>>
          %dma_start3A_104 = arith.constant 0 : i32
          %dma_start3A_105 = arith.constant 0 : i32
          %dma_start3A_106 = tpu.memref_slice %arg3[%dma_start3A_104, %dma_start3A_105] : memref<10000x128xf32, #tpu.memory_space<hbm>> -> memref<10000x128xf32, #tpu.memory_space<hbm>>
          tpu.enqueue_indirect_dma source(%dma_start3A_106 : memref<10000x128xf32, #tpu.memory_space<hbm>>) target(%arg14 : memref<80x128xf32, #tpu.memory_space<vmem>>) offsets(%dma_start3A_103 : memref<80xi32, #tpu.memory_space<vmem>>) semaphore(%arg16 : memref<!tpu.dma_semaphore, #tpu.memory_space<semaphore_mem>>)
        } else {
        }
        %add3A_79 = arith.constant 1 : i32
        %add3A_80 = arith.addi %add3A_58, %add3A_79 : i32
        %scan3A_81 = arith.constant 0 : i32
        %scan3A_82 = arith.constant 5 : i32
        %scan3A_83 = arith.addi %scan3A_81, %scan3A_82 : i32
        %scan3A_84 = arith.constant 1 : i32
        scf.for %scan3A_99 = %scan3A_81 to %scan3A_83 step %scan3A_84  : i32 {
          %mul3A_100 = arith.constant 16 : i32
          %mul3A_101 = arith.muli %scan3A_99, %mul3A_100 : i32
          %add3A_102 = arith.constant 0 : i32
          %add3A_103 = arith.addi %add3A_102, %mul3A_101 : i32
          %mul3A_104 = arith.constant 80 : i32
          %mul3A_105 = arith.muli %add3A_80, %mul3A_104 : i32
          %add3A_106 = arith.addi %mul3A_105, %add3A_103 : i32
          %get3A = arith.index_cast %add3A_106 : i32 to index
          %get3A_107 = tpu.vector_load %arg11[%get3A] {strides = array<i32>} : memref<10000xi32, #tpu.memory_space<vmem>>, vector<16xi32>,
          %get3A_108 = vector.shape_cast %get3A_107 : vector<16xi32> to vector<16xi32>
          %swap3A = arith.index_cast %add3A_103 : i32 to index
          %swap3A_109 = tpu.vector_load %arg13[%swap3A] {strides = array<i32>} : memref<80xi32, #tpu.memory_space<vmem>>, vector<16xi32>,
          %swap3A_110 = vector.shape_cast %swap3A_109 : vector<16xi32> to vector<16xi32>
          %swap3A_111 = vector.shape_cast %get3A_108 : vector<16xi32> to vector<16xi32>
          tpu.vector_store %arg13[%swap3A], %swap3A_111 {strides = array<i32>} : memref<80xi32, #tpu.memory_space<vmem>>, vector<16xi32>,
        }
        %scan3A_85 = arith.constant 5 : i32
        %mul3A_86 = arith.constant 80 : i32
        %mul3A_87 = arith.muli %add3A_80, %mul3A_86 : i32
        %dma_wait3A_88 = tpu.memref_slice %arg10[%mul3A_87] : memref<10000xi32, #tpu.memory_space<vmem>> -> memref<80xi32, #tpu.memory_space<vmem>>
        %dma_wait3A_89 = arith.constant 0 : i32
        %dma_wait3A_90 = arith.constant 0 : i32
        %dma_wait3A_91 = tpu.memref_slice %arg3[%dma_wait3A_89, %dma_wait3A_90] : memref<10000x128xf32, #tpu.memory_space<hbm>> -> memref<10000x128xf32, #tpu.memory_space<hbm>>
        tpu.wait_indirect_dma semaphore(%arg17 : memref<!tpu.dma_semaphore, #tpu.memory_space<semaphore_mem>>) src(%dma_wait3A_91 : memref<10000x128xf32, #tpu.memory_space<hbm>>) dst(%arg15 : memref<80x128xf32, #tpu.memory_space<vmem>>)
        "tpu.region"() ({
          %run_scoped3A = tpu.sem_alloc : memref<!tpu.dma_semaphore, #tpu.memory_space<semaphore_mem>>
          %dma_start3A_99 = arith.constant 0 : i32
          %dma_start3A_100 = arith.constant 0 : i32
          %dma_start3A_101 = tpu.memref_slice %arg9[%dma_start3A_99, %dma_start3A_100] : memref<10016x128xf32, #tpu.memory_space<vmem_shared>> -> memref<10016x128xf32, #tpu.memory_space<vmem_shared>>
          tpu.enqueue_indirect_dma source(%arg15 : memref<80x128xf32, #tpu.memory_space<vmem>>) target(%dma_start3A_101 : memref<10016x128xf32, #tpu.memory_space<vmem_shared>>) offsets(%arg13 : memref<80xi32, #tpu.memory_space<vmem>>) semaphore(%run_scoped3A : memref<!tpu.dma_semaphore, #tpu.memory_space<semaphore_mem>>) {add = true}
          %dma_wait3A_102 = arith.constant 0 : i32
          %dma_wait3A_103 = arith.constant 0 : i32
          %dma_wait3A_104 = tpu.memref_slice %arg9[%dma_wait3A_102, %dma_wait3A_103] : memref<10016x128xf32, #tpu.memory_space<vmem_shared>> -> memref<10016x128xf32, #tpu.memory_space<vmem_shared>>
          tpu.wait_indirect_dma semaphore(%run_scoped3A : memref<!tpu.dma_semaphore, #tpu.memory_space<semaphore_mem>>) src(%arg15 : memref<80x128xf32, #tpu.memory_space<vmem>>) dst(%dma_wait3A_104 : memref<10016x128xf32, #tpu.memory_space<vmem_shared>>)
          tpu.yield
        }) : () -> ()
        %add3A_92 = arith.constant 2 : i32
        %add3A_93 = arith.addi %add3A_80, %add3A_92 : i32
        %lt3A_94 = arith.constant 125 : i32
        %lt3A_95 = arith.cmpi slt, %add3A_93, %lt3A_94 : i32
        %convert_element_type3A_96 = arith.extui %lt3A_95 : i1 to i32
        %cond3A_97 = arith.constant 0 : i32
        %cond3A_98 = arith.cmpi ne, %convert_element_type3A_96, %cond3A_97 : i32
        scf.if %cond3A_98 {
          %add3A_99 = arith.constant 2 : i32
          %add3A_100 = arith.addi %add3A_80, %add3A_99 : i32
          %mul3A_101 = arith.constant 80 : i32
          %mul3A_102 = arith.muli %add3A_100, %mul3A_101 : i32
          %dma_start3A_103 = tpu.memref_slice %arg10[%mul3A_102] : memref<10000xi32, #tpu.memory_space<vmem>> -> memref<80xi32, #tpu.memory_space<vmem>>
          %dma_start3A_104 = arith.constant 0 : i32
          %dma_start3A_105 = arith.constant 0 : i32
          %dma_start3A_106 = tpu.memref_slice %arg3[%dma_start3A_104, %dma_start3A_105] : memref<10000x128xf32, #tpu.memory_space<hbm>> -> memref<10000x128xf32, #tpu.memory_space<hbm>>
          tpu.enqueue_indirect_dma source(%dma_start3A_106 : memref<10000x128xf32, #tpu.memory_space<hbm>>) target(%arg15 : memref<80x128xf32, #tpu.memory_space<vmem>>) offsets(%dma_start3A_103 : memref<80xi32, #tpu.memory_space<vmem>>) semaphore(%arg17 : memref<!tpu.dma_semaphore, #tpu.memory_space<semaphore_mem>>)
        } else {
        }
      }
      %scan3A_31 = arith.constant 62 : i32
      %scan3A_32 = arith.constant 0 : i32
      %scan3A_33 = arith.constant 5 : i32
      %scan3A_34 = arith.addi %scan3A_32, %scan3A_33 : i32
      %scan3A_35 = arith.constant 1 : i32
      scf.for %scan3A_55 = %scan3A_32 to %scan3A_34 step %scan3A_35  : i32 {
        %mul3A_56 = arith.constant 16 : i32
        %mul3A_57 = arith.muli %scan3A_55, %mul3A_56 : i32
        %add3A = arith.constant 0 : i32
        %add3A_58 = arith.addi %add3A, %mul3A_57 : i32
        %add3A_59 = arith.constant 9920 : i32
        %add3A_60 = arith.addi %add3A_59, %add3A_58 : i32
        %get3A = arith.index_cast %add3A_60 : i32 to index
        %get3A_61 = tpu.vector_load %arg11[%get3A] {strides = array<i32>} : memref<10000xi32, #tpu.memory_space<vmem>>, vector<16xi32>,
        %get3A_62 = vector.shape_cast %get3A_61 : vector<16xi32> to vector<16xi32>
        %swap3A = arith.index_cast %add3A_58 : i32 to index
        %swap3A_63 = tpu.vector_load %arg12[%swap3A] {strides = array<i32>} : memref<80xi32, #tpu.memory_space<vmem>>, vector<16xi32>,
        %swap3A_64 = vector.shape_cast %swap3A_63 : vector<16xi32> to vector<16xi32>
        %swap3A_65 = vector.shape_cast %get3A_62 : vector<16xi32> to vector<16xi32>
        tpu.vector_store %arg12[%swap3A], %swap3A_65 {strides = array<i32>} : memref<80xi32, #tpu.memory_space<vmem>>, vector<16xi32>,
      }
      %scan3A_36 = arith.constant 5 : i32
      %dma_wait3A = arith.constant 9920 : i32
      %dma_wait3A_37 = tpu.memref_slice %arg10[%dma_wait3A] : memref<10000xi32, #tpu.memory_space<vmem>> -> memref<80xi32, #tpu.memory_space<vmem>>
      %dma_wait3A_38 = arith.constant 0 : i32
      %dma_wait3A_39 = arith.constant 0 : i32
      %dma_wait3A_40 = tpu.memref_slice %arg3[%dma_wait3A_38, %dma_wait3A_39] : memref<10000x128xf32, #tpu.memory_space<hbm>> -> memref<10000x128xf32, #tpu.memory_space<hbm>>
      tpu.wait_indirect_dma semaphore(%arg16 : memref<!tpu.dma_semaphore, #tpu.memory_space<semaphore_mem>>) src(%dma_wait3A_40 : memref<10000x128xf32, #tpu.memory_space<hbm>>) dst(%arg14 : memref<80x128xf32, #tpu.memory_space<vmem>>)
      "tpu.region"() ({
        %run_scoped3A = tpu.sem_alloc : memref<!tpu.dma_semaphore, #tpu.memory_space<semaphore_mem>>
        %dma_start3A_55 = arith.constant 0 : i32
        %dma_start3A_56 = arith.constant 0 : i32
        %dma_start3A_57 = tpu.memref_slice %arg9[%dma_start3A_55, %dma_start3A_56] : memref<10016x128xf32, #tpu.memory_space<vmem_shared>> -> memref<10016x128xf32, #tpu.memory_space<vmem_shared>>
        tpu.enqueue_indirect_dma source(%arg14 : memref<80x128xf32, #tpu.memory_space<vmem>>) target(%dma_start3A_57 : memref<10016x128xf32, #tpu.memory_space<vmem_shared>>) offsets(%arg12 : memref<80xi32, #tpu.memory_space<vmem>>) semaphore(%run_scoped3A : memref<!tpu.dma_semaphore, #tpu.memory_space<semaphore_mem>>) {add = true}
        %dma_wait3A_58 = arith.constant 0 : i32
        %dma_wait3A_59 = arith.constant 0 : i32
        %dma_wait3A_60 = tpu.memref_slice %arg9[%dma_wait3A_58, %dma_wait3A_59] : memref<10016x128xf32, #tpu.memory_space<vmem_shared>> -> memref<10016x128xf32, #tpu.memory_space<vmem_shared>>
        tpu.wait_indirect_dma semaphore(%run_scoped3A : memref<!tpu.dma_semaphore, #tpu.memory_space<semaphore_mem>>) src(%arg14 : memref<80x128xf32, #tpu.memory_space<vmem>>) dst(%dma_wait3A_60 : memref<10016x128xf32, #tpu.memory_space<vmem_shared>>)
        tpu.yield
      }) : () -> ()
      %barrier3A_41 = arith.constant 0 : index
      tpu.barrier barrier_id(%barrier3A_41)
      %mul3A_42 = arith.constant 640 : i32
      %mul3A_43 = arith.muli %arg1, %mul3A_42 : i32
      %multiple_of3A_44 = tpu.assume_multiple %mul3A_43, 8 : i32
      %lt3A_45 = arith.constant 15 : i32
      %lt3A_46 = arith.cmpi slt, %arg1, %lt3A_45 : i32
      %convert_element_type3A_47 = arith.extui %lt3A_46 : i1 to i32
      %cond3A_48 = arith.constant 0 : i32
      %cond3A_49 = arith.cmpi ne, %convert_element_type3A_47, %cond3A_48 : i32
      scf.if %cond3A_49 {
        "tpu.region"() ({
          %run_scoped3A = tpu.sem_alloc : memref<!tpu.dma_semaphore, #tpu.memory_space<semaphore_mem>>
          %dma_start3A_55 = arith.constant 0 : i32
          %dma_start3A_56 = tpu.memref_slice %arg8[%multiple_of3A_44, %dma_start3A_55] : memref<10000x128xf32, #tpu.memory_space<hbm>> -> memref<640x128xf32, #tpu.memory_space<hbm>>
          %dma_start3A_57 = arith.constant 0 : i32
          %dma_start3A_58 = tpu.memref_slice %arg9[%multiple_of3A_44, %dma_start3A_57] : memref<10016x128xf32, #tpu.memory_space<vmem_shared>> -> memref<640x128xf32, #tpu.memory_space<vmem_shared>>
          tpu.enqueue_dma source(%dma_start3A_58 : memref<640x128xf32, #tpu.memory_space<vmem_shared>>) target(%dma_start3A_56 : memref<640x128xf32, #tpu.memory_space<hbm>>) target_semaphore(%run_scoped3A : memref<!tpu.dma_semaphore, #tpu.memory_space<semaphore_mem>>)
          %dma_wait3A_59 = arith.constant 0 : i32
          %dma_wait3A_60 = tpu.memref_slice %arg8[%multiple_of3A_44, %dma_wait3A_59] : memref<10000x128xf32, #tpu.memory_space<hbm>> -> memref<640x128xf32, #tpu.memory_space<hbm>>
          %dma_wait3A_61 = arith.constant 0 : i32
          %dma_wait3A_62 = tpu.memref_slice %arg9[%multiple_of3A_44, %dma_wait3A_61] : memref<10016x128xf32, #tpu.memory_space<vmem_shared>> -> memref<640x128xf32, #tpu.memory_space<vmem_shared>>
          tpu.wait_dma2 semaphore(%run_scoped3A : memref<!tpu.dma_semaphore, #tpu.memory_space<semaphore_mem>>) src(%dma_wait3A_62 : memref<640x128xf32, #tpu.memory_space<vmem_shared>>) dst(%dma_wait3A_60 : memref<640x128xf32, #tpu.memory_space<hbm>>)
          tpu.yield
        }) : () -> ()
      } else {
      }
      %eq3A_50 = arith.constant 15 : i32
      %eq3A_51 = arith.cmpi eq, %arg1, %eq3A_50 : i32
      %convert_element_type3A_52 = arith.extui %eq3A_51 : i1 to i32
      %cond3A_53 = arith.constant 0 : i32
      %cond3A_54 = arith.cmpi ne, %convert_element_type3A_52, %cond3A_53 : i32
      scf.if %cond3A_54 {
        "tpu.region"() ({
          %run_scoped3A = tpu.sem_alloc : memref<!tpu.dma_semaphore, #tpu.memory_space<semaphore_mem>>
          %dma_start3A_55 = arith.constant 0 : i32
          %dma_start3A_56 = tpu.memref_slice %arg8[%multiple_of3A_44, %dma_start3A_55] : memref<10000x128xf32, #tpu.memory_space<hbm>> -> memref<400x128xf32, #tpu.memory_space<hbm>>
          %dma_start3A_57 = arith.constant 0 : i32
          %dma_start3A_58 = tpu.memref_slice %arg9[%multiple_of3A_44, %dma_start3A_57] : memref<10016x128xf32, #tpu.memory_space<vmem_shared>> -> memref<400x128xf32, #tpu.memory_space<vmem_shared>>
          tpu.enqueue_dma source(%dma_start3A_58 : memref<400x128xf32, #tpu.memory_space<vmem_shared>>) target(%dma_start3A_56 : memref<400x128xf32, #tpu.memory_space<hbm>>) target_semaphore(%run_scoped3A : memref<!tpu.dma_semaphore, #tpu.memory_space<semaphore_mem>>)
          %dma_wait3A_59 = arith.constant 0 : i32
          %dma_wait3A_60 = tpu.memref_slice %arg8[%multiple_of3A_44, %dma_wait3A_59] : memref<10000x128xf32, #tpu.memory_space<hbm>> -> memref<400x128xf32, #tpu.memory_space<hbm>>
          %dma_wait3A_61 = arith.constant 0 : i32
          %dma_wait3A_62 = tpu.memref_slice %arg9[%multiple_of3A_44, %dma_wait3A_61] : memref<10016x128xf32, #tpu.memory_space<vmem_shared>> -> memref<400x128xf32, #tpu.memory_space<vmem_shared>>
          tpu.wait_dma2 semaphore(%run_scoped3A : memref<!tpu.dma_semaphore, #tpu.memory_space<semaphore_mem>>) src(%dma_wait3A_62 : memref<400x128xf32, #tpu.memory_space<vmem_shared>>) dst(%dma_wait3A_60 : memref<400x128xf32, #tpu.memory_space<hbm>>)
          tpu.yield
        }) : () -> ()
      } else {
      }
    } else {
    }
    return
  }
}

#map = affine_map<(d0, d1) -> (0, 0)>
#map1 = affine_map<(d0, d1) -> (0)>
module attributes {stable_mosaic.version = 14 : i64} {
  func.func @scat_kernel(%arg0: i32, %arg1: i32, %arg2: memref<10000x128xf32, #tpu.memory_space<hbm>>, %arg3: memref<10000x128xf32, #tpu.memory_space<hbm>>, %arg4: memref<160000xi32, #tpu.memory_space<hbm>>, %arg5: memref<160000xi32, #tpu.memory_space<hbm>>, %arg6: memref<128x128xf32, #tpu.memory_space<hbm>>, %arg7: memref<10000x128xf32, #tpu.memory_space<hbm>>, %arg8: memref<10000x128xf32, #tpu.memory_space<hbm>>, %arg9: memref<10016x128xf32, #tpu.memory_space<vmem_shared>>, %arg10: memref<10000xi32, #tpu.memory_space<vmem>>, %arg11: memref<10000xi32, #tpu.memory_space<vmem>>, %arg12: memref<80xi32, #tpu.memory_space<vmem>>, %arg13: memref<80xi32, #tpu.memory_space<vmem>>, %arg14: memref<80x128xf32, #tpu.memory_space<vmem>>, %arg15: memref<80x128xf32, #tpu.memory_space<vmem>>, %arg16: memref<!tpu.dma_semaphore, #tpu.memory_space<semaphore_mem>>, %arg17: memref<!tpu.dma_semaphore, #tpu.memory_space<semaphore_mem>>) attributes {dimension_semantics = [#tpu.dimension_semantics<core_parallel>, #tpu.dimension_semantics<subcore_parallel>], iteration_bounds = array<i64: 2, 16>, scalar_prefetch = 0 : i64, scratch_operands = 9 : i64, tpu.core_type = #tpu.core_type<sc_vector_subcore>, window_params = [{transform_indices = #map}, {transform_indices = #map}, {transform_indices = #map1}, {transform_indices = #map1}, {transform_indices = #map}, {transform_indices = #map}, {transform_indices = #map}]} {
    "tpu.region"() ({
      %run_scoped3A = tpu.sem_alloc : memref<!tpu.dma_semaphore, #tpu.memory_space<semaphore_mem>>
      %dma_start3A = arith.constant 0 : i32
      %dma_start3A_19 = arith.constant 0 : i32
      %dma_start3A_20 = tpu.memref_slice %arg6[%dma_start3A, %dma_start3A_19] : memref<128x128xf32, #tpu.memory_space<hbm>> -> memref<80x128xf32, #tpu.memory_space<hbm>>
      %dma_start3A_21 = arith.constant 0 : i32
      %dma_start3A_22 = arith.constant 0 : i32
      %dma_start3A_23 = tpu.memref_slice %arg6[%dma_start3A_21, %dma_start3A_22] : memref<128x128xf32, #tpu.memory_space<hbm>> -> memref<80x128xf32, #tpu.memory_space<hbm>>
      tpu.enqueue_dma source(%dma_start3A_23 : memref<80x128xf32, #tpu.memory_space<hbm>>) target(%arg14 : memref<80x128xf32, #tpu.memory_space<vmem>>) target_semaphore(%run_scoped3A : memref<!tpu.dma_semaphore, #tpu.memory_space<semaphore_mem>>)
      %dma_wait3A = arith.constant 0 : i32
      %dma_wait3A_24 = arith.constant 0 : i32
      %dma_wait3A_25 = tpu.memref_slice %arg6[%dma_wait3A, %dma_wait3A_24] : memref<128x128xf32, #tpu.memory_space<hbm>> -> memref<80x128xf32, #tpu.memory_space<hbm>>
      %dma_wait3A_26 = arith.constant 0 : i32
      %dma_wait3A_27 = arith.constant 0 : i32
      %dma_wait3A_28 = tpu.memref_slice %arg6[%dma_wait3A_26, %dma_wait3A_27] : memref<128x128xf32, #tpu.memory_space<hbm>> -> memref<80x128xf32, #tpu.memory_space<hbm>>
      tpu.wait_dma2 semaphore(%run_scoped3A : memref<!tpu.dma_semaphore, #tpu.memory_space<semaphore_mem>>) src(%dma_wait3A_28 : memref<80x128xf32, #tpu.memory_space<hbm>>) dst(%arg14 : memref<80x128xf32, #tpu.memory_space<vmem>>)
      tpu.yield
    }) : () -> ()
    %mul3A = arith.constant 640 : i32
    %mul3A_0 = arith.muli %arg1, %mul3A : i32
    %multiple_of3A = tpu.assume_multiple %mul3A_0, 8 : i32
    %lt3A = arith.constant 15 : i32
    %lt3A_1 = arith.cmpi slt, %arg1, %lt3A : i32
    %convert_element_type3A = arith.extui %lt3A_1 : i1 to i32
    %cond3A = arith.constant 0 : i32
    %cond3A_2 = arith.cmpi ne, %convert_element_type3A, %cond3A : i32
    scf.if %cond3A_2 {
      %scan3A = arith.constant 0 : i32
      %scan3A_19 = arith.constant 8 : i32
      %scan3A_20 = arith.addi %scan3A, %scan3A_19 : i32
      %scan3A_21 = arith.constant 1 : i32
      scf.for %scan3A_23 = %scan3A to %scan3A_20 step %scan3A_21  : i32 {
        %mul3A_24 = arith.constant 80 : i32
        %mul3A_25 = arith.muli %scan3A_23, %mul3A_24 : i32
        %add3A = arith.constant 0 : i32
        %add3A_26 = arith.addi %add3A, %mul3A_25 : i32
        %add3A_27 = arith.addi %multiple_of3A, %add3A_26 : i32
        %multiple_of3A_28 = tpu.assume_multiple %add3A_27, 8 : i32
        "tpu.region"() ({
          %run_scoped3A = tpu.sem_alloc : memref<!tpu.dma_semaphore, #tpu.memory_space<semaphore_mem>>
          %dma_start3A = arith.constant 0 : i32
          %dma_start3A_29 = tpu.memref_slice %arg9[%multiple_of3A_28, %dma_start3A] : memref<10016x128xf32, #tpu.memory_space<vmem_shared>> -> memref<80x128xf32, #tpu.memory_space<vmem_shared>>
          %dma_start3A_30 = arith.constant 0 : i32
          %dma_start3A_31 = tpu.memref_slice %arg9[%multiple_of3A_28, %dma_start3A_30] : memref<10016x128xf32, #tpu.memory_space<vmem_shared>> -> memref<80x128xf32, #tpu.memory_space<vmem_shared>>
          tpu.enqueue_dma source(%arg14 : memref<80x128xf32, #tpu.memory_space<vmem>>) target(%dma_start3A_31 : memref<80x128xf32, #tpu.memory_space<vmem_shared>>) target_semaphore(%run_scoped3A : memref<!tpu.dma_semaphore, #tpu.memory_space<semaphore_mem>>)
          %dma_wait3A = arith.constant 0 : i32
          %dma_wait3A_32 = tpu.memref_slice %arg9[%multiple_of3A_28, %dma_wait3A] : memref<10016x128xf32, #tpu.memory_space<vmem_shared>> -> memref<80x128xf32, #tpu.memory_space<vmem_shared>>
          %dma_wait3A_33 = arith.constant 0 : i32
          %dma_wait3A_34 = tpu.memref_slice %arg9[%multiple_of3A_28, %dma_wait3A_33] : memref<10016x128xf32, #tpu.memory_space<vmem_shared>> -> memref<80x128xf32, #tpu.memory_space<vmem_shared>>
          tpu.wait_dma2 semaphore(%run_scoped3A : memref<!tpu.dma_semaphore, #tpu.memory_space<semaphore_mem>>) src(%arg14 : memref<80x128xf32, #tpu.memory_space<vmem>>) dst(%dma_wait3A_34 : memref<80x128xf32, #tpu.memory_space<vmem_shared>>)
          tpu.yield
        }) : () -> ()
      }
      %scan3A_22 = arith.constant 8 : i32
    } else {
    }
    %eq3A = arith.constant 15 : i32
    %eq3A_3 = arith.cmpi eq, %arg1, %eq3A : i32
    %convert_element_type3A_4 = arith.extui %eq3A_3 : i1 to i32
    %cond3A_5 = arith.constant 0 : i32
    %cond3A_6 = arith.cmpi ne, %convert_element_type3A_4, %cond3A_5 : i32
    scf.if %cond3A_6 {
      %scan3A = arith.constant 0 : i32
      %scan3A_19 = arith.constant 5 : i32
      %scan3A_20 = arith.addi %scan3A, %scan3A_19 : i32
      %scan3A_21 = arith.constant 1 : i32
      scf.for %scan3A_23 = %scan3A to %scan3A_20 step %scan3A_21  : i32 {
        %mul3A_24 = arith.constant 80 : i32
        %mul3A_25 = arith.muli %scan3A_23, %mul3A_24 : i32
        %add3A = arith.constant 0 : i32
        %add3A_26 = arith.addi %add3A, %mul3A_25 : i32
        %add3A_27 = arith.addi %multiple_of3A, %add3A_26 : i32
        %multiple_of3A_28 = tpu.assume_multiple %add3A_27, 8 : i32
        "tpu.region"() ({
          %run_scoped3A = tpu.sem_alloc : memref<!tpu.dma_semaphore, #tpu.memory_space<semaphore_mem>>
          %dma_start3A = arith.constant 0 : i32
          %dma_start3A_29 = tpu.memref_slice %arg9[%multiple_of3A_28, %dma_start3A] : memref<10016x128xf32, #tpu.memory_space<vmem_shared>> -> memref<80x128xf32, #tpu.memory_space<vmem_shared>>
          %dma_start3A_30 = arith.constant 0 : i32
          %dma_start3A_31 = tpu.memref_slice %arg9[%multiple_of3A_28, %dma_start3A_30] : memref<10016x128xf32, #tpu.memory_space<vmem_shared>> -> memref<80x128xf32, #tpu.memory_space<vmem_shared>>
          tpu.enqueue_dma source(%arg14 : memref<80x128xf32, #tpu.memory_space<vmem>>) target(%dma_start3A_31 : memref<80x128xf32, #tpu.memory_space<vmem_shared>>) target_semaphore(%run_scoped3A : memref<!tpu.dma_semaphore, #tpu.memory_space<semaphore_mem>>)
          %dma_wait3A = arith.constant 0 : i32
          %dma_wait3A_32 = tpu.memref_slice %arg9[%multiple_of3A_28, %dma_wait3A] : memref<10016x128xf32, #tpu.memory_space<vmem_shared>> -> memref<80x128xf32, #tpu.memory_space<vmem_shared>>
          %dma_wait3A_33 = arith.constant 0 : i32
          %dma_wait3A_34 = tpu.memref_slice %arg9[%multiple_of3A_28, %dma_wait3A_33] : memref<10016x128xf32, #tpu.memory_space<vmem_shared>> -> memref<80x128xf32, #tpu.memory_space<vmem_shared>>
          tpu.wait_dma2 semaphore(%run_scoped3A : memref<!tpu.dma_semaphore, #tpu.memory_space<semaphore_mem>>) src(%arg14 : memref<80x128xf32, #tpu.memory_space<vmem>>) dst(%dma_wait3A_34 : memref<80x128xf32, #tpu.memory_space<vmem_shared>>)
          tpu.yield
        }) : () -> ()
      }
      %scan3A_22 = arith.constant 5 : i32
    } else {
    }
    %mul3A_7 = arith.constant 10000 : i32
    %mul3A_8 = arith.muli %arg1, %mul3A_7 : i32
    "tpu.region"() ({
      %run_scoped3A = tpu.sem_alloc : memref<!tpu.dma_semaphore, #tpu.memory_space<semaphore_mem>>
      %dma_start3A = tpu.memref_slice %arg4[%mul3A_8] : memref<160000xi32, #tpu.memory_space<hbm>> -> memref<10000xi32, #tpu.memory_space<hbm>>
      %dma_start3A_19 = tpu.memref_slice %arg4[%mul3A_8] : memref<160000xi32, #tpu.memory_space<hbm>> -> memref<10000xi32, #tpu.memory_space<hbm>>
      tpu.enqueue_dma source(%dma_start3A_19 : memref<10000xi32, #tpu.memory_space<hbm>>) target(%arg10 : memref<10000xi32, #tpu.memory_space<vmem>>) target_semaphore(%run_scoped3A : memref<!tpu.dma_semaphore, #tpu.memory_space<semaphore_mem>>)
      %dma_wait3A = tpu.memref_slice %arg4[%mul3A_8] : memref<160000xi32, #tpu.memory_space<hbm>> -> memref<10000xi32, #tpu.memory_space<hbm>>
      %dma_wait3A_20 = tpu.memref_slice %arg4[%mul3A_8] : memref<160000xi32, #tpu.memory_space<hbm>> -> memref<10000xi32, #tpu.memory_space<hbm>>
      tpu.wait_dma2 semaphore(%run_scoped3A : memref<!tpu.dma_semaphore, #tpu.memory_space<semaphore_mem>>) src(%dma_wait3A_20 : memref<10000xi32, #tpu.memory_space<hbm>>) dst(%arg10 : memref<10000xi32, #tpu.memory_space<vmem>>)
      tpu.yield
    }) : () -> ()
    "tpu.region"() ({
      %run_scoped3A = tpu.sem_alloc : memref<!tpu.dma_semaphore, #tpu.memory_space<semaphore_mem>>
      %dma_start3A = tpu.memref_slice %arg5[%mul3A_8] : memref<160000xi32, #tpu.memory_space<hbm>> -> memref<10000xi32, #tpu.memory_space<hbm>>
      %dma_start3A_19 = tpu.memref_slice %arg5[%mul3A_8] : memref<160000xi32, #tpu.memory_space<hbm>> -> memref<10000xi32, #tpu.memory_space<hbm>>
      tpu.enqueue_dma source(%dma_start3A_19 : memref<10000xi32, #tpu.memory_space<hbm>>) target(%arg11 : memref<10000xi32, #tpu.memory_space<vmem>>) target_semaphore(%run_scoped3A : memref<!tpu.dma_semaphore, #tpu.memory_space<semaphore_mem>>)
      %dma_wait3A = tpu.memref_slice %arg5[%mul3A_8] : memref<160000xi32, #tpu.memory_space<hbm>> -> memref<10000xi32, #tpu.memory_space<hbm>>
      %dma_wait3A_20 = tpu.memref_slice %arg5[%mul3A_8] : memref<160000xi32, #tpu.memory_space<hbm>> -> memref<10000xi32, #tpu.memory_space<hbm>>
      tpu.wait_dma2 semaphore(%run_scoped3A : memref<!tpu.dma_semaphore, #tpu.memory_space<semaphore_mem>>) src(%dma_wait3A_20 : memref<10000xi32, #tpu.memory_space<hbm>>) dst(%arg11 : memref<10000xi32, #tpu.memory_space<vmem>>)
      tpu.yield
    }) : () -> ()
    %barrier3A = arith.constant 0 : index
    tpu.barrier barrier_id(%barrier3A)
    %eq3A_9 = arith.constant 0 : i32
    %eq3A_10 = arith.cmpi eq, %arg0, %eq3A_9 : i32
    %convert_element_type3A_11 = arith.extui %eq3A_10 : i1 to i32
    %cond3A_12 = arith.constant 0 : i32
    %cond3A_13 = arith.cmpi ne, %convert_element_type3A_11, %cond3A_12 : i32
    scf.if %cond3A_13 {
      %dma_start3A = arith.constant 0 : i32
      %dma_start3A_19 = tpu.memref_slice %arg10[%dma_start3A] : memref<10000xi32, #tpu.memory_space<vmem>> -> memref<80xi32, #tpu.memory_space<vmem>>
      %dma_start3A_20 = arith.constant 0 : i32
      %dma_start3A_21 = arith.constant 0 : i32
      %dma_start3A_22 = tpu.memref_slice %arg2[%dma_start3A_20, %dma_start3A_21] : memref<10000x128xf32, #tpu.memory_space<hbm>> -> memref<10000x128xf32, #tpu.memory_space<hbm>>
      tpu.enqueue_indirect_dma source(%dma_start3A_22 : memref<10000x128xf32, #tpu.memory_space<hbm>>) target(%arg14 : memref<80x128xf32, #tpu.memory_space<vmem>>) offsets(%dma_start3A_19 : memref<80xi32, #tpu.memory_space<vmem>>) semaphore(%arg16 : memref<!tpu.dma_semaphore, #tpu.memory_space<semaphore_mem>>)
      %dma_start3A_23 = arith.constant 80 : i32
      %dma_start3A_24 = tpu.memref_slice %arg10[%dma_start3A_23] : memref<10000xi32, #tpu.memory_space<vmem>> -> memref<80xi32, #tpu.memory_space<vmem>>
      %dma_start3A_25 = arith.constant 0 : i32
      %dma_start3A_26 = arith.constant 0 : i32
      %dma_start3A_27 = tpu.memref_slice %arg2[%dma_start3A_25, %dma_start3A_26] : memref<10000x128xf32, #tpu.memory_space<hbm>> -> memref<10000x128xf32, #tpu.memory_space<hbm>>
      tpu.enqueue_indirect_dma source(%dma_start3A_27 : memref<10000x128xf32, #tpu.memory_space<hbm>>) target(%arg15 : memref<80x128xf32, #tpu.memory_space<vmem>>) offsets(%dma_start3A_24 : memref<80xi32, #tpu.memory_space<vmem>>) semaphore(%arg17 : memref<!tpu.dma_semaphore, #tpu.memory_space<semaphore_mem>>)
      %scan3A = arith.constant 0 : i32
      %scan3A_28 = arith.constant 62 : i32
      %scan3A_29 = arith.addi %scan3A, %scan3A_28 : i32
      %scan3A_30 = arith.constant 1 : i32
      scf.for %scan3A_55 = %scan3A to %scan3A_29 step %scan3A_30  : i32 {
        %mul3A_56 = arith.constant 2 : i32
        %mul3A_57 = arith.muli %scan3A_55, %mul3A_56 : i32
        %add3A = arith.constant 0 : i32
        %add3A_58 = arith.addi %add3A, %mul3A_57 : i32
        %add3A_59 = arith.constant 0 : i32
        %add3A_60 = arith.addi %add3A_58, %add3A_59 : i32
        %scan3A_61 = arith.constant 0 : i32
        %scan3A_62 = arith.constant 5 : i32
        %scan3A_63 = arith.addi %scan3A_61, %scan3A_62 : i32
        %scan3A_64 = arith.constant 1 : i32
        scf.for %scan3A_99 = %scan3A_61 to %scan3A_63 step %scan3A_64  : i32 {
          %mul3A_100 = arith.constant 16 : i32
          %mul3A_101 = arith.muli %scan3A_99, %mul3A_100 : i32
          %add3A_102 = arith.constant 0 : i32
          %add3A_103 = arith.addi %add3A_102, %mul3A_101 : i32
          %mul3A_104 = arith.constant 80 : i32
          %mul3A_105 = arith.muli %add3A_60, %mul3A_104 : i32
          %add3A_106 = arith.addi %mul3A_105, %add3A_103 : i32
          %get3A = arith.index_cast %add3A_106 : i32 to index
          %get3A_107 = tpu.vector_load %arg11[%get3A] {strides = array<i32>} : memref<10000xi32, #tpu.memory_space<vmem>>, vector<16xi32>,
          %get3A_108 = vector.shape_cast %get3A_107 : vector<16xi32> to vector<16xi32>
          %swap3A = arith.index_cast %add3A_103 : i32 to index
          %swap3A_109 = tpu.vector_load %arg12[%swap3A] {strides = array<i32>} : memref<80xi32, #tpu.memory_space<vmem>>, vector<16xi32>,
          %swap3A_110 = vector.shape_cast %swap3A_109 : vector<16xi32> to vector<16xi32>
          %swap3A_111 = vector.shape_cast %get3A_108 : vector<16xi32> to vector<16xi32>
          tpu.vector_store %arg12[%swap3A], %swap3A_111 {strides = array<i32>} : memref<80xi32, #tpu.memory_space<vmem>>, vector<16xi32>,
        }
        %scan3A_65 = arith.constant 5 : i32
        %mul3A_66 = arith.constant 80 : i32
        %mul3A_67 = arith.muli %add3A_60, %mul3A_66 : i32
        %dma_wait3A_68 = tpu.memref_slice %arg10[%mul3A_67] : memref<10000xi32, #tpu.memory_space<vmem>> -> memref<80xi32, #tpu.memory_space<vmem>>
        %dma_wait3A_69 = arith.constant 0 : i32
        %dma_wait3A_70 = arith.constant 0 : i32
        %dma_wait3A_71 = tpu.memref_slice %arg2[%dma_wait3A_69, %dma_wait3A_70] : memref<10000x128xf32, #tpu.memory_space<hbm>> -> memref<10000x128xf32, #tpu.memory_space<hbm>>
        tpu.wait_indirect_dma semaphore(%arg16 : memref<!tpu.dma_semaphore, #tpu.memory_space<semaphore_mem>>) src(%dma_wait3A_71 : memref<10000x128xf32, #tpu.memory_space<hbm>>) dst(%arg14 : memref<80x128xf32, #tpu.memory_space<vmem>>)
        "tpu.region"() ({
          %run_scoped3A = tpu.sem_alloc : memref<!tpu.dma_semaphore, #tpu.memory_space<semaphore_mem>>
          %dma_start3A_99 = arith.constant 0 : i32
          %dma_start3A_100 = arith.constant 0 : i32
          %dma_start3A_101 = tpu.memref_slice %arg9[%dma_start3A_99, %dma_start3A_100] : memref<10016x128xf32, #tpu.memory_space<vmem_shared>> -> memref<10016x128xf32, #tpu.memory_space<vmem_shared>>
          tpu.enqueue_indirect_dma source(%arg14 : memref<80x128xf32, #tpu.memory_space<vmem>>) target(%dma_start3A_101 : memref<10016x128xf32, #tpu.memory_space<vmem_shared>>) offsets(%arg12 : memref<80xi32, #tpu.memory_space<vmem>>) semaphore(%run_scoped3A : memref<!tpu.dma_semaphore, #tpu.memory_space<semaphore_mem>>) {add = true}
          %dma_wait3A_102 = arith.constant 0 : i32
          %dma_wait3A_103 = arith.constant 0 : i32
          %dma_wait3A_104 = tpu.memref_slice %arg9[%dma_wait3A_102, %dma_wait3A_103] : memref<10016x128xf32, #tpu.memory_space<vmem_shared>> -> memref<10016x128xf32, #tpu.memory_space<vmem_shared>>
          tpu.wait_indirect_dma semaphore(%run_scoped3A : memref<!tpu.dma_semaphore, #tpu.memory_space<semaphore_mem>>) src(%arg14 : memref<80x128xf32, #tpu.memory_space<vmem>>) dst(%dma_wait3A_104 : memref<10016x128xf32, #tpu.memory_space<vmem_shared>>)
          tpu.yield
        }) : () -> ()
        %add3A_72 = arith.constant 2 : i32
        %add3A_73 = arith.addi %add3A_60, %add3A_72 : i32
        %lt3A_74 = arith.constant 125 : i32
        %lt3A_75 = arith.cmpi slt, %add3A_73, %lt3A_74 : i32
        %convert_element_type3A_76 = arith.extui %lt3A_75 : i1 to i32
        %cond3A_77 = arith.constant 0 : i32
        %cond3A_78 = arith.cmpi ne, %convert_element_type3A_76, %cond3A_77 : i32
        scf.if %cond3A_78 {
          %add3A_99 = arith.constant 2 : i32
          %add3A_100 = arith.addi %add3A_60, %add3A_99 : i32
          %mul3A_101 = arith.constant 80 : i32
          %mul3A_102 = arith.muli %add3A_100, %mul3A_101 : i32
          %dma_start3A_103 = tpu.memref_slice %arg10[%mul3A_102] : memref<10000xi32, #tpu.memory_space<vmem>> -> memref<80xi32, #tpu.memory_space<vmem>>
          %dma_start3A_104 = arith.constant 0 : i32
          %dma_start3A_105 = arith.constant 0 : i32
          %dma_start3A_106 = tpu.memref_slice %arg2[%dma_start3A_104, %dma_start3A_105] : memref<10000x128xf32, #tpu.memory_space<hbm>> -> memref<10000x128xf32, #tpu.memory_space<hbm>>
          tpu.enqueue_indirect_dma source(%dma_start3A_106 : memref<10000x128xf32, #tpu.memory_space<hbm>>) target(%arg14 : memref<80x128xf32, #tpu.memory_space<vmem>>) offsets(%dma_start3A_103 : memref<80xi32, #tpu.memory_space<vmem>>) semaphore(%arg16 : memref<!tpu.dma_semaphore, #tpu.memory_space<semaphore_mem>>)
        } else {
        }
        %add3A_79 = arith.constant 1 : i32
        %add3A_80 = arith.addi %add3A_58, %add3A_79 : i32
        %scan3A_81 = arith.constant 0 : i32
        %scan3A_82 = arith.constant 5 : i32
        %scan3A_83 = arith.addi %scan3A_81, %scan3A_82 : i32
        %scan3A_84 = arith.constant 1 : i32
        scf.for %scan3A_99 = %scan3A_81 to %scan3A_83 step %scan3A_84  : i32 {
          %mul3A_100 = arith.constant 16 : i32
          %mul3A_101 = arith.muli %scan3A_99, %mul3A_100 : i32
          %add3A_102 = arith.constant 0 : i32
          %add3A_103 = arith.addi %add3A_102, %mul3A_101 : i32
          %mul3A_104 = arith.constant 80 : i32
          %mul3A_105 = arith.muli %add3A_80, %mul3A_104 : i32
          %add3A_106 = arith.addi %mul3A_105, %add3A_103 : i32
          %get3A = arith.index_cast %add3A_106 : i32 to index
          %get3A_107 = tpu.vector_load %arg11[%get3A] {strides = array<i32>} : memref<10000xi32, #tpu.memory_space<vmem>>, vector<16xi32>,
          %get3A_108 = vector.shape_cast %get3A_107 : vector<16xi32> to vector<16xi32>
          %swap3A = arith.index_cast %add3A_103 : i32 to index
          %swap3A_109 = tpu.vector_load %arg13[%swap3A] {strides = array<i32>} : memref<80xi32, #tpu.memory_space<vmem>>, vector<16xi32>,
          %swap3A_110 = vector.shape_cast %swap3A_109 : vector<16xi32> to vector<16xi32>
          %swap3A_111 = vector.shape_cast %get3A_108 : vector<16xi32> to vector<16xi32>
          tpu.vector_store %arg13[%swap3A], %swap3A_111 {strides = array<i32>} : memref<80xi32, #tpu.memory_space<vmem>>, vector<16xi32>,
        }
        %scan3A_85 = arith.constant 5 : i32
        %mul3A_86 = arith.constant 80 : i32
        %mul3A_87 = arith.muli %add3A_80, %mul3A_86 : i32
        %dma_wait3A_88 = tpu.memref_slice %arg10[%mul3A_87] : memref<10000xi32, #tpu.memory_space<vmem>> -> memref<80xi32, #tpu.memory_space<vmem>>
        %dma_wait3A_89 = arith.constant 0 : i32
        %dma_wait3A_90 = arith.constant 0 : i32
        %dma_wait3A_91 = tpu.memref_slice %arg2[%dma_wait3A_89, %dma_wait3A_90] : memref<10000x128xf32, #tpu.memory_space<hbm>> -> memref<10000x128xf32, #tpu.memory_space<hbm>>
        tpu.wait_indirect_dma semaphore(%arg17 : memref<!tpu.dma_semaphore, #tpu.memory_space<semaphore_mem>>) src(%dma_wait3A_91 : memref<10000x128xf32, #tpu.memory_space<hbm>>) dst(%arg15 : memref<80x128xf32, #tpu.memory_space<vmem>>)
        "tpu.region"() ({
          %run_scoped3A = tpu.sem_alloc : memref<!tpu.dma_semaphore, #tpu.memory_space<semaphore_mem>>
          %dma_start3A_99 = arith.constant 0 : i32
          %dma_start3A_100 = arith.constant 0 : i32
          %dma_start3A_101 = tpu.memref_slice %arg9[%dma_start3A_99, %dma_start3A_100] : memref<10016x128xf32, #tpu.memory_space<vmem_shared>> -> memref<10016x128xf32, #tpu.memory_space<vmem_shared>>
          tpu.enqueue_indirect_dma source(%arg15 : memref<80x128xf32, #tpu.memory_space<vmem>>) target(%dma_start3A_101 : memref<10016x128xf32, #tpu.memory_space<vmem_shared>>) offsets(%arg13 : memref<80xi32, #tpu.memory_space<vmem>>) semaphore(%run_scoped3A : memref<!tpu.dma_semaphore, #tpu.memory_space<semaphore_mem>>) {add = true}
          %dma_wait3A_102 = arith.constant 0 : i32
          %dma_wait3A_103 = arith.constant 0 : i32
          %dma_wait3A_104 = tpu.memref_slice %arg9[%dma_wait3A_102, %dma_wait3A_103] : memref<10016x128xf32, #tpu.memory_space<vmem_shared>> -> memref<10016x128xf32, #tpu.memory_space<vmem_shared>>
          tpu.wait_indirect_dma semaphore(%run_scoped3A : memref<!tpu.dma_semaphore, #tpu.memory_space<semaphore_mem>>) src(%arg15 : memref<80x128xf32, #tpu.memory_space<vmem>>) dst(%dma_wait3A_104 : memref<10016x128xf32, #tpu.memory_space<vmem_shared>>)
          tpu.yield
        }) : () -> ()
        %add3A_92 = arith.constant 2 : i32
        %add3A_93 = arith.addi %add3A_80, %add3A_92 : i32
        %lt3A_94 = arith.constant 125 : i32
        %lt3A_95 = arith.cmpi slt, %add3A_93, %lt3A_94 : i32
        %convert_element_type3A_96 = arith.extui %lt3A_95 : i1 to i32
        %cond3A_97 = arith.constant 0 : i32
        %cond3A_98 = arith.cmpi ne, %convert_element_type3A_96, %cond3A_97 : i32
        scf.if %cond3A_98 {
          %add3A_99 = arith.constant 2 : i32
          %add3A_100 = arith.addi %add3A_80, %add3A_99 : i32
          %mul3A_101 = arith.constant 80 : i32
          %mul3A_102 = arith.muli %add3A_100, %mul3A_101 : i32
          %dma_start3A_103 = tpu.memref_slice %arg10[%mul3A_102] : memref<10000xi32, #tpu.memory_space<vmem>> -> memref<80xi32, #tpu.memory_space<vmem>>
          %dma_start3A_104 = arith.constant 0 : i32
          %dma_start3A_105 = arith.constant 0 : i32
          %dma_start3A_106 = tpu.memref_slice %arg2[%dma_start3A_104, %dma_start3A_105] : memref<10000x128xf32, #tpu.memory_space<hbm>> -> memref<10000x128xf32, #tpu.memory_space<hbm>>
          tpu.enqueue_indirect_dma source(%dma_start3A_106 : memref<10000x128xf32, #tpu.memory_space<hbm>>) target(%arg15 : memref<80x128xf32, #tpu.memory_space<vmem>>) offsets(%dma_start3A_103 : memref<80xi32, #tpu.memory_space<vmem>>) semaphore(%arg17 : memref<!tpu.dma_semaphore, #tpu.memory_space<semaphore_mem>>)
        } else {
        }
      }
      %scan3A_31 = arith.constant 62 : i32
      %scan3A_32 = arith.constant 0 : i32
      %scan3A_33 = arith.constant 5 : i32
      %scan3A_34 = arith.addi %scan3A_32, %scan3A_33 : i32
      %scan3A_35 = arith.constant 1 : i32
      scf.for %scan3A_55 = %scan3A_32 to %scan3A_34 step %scan3A_35  : i32 {
        %mul3A_56 = arith.constant 16 : i32
        %mul3A_57 = arith.muli %scan3A_55, %mul3A_56 : i32
        %add3A = arith.constant 0 : i32
        %add3A_58 = arith.addi %add3A, %mul3A_57 : i32
        %add3A_59 = arith.constant 9920 : i32
        %add3A_60 = arith.addi %add3A_59, %add3A_58 : i32
        %get3A = arith.index_cast %add3A_60 : i32 to index
        %get3A_61 = tpu.vector_load %arg11[%get3A] {strides = array<i32>} : memref<10000xi32, #tpu.memory_space<vmem>>, vector<16xi32>,
        %get3A_62 = vector.shape_cast %get3A_61 : vector<16xi32> to vector<16xi32>
        %swap3A = arith.index_cast %add3A_58 : i32 to index
        %swap3A_63 = tpu.vector_load %arg12[%swap3A] {strides = array<i32>} : memref<80xi32, #tpu.memory_space<vmem>>, vector<16xi32>,
        %swap3A_64 = vector.shape_cast %swap3A_63 : vector<16xi32> to vector<16xi32>
        %swap3A_65 = vector.shape_cast %get3A_62 : vector<16xi32> to vector<16xi32>
        tpu.vector_store %arg12[%swap3A], %swap3A_65 {strides = array<i32>} : memref<80xi32, #tpu.memory_space<vmem>>, vector<16xi32>,
      }
      %scan3A_36 = arith.constant 5 : i32
      %dma_wait3A = arith.constant 9920 : i32
      %dma_wait3A_37 = tpu.memref_slice %arg10[%dma_wait3A] : memref<10000xi32, #tpu.memory_space<vmem>> -> memref<80xi32, #tpu.memory_space<vmem>>
      %dma_wait3A_38 = arith.constant 0 : i32
      %dma_wait3A_39 = arith.constant 0 : i32
      %dma_wait3A_40 = tpu.memref_slice %arg2[%dma_wait3A_38, %dma_wait3A_39] : memref<10000x128xf32, #tpu.memory_space<hbm>> -> memref<10000x128xf32, #tpu.memory_space<hbm>>
      tpu.wait_indirect_dma semaphore(%arg16 : memref<!tpu.dma_semaphore, #tpu.memory_space<semaphore_mem>>) src(%dma_wait3A_40 : memref<10000x128xf32, #tpu.memory_space<hbm>>) dst(%arg14 : memref<80x128xf32, #tpu.memory_space<vmem>>)
      "tpu.region"() ({
        %run_scoped3A = tpu.sem_alloc : memref<!tpu.dma_semaphore, #tpu.memory_space<semaphore_mem>>
        %dma_start3A_55 = arith.constant 0 : i32
        %dma_start3A_56 = arith.constant 0 : i32
        %dma_start3A_57 = tpu.memref_slice %arg9[%dma_start3A_55, %dma_start3A_56] : memref<10016x128xf32, #tpu.memory_space<vmem_shared>> -> memref<10016x128xf32, #tpu.memory_space<vmem_shared>>
        tpu.enqueue_indirect_dma source(%arg14 : memref<80x128xf32, #tpu.memory_space<vmem>>) target(%dma_start3A_57 : memref<10016x128xf32, #tpu.memory_space<vmem_shared>>) offsets(%arg12 : memref<80xi32, #tpu.memory_space<vmem>>) semaphore(%run_scoped3A : memref<!tpu.dma_semaphore, #tpu.memory_space<semaphore_mem>>) {add = true}
        %dma_wait3A_58 = arith.constant 0 : i32
        %dma_wait3A_59 = arith.constant 0 : i32
        %dma_wait3A_60 = tpu.memref_slice %arg9[%dma_wait3A_58, %dma_wait3A_59] : memref<10016x128xf32, #tpu.memory_space<vmem_shared>> -> memref<10016x128xf32, #tpu.memory_space<vmem_shared>>
        tpu.wait_indirect_dma semaphore(%run_scoped3A : memref<!tpu.dma_semaphore, #tpu.memory_space<semaphore_mem>>) src(%arg14 : memref<80x128xf32, #tpu.memory_space<vmem>>) dst(%dma_wait3A_60 : memref<10016x128xf32, #tpu.memory_space<vmem_shared>>)
        tpu.yield
      }) : () -> ()
      %barrier3A_41 = arith.constant 0 : index
      tpu.barrier barrier_id(%barrier3A_41)
      %mul3A_42 = arith.constant 640 : i32
      %mul3A_43 = arith.muli %arg1, %mul3A_42 : i32
      %multiple_of3A_44 = tpu.assume_multiple %mul3A_43, 8 : i32
      %lt3A_45 = arith.constant 15 : i32
      %lt3A_46 = arith.cmpi slt, %arg1, %lt3A_45 : i32
      %convert_element_type3A_47 = arith.extui %lt3A_46 : i1 to i32
      %cond3A_48 = arith.constant 0 : i32
      %cond3A_49 = arith.cmpi ne, %convert_element_type3A_47, %cond3A_48 : i32
      scf.if %cond3A_49 {
        "tpu.region"() ({
          %run_scoped3A = tpu.sem_alloc : memref<!tpu.dma_semaphore, #tpu.memory_space<semaphore_mem>>
          %dma_start3A_55 = arith.constant 0 : i32
          %dma_start3A_56 = tpu.memref_slice %arg7[%multiple_of3A_44, %dma_start3A_55] : memref<10000x128xf32, #tpu.memory_space<hbm>> -> memref<640x128xf32, #tpu.memory_space<hbm>>
          %dma_start3A_57 = arith.constant 0 : i32
          %dma_start3A_58 = tpu.memref_slice %arg9[%multiple_of3A_44, %dma_start3A_57] : memref<10016x128xf32, #tpu.memory_space<vmem_shared>> -> memref<640x128xf32, #tpu.memory_space<vmem_shared>>
          tpu.enqueue_dma source(%dma_start3A_58 : memref<640x128xf32, #tpu.memory_space<vmem_shared>>) target(%dma_start3A_56 : memref<640x128xf32, #tpu.memory_space<hbm>>) target_semaphore(%run_scoped3A : memref<!tpu.dma_semaphore, #tpu.memory_space<semaphore_mem>>)
          %dma_wait3A_59 = arith.constant 0 : i32
          %dma_wait3A_60 = tpu.memref_slice %arg7[%multiple_of3A_44, %dma_wait3A_59] : memref<10000x128xf32, #tpu.memory_space<hbm>> -> memref<640x128xf32, #tpu.memory_space<hbm>>
          %dma_wait3A_61 = arith.constant 0 : i32
          %dma_wait3A_62 = tpu.memref_slice %arg9[%multiple_of3A_44, %dma_wait3A_61] : memref<10016x128xf32, #tpu.memory_space<vmem_shared>> -> memref<640x128xf32, #tpu.memory_space<vmem_shared>>
          tpu.wait_dma2 semaphore(%run_scoped3A : memref<!tpu.dma_semaphore, #tpu.memory_space<semaphore_mem>>) src(%dma_wait3A_62 : memref<640x128xf32, #tpu.memory_space<vmem_shared>>) dst(%dma_wait3A_60 : memref<640x128xf32, #tpu.memory_space<hbm>>)
          tpu.yield
        }) : () -> ()
      } else {
      }
      %eq3A_50 = arith.constant 15 : i32
      %eq3A_51 = arith.cmpi eq, %arg1, %eq3A_50 : i32
      %convert_element_type3A_52 = arith.extui %eq3A_51 : i1 to i32
      %cond3A_53 = arith.constant 0 : i32
      %cond3A_54 = arith.cmpi ne, %convert_element_type3A_52, %cond3A_53 : i32
      scf.if %cond3A_54 {
        "tpu.region"() ({
          %run_scoped3A = tpu.sem_alloc : memref<!tpu.dma_semaphore, #tpu.memory_space<semaphore_mem>>
          %dma_start3A_55 = arith.constant 0 : i32
          %dma_start3A_56 = tpu.memref_slice %arg7[%multiple_of3A_44, %dma_start3A_55] : memref<10000x128xf32, #tpu.memory_space<hbm>> -> memref<400x128xf32, #tpu.memory_space<hbm>>
          %dma_start3A_57 = arith.constant 0 : i32
          %dma_start3A_58 = tpu.memref_slice %arg9[%multiple_of3A_44, %dma_start3A_57] : memref<10016x128xf32, #tpu.memory_space<vmem_shared>> -> memref<400x128xf32, #tpu.memory_space<vmem_shared>>
          tpu.enqueue_dma source(%dma_start3A_58 : memref<400x128xf32, #tpu.memory_space<vmem_shared>>) target(%dma_start3A_56 : memref<400x128xf32, #tpu.memory_space<hbm>>) target_semaphore(%run_scoped3A : memref<!tpu.dma_semaphore, #tpu.memory_space<semaphore_mem>>)
          %dma_wait3A_59 = arith.constant 0 : i32
          %dma_wait3A_60 = tpu.memref_slice %arg7[%multiple_of3A_44, %dma_wait3A_59] : memref<10000x128xf32, #tpu.memory_space<hbm>> -> memref<400x128xf32, #tpu.memory_space<hbm>>
          %dma_wait3A_61 = arith.constant 0 : i32
          %dma_wait3A_62 = tpu.memref_slice %arg9[%multiple_of3A_44, %dma_wait3A_61] : memref<10016x128xf32, #tpu.memory_space<vmem_shared>> -> memref<400x128xf32, #tpu.memory_space<vmem_shared>>
          tpu.wait_dma2 semaphore(%run_scoped3A : memref<!tpu.dma_semaphore, #tpu.memory_space<semaphore_mem>>) src(%dma_wait3A_62 : memref<400x128xf32, #tpu.memory_space<vmem_shared>>) dst(%dma_wait3A_60 : memref<400x128xf32, #tpu.memory_space<hbm>>)
          tpu.yield
        }) : () -> ()
      } else {
      }
    } else {
    }
    %eq3A_14 = arith.constant 1 : i32
    %eq3A_15 = arith.cmpi eq, %arg0, %eq3A_14 : i32
    %convert_element_type3A_16 = arith.extui %eq3A_15 : i1 to i32
    %cond3A_17 = arith.constant 0 : i32
    %cond3A_18 = arith.cmpi ne, %convert_element_type3A_16, %cond3A_17 : i32
    scf.if %cond3A_18 {
      %dma_start3A = arith.constant 0 : i32
      %dma_start3A_19 = tpu.memref_slice %arg10[%dma_start3A] : memref<10000xi32, #tpu.memory_space<vmem>> -> memref<80xi32, #tpu.memory_space<vmem>>
      %dma_start3A_20 = arith.constant 0 : i32
      %dma_start3A_21 = arith.constant 0 : i32
      %dma_start3A_22 = tpu.memref_slice %arg3[%dma_start3A_20, %dma_start3A_21] : memref<10000x128xf32, #tpu.memory_space<hbm>> -> memref<10000x128xf32, #tpu.memory_space<hbm>>
      tpu.enqueue_indirect_dma source(%dma_start3A_22 : memref<10000x128xf32, #tpu.memory_space<hbm>>) target(%arg14 : memref<80x128xf32, #tpu.memory_space<vmem>>) offsets(%dma_start3A_19 : memref<80xi32, #tpu.memory_space<vmem>>) semaphore(%arg16 : memref<!tpu.dma_semaphore, #tpu.memory_space<semaphore_mem>>)
      %dma_start3A_23 = arith.constant 80 : i32
      %dma_start3A_24 = tpu.memref_slice %arg10[%dma_start3A_23] : memref<10000xi32, #tpu.memory_space<vmem>> -> memref<80xi32, #tpu.memory_space<vmem>>
      %dma_start3A_25 = arith.constant 0 : i32
      %dma_start3A_26 = arith.constant 0 : i32
      %dma_start3A_27 = tpu.memref_slice %arg3[%dma_start3A_25, %dma_start3A_26] : memref<10000x128xf32, #tpu.memory_space<hbm>> -> memref<10000x128xf32, #tpu.memory_space<hbm>>
      tpu.enqueue_indirect_dma source(%dma_start3A_27 : memref<10000x128xf32, #tpu.memory_space<hbm>>) target(%arg15 : memref<80x128xf32, #tpu.memory_space<vmem>>) offsets(%dma_start3A_24 : memref<80xi32, #tpu.memory_space<vmem>>) semaphore(%arg17 : memref<!tpu.dma_semaphore, #tpu.memory_space<semaphore_mem>>)
      %scan3A = arith.constant 0 : i32
      %scan3A_28 = arith.constant 62 : i32
      %scan3A_29 = arith.addi %scan3A, %scan3A_28 : i32
      %scan3A_30 = arith.constant 1 : i32
      scf.for %scan3A_55 = %scan3A to %scan3A_29 step %scan3A_30  : i32 {
        %mul3A_56 = arith.constant 2 : i32
        %mul3A_57 = arith.muli %scan3A_55, %mul3A_56 : i32
        %add3A = arith.constant 0 : i32
        %add3A_58 = arith.addi %add3A, %mul3A_57 : i32
        %add3A_59 = arith.constant 0 : i32
        %add3A_60 = arith.addi %add3A_58, %add3A_59 : i32
        %scan3A_61 = arith.constant 0 : i32
        %scan3A_62 = arith.constant 5 : i32
        %scan3A_63 = arith.addi %scan3A_61, %scan3A_62 : i32
        %scan3A_64 = arith.constant 1 : i32
        scf.for %scan3A_99 = %scan3A_61 to %scan3A_63 step %scan3A_64  : i32 {
          %mul3A_100 = arith.constant 16 : i32
          %mul3A_101 = arith.muli %scan3A_99, %mul3A_100 : i32
          %add3A_102 = arith.constant 0 : i32
          %add3A_103 = arith.addi %add3A_102, %mul3A_101 : i32
          %mul3A_104 = arith.constant 80 : i32
          %mul3A_105 = arith.muli %add3A_60, %mul3A_104 : i32
          %add3A_106 = arith.addi %mul3A_105, %add3A_103 : i32
          %get3A = arith.index_cast %add3A_106 : i32 to index
          %get3A_107 = tpu.vector_load %arg11[%get3A] {strides = array<i32>} : memref<10000xi32, #tpu.memory_space<vmem>>, vector<16xi32>,
          %get3A_108 = vector.shape_cast %get3A_107 : vector<16xi32> to vector<16xi32>
          %swap3A = arith.index_cast %add3A_103 : i32 to index
          %swap3A_109 = tpu.vector_load %arg12[%swap3A] {strides = array<i32>} : memref<80xi32, #tpu.memory_space<vmem>>, vector<16xi32>,
          %swap3A_110 = vector.shape_cast %swap3A_109 : vector<16xi32> to vector<16xi32>
          %swap3A_111 = vector.shape_cast %get3A_108 : vector<16xi32> to vector<16xi32>
          tpu.vector_store %arg12[%swap3A], %swap3A_111 {strides = array<i32>} : memref<80xi32, #tpu.memory_space<vmem>>, vector<16xi32>,
        }
        %scan3A_65 = arith.constant 5 : i32
        %mul3A_66 = arith.constant 80 : i32
        %mul3A_67 = arith.muli %add3A_60, %mul3A_66 : i32
        %dma_wait3A_68 = tpu.memref_slice %arg10[%mul3A_67] : memref<10000xi32, #tpu.memory_space<vmem>> -> memref<80xi32, #tpu.memory_space<vmem>>
        %dma_wait3A_69 = arith.constant 0 : i32
        %dma_wait3A_70 = arith.constant 0 : i32
        %dma_wait3A_71 = tpu.memref_slice %arg3[%dma_wait3A_69, %dma_wait3A_70] : memref<10000x128xf32, #tpu.memory_space<hbm>> -> memref<10000x128xf32, #tpu.memory_space<hbm>>
        tpu.wait_indirect_dma semaphore(%arg16 : memref<!tpu.dma_semaphore, #tpu.memory_space<semaphore_mem>>) src(%dma_wait3A_71 : memref<10000x128xf32, #tpu.memory_space<hbm>>) dst(%arg14 : memref<80x128xf32, #tpu.memory_space<vmem>>)
        "tpu.region"() ({
          %run_scoped3A = tpu.sem_alloc : memref<!tpu.dma_semaphore, #tpu.memory_space<semaphore_mem>>
          %dma_start3A_99 = arith.constant 0 : i32
          %dma_start3A_100 = arith.constant 0 : i32
          %dma_start3A_101 = tpu.memref_slice %arg9[%dma_start3A_99, %dma_start3A_100] : memref<10016x128xf32, #tpu.memory_space<vmem_shared>> -> memref<10016x128xf32, #tpu.memory_space<vmem_shared>>
          tpu.enqueue_indirect_dma source(%arg14 : memref<80x128xf32, #tpu.memory_space<vmem>>) target(%dma_start3A_101 : memref<10016x128xf32, #tpu.memory_space<vmem_shared>>) offsets(%arg12 : memref<80xi32, #tpu.memory_space<vmem>>) semaphore(%run_scoped3A : memref<!tpu.dma_semaphore, #tpu.memory_space<semaphore_mem>>) {add = true}
          %dma_wait3A_102 = arith.constant 0 : i32
          %dma_wait3A_103 = arith.constant 0 : i32
          %dma_wait3A_104 = tpu.memref_slice %arg9[%dma_wait3A_102, %dma_wait3A_103] : memref<10016x128xf32, #tpu.memory_space<vmem_shared>> -> memref<10016x128xf32, #tpu.memory_space<vmem_shared>>
          tpu.wait_indirect_dma semaphore(%run_scoped3A : memref<!tpu.dma_semaphore, #tpu.memory_space<semaphore_mem>>) src(%arg14 : memref<80x128xf32, #tpu.memory_space<vmem>>) dst(%dma_wait3A_104 : memref<10016x128xf32, #tpu.memory_space<vmem_shared>>)
          tpu.yield
        }) : () -> ()
        %add3A_72 = arith.constant 2 : i32
        %add3A_73 = arith.addi %add3A_60, %add3A_72 : i32
        %lt3A_74 = arith.constant 125 : i32
        %lt3A_75 = arith.cmpi slt, %add3A_73, %lt3A_74 : i32
        %convert_element_type3A_76 = arith.extui %lt3A_75 : i1 to i32
        %cond3A_77 = arith.constant 0 : i32
        %cond3A_78 = arith.cmpi ne, %convert_element_type3A_76, %cond3A_77 : i32
        scf.if %cond3A_78 {
          %add3A_99 = arith.constant 2 : i32
          %add3A_100 = arith.addi %add3A_60, %add3A_99 : i32
          %mul3A_101 = arith.constant 80 : i32
          %mul3A_102 = arith.muli %add3A_100, %mul3A_101 : i32
          %dma_start3A_103 = tpu.memref_slice %arg10[%mul3A_102] : memref<10000xi32, #tpu.memory_space<vmem>> -> memref<80xi32, #tpu.memory_space<vmem>>
          %dma_start3A_104 = arith.constant 0 : i32
          %dma_start3A_105 = arith.constant 0 : i32
          %dma_start3A_106 = tpu.memref_slice %arg3[%dma_start3A_104, %dma_start3A_105] : memref<10000x128xf32, #tpu.memory_space<hbm>> -> memref<10000x128xf32, #tpu.memory_space<hbm>>
          tpu.enqueue_indirect_dma source(%dma_start3A_106 : memref<10000x128xf32, #tpu.memory_space<hbm>>) target(%arg14 : memref<80x128xf32, #tpu.memory_space<vmem>>) offsets(%dma_start3A_103 : memref<80xi32, #tpu.memory_space<vmem>>) semaphore(%arg16 : memref<!tpu.dma_semaphore, #tpu.memory_space<semaphore_mem>>)
        } else {
        }
        %add3A_79 = arith.constant 1 : i32
        %add3A_80 = arith.addi %add3A_58, %add3A_79 : i32
        %scan3A_81 = arith.constant 0 : i32
        %scan3A_82 = arith.constant 5 : i32
        %scan3A_83 = arith.addi %scan3A_81, %scan3A_82 : i32
        %scan3A_84 = arith.constant 1 : i32
        scf.for %scan3A_99 = %scan3A_81 to %scan3A_83 step %scan3A_84  : i32 {
          %mul3A_100 = arith.constant 16 : i32
          %mul3A_101 = arith.muli %scan3A_99, %mul3A_100 : i32
          %add3A_102 = arith.constant 0 : i32
          %add3A_103 = arith.addi %add3A_102, %mul3A_101 : i32
          %mul3A_104 = arith.constant 80 : i32
          %mul3A_105 = arith.muli %add3A_80, %mul3A_104 : i32
          %add3A_106 = arith.addi %mul3A_105, %add3A_103 : i32
          %get3A = arith.index_cast %add3A_106 : i32 to index
          %get3A_107 = tpu.vector_load %arg11[%get3A] {strides = array<i32>} : memref<10000xi32, #tpu.memory_space<vmem>>, vector<16xi32>,
          %get3A_108 = vector.shape_cast %get3A_107 : vector<16xi32> to vector<16xi32>
          %swap3A = arith.index_cast %add3A_103 : i32 to index
          %swap3A_109 = tpu.vector_load %arg13[%swap3A] {strides = array<i32>} : memref<80xi32, #tpu.memory_space<vmem>>, vector<16xi32>,
          %swap3A_110 = vector.shape_cast %swap3A_109 : vector<16xi32> to vector<16xi32>
          %swap3A_111 = vector.shape_cast %get3A_108 : vector<16xi32> to vector<16xi32>
          tpu.vector_store %arg13[%swap3A], %swap3A_111 {strides = array<i32>} : memref<80xi32, #tpu.memory_space<vmem>>, vector<16xi32>,
        }
        %scan3A_85 = arith.constant 5 : i32
        %mul3A_86 = arith.constant 80 : i32
        %mul3A_87 = arith.muli %add3A_80, %mul3A_86 : i32
        %dma_wait3A_88 = tpu.memref_slice %arg10[%mul3A_87] : memref<10000xi32, #tpu.memory_space<vmem>> -> memref<80xi32, #tpu.memory_space<vmem>>
        %dma_wait3A_89 = arith.constant 0 : i32
        %dma_wait3A_90 = arith.constant 0 : i32
        %dma_wait3A_91 = tpu.memref_slice %arg3[%dma_wait3A_89, %dma_wait3A_90] : memref<10000x128xf32, #tpu.memory_space<hbm>> -> memref<10000x128xf32, #tpu.memory_space<hbm>>
        tpu.wait_indirect_dma semaphore(%arg17 : memref<!tpu.dma_semaphore, #tpu.memory_space<semaphore_mem>>) src(%dma_wait3A_91 : memref<10000x128xf32, #tpu.memory_space<hbm>>) dst(%arg15 : memref<80x128xf32, #tpu.memory_space<vmem>>)
        "tpu.region"() ({
          %run_scoped3A = tpu.sem_alloc : memref<!tpu.dma_semaphore, #tpu.memory_space<semaphore_mem>>
          %dma_start3A_99 = arith.constant 0 : i32
          %dma_start3A_100 = arith.constant 0 : i32
          %dma_start3A_101 = tpu.memref_slice %arg9[%dma_start3A_99, %dma_start3A_100] : memref<10016x128xf32, #tpu.memory_space<vmem_shared>> -> memref<10016x128xf32, #tpu.memory_space<vmem_shared>>
          tpu.enqueue_indirect_dma source(%arg15 : memref<80x128xf32, #tpu.memory_space<vmem>>) target(%dma_start3A_101 : memref<10016x128xf32, #tpu.memory_space<vmem_shared>>) offsets(%arg13 : memref<80xi32, #tpu.memory_space<vmem>>) semaphore(%run_scoped3A : memref<!tpu.dma_semaphore, #tpu.memory_space<semaphore_mem>>) {add = true}
          %dma_wait3A_102 = arith.constant 0 : i32
          %dma_wait3A_103 = arith.constant 0 : i32
          %dma_wait3A_104 = tpu.memref_slice %arg9[%dma_wait3A_102, %dma_wait3A_103] : memref<10016x128xf32, #tpu.memory_space<vmem_shared>> -> memref<10016x128xf32, #tpu.memory_space<vmem_shared>>
          tpu.wait_indirect_dma semaphore(%run_scoped3A : memref<!tpu.dma_semaphore, #tpu.memory_space<semaphore_mem>>) src(%arg15 : memref<80x128xf32, #tpu.memory_space<vmem>>) dst(%dma_wait3A_104 : memref<10016x128xf32, #tpu.memory_space<vmem_shared>>)
          tpu.yield
        }) : () -> ()
        %add3A_92 = arith.constant 2 : i32
        %add3A_93 = arith.addi %add3A_80, %add3A_92 : i32
        %lt3A_94 = arith.constant 125 : i32
        %lt3A_95 = arith.cmpi slt, %add3A_93, %lt3A_94 : i32
        %convert_element_type3A_96 = arith.extui %lt3A_95 : i1 to i32
        %cond3A_97 = arith.constant 0 : i32
        %cond3A_98 = arith.cmpi ne, %convert_element_type3A_96, %cond3A_97 : i32
        scf.if %cond3A_98 {
          %add3A_99 = arith.constant 2 : i32
          %add3A_100 = arith.addi %add3A_80, %add3A_99 : i32
          %mul3A_101 = arith.constant 80 : i32
          %mul3A_102 = arith.muli %add3A_100, %mul3A_101 : i32
          %dma_start3A_103 = tpu.memref_slice %arg10[%mul3A_102] : memref<10000xi32, #tpu.memory_space<vmem>> -> memref<80xi32, #tpu.memory_space<vmem>>
          %dma_start3A_104 = arith.constant 0 : i32
          %dma_start3A_105 = arith.constant 0 : i32
          %dma_start3A_106 = tpu.memref_slice %arg3[%dma_start3A_104, %dma_start3A_105] : memref<10000x128xf32, #tpu.memory_space<hbm>> -> memref<10000x128xf32, #tpu.memory_space<hbm>>
          tpu.enqueue_indirect_dma source(%dma_start3A_106 : memref<10000x128xf32, #tpu.memory_space<hbm>>) target(%arg15 : memref<80x128xf32, #tpu.memory_space<vmem>>) offsets(%dma_start3A_103 : memref<80xi32, #tpu.memory_space<vmem>>) semaphore(%arg17 : memref<!tpu.dma_semaphore, #tpu.memory_space<semaphore_mem>>)
        } else {
        }
      }
      %scan3A_31 = arith.constant 62 : i32
      %scan3A_32 = arith.constant 0 : i32
      %scan3A_33 = arith.constant 5 : i32
      %scan3A_34 = arith.addi %scan3A_32, %scan3A_33 : i32
      %scan3A_35 = arith.constant 1 : i32
      scf.for %scan3A_55 = %scan3A_32 to %scan3A_34 step %scan3A_35  : i32 {
        %mul3A_56 = arith.constant 16 : i32
        %mul3A_57 = arith.muli %scan3A_55, %mul3A_56 : i32
        %add3A = arith.constant 0 : i32
        %add3A_58 = arith.addi %add3A, %mul3A_57 : i32
        %add3A_59 = arith.constant 9920 : i32
        %add3A_60 = arith.addi %add3A_59, %add3A_58 : i32
        %get3A = arith.index_cast %add3A_60 : i32 to index
        %get3A_61 = tpu.vector_load %arg11[%get3A] {strides = array<i32>} : memref<10000xi32, #tpu.memory_space<vmem>>, vector<16xi32>,
        %get3A_62 = vector.shape_cast %get3A_61 : vector<16xi32> to vector<16xi32>
        %swap3A = arith.index_cast %add3A_58 : i32 to index
        %swap3A_63 = tpu.vector_load %arg12[%swap3A] {strides = array<i32>} : memref<80xi32, #tpu.memory_space<vmem>>, vector<16xi32>,
        %swap3A_64 = vector.shape_cast %swap3A_63 : vector<16xi32> to vector<16xi32>
        %swap3A_65 = vector.shape_cast %get3A_62 : vector<16xi32> to vector<16xi32>
        tpu.vector_store %arg12[%swap3A], %swap3A_65 {strides = array<i32>} : memref<80xi32, #tpu.memory_space<vmem>>, vector<16xi32>,
      }
      %scan3A_36 = arith.constant 5 : i32
      %dma_wait3A = arith.constant 9920 : i32
      %dma_wait3A_37 = tpu.memref_slice %arg10[%dma_wait3A] : memref<10000xi32, #tpu.memory_space<vmem>> -> memref<80xi32, #tpu.memory_space<vmem>>
      %dma_wait3A_38 = arith.constant 0 : i32
      %dma_wait3A_39 = arith.constant 0 : i32
      %dma_wait3A_40 = tpu.memref_slice %arg3[%dma_wait3A_38, %dma_wait3A_39] : memref<10000x128xf32, #tpu.memory_space<hbm>> -> memref<10000x128xf32, #tpu.memory_space<hbm>>
      tpu.wait_indirect_dma semaphore(%arg16 : memref<!tpu.dma_semaphore, #tpu.memory_space<semaphore_mem>>) src(%dma_wait3A_40 : memref<10000x128xf32, #tpu.memory_space<hbm>>) dst(%arg14 : memref<80x128xf32, #tpu.memory_space<vmem>>)
      "tpu.region"() ({
        %run_scoped3A = tpu.sem_alloc : memref<!tpu.dma_semaphore, #tpu.memory_space<semaphore_mem>>
        %dma_start3A_55 = arith.constant 0 : i32
        %dma_start3A_56 = arith.constant 0 : i32
        %dma_start3A_57 = tpu.memref_slice %arg9[%dma_start3A_55, %dma_start3A_56] : memref<10016x128xf32, #tpu.memory_space<vmem_shared>> -> memref<10016x128xf32, #tpu.memory_space<vmem_shared>>
        tpu.enqueue_indirect_dma source(%arg14 : memref<80x128xf32, #tpu.memory_space<vmem>>) target(%dma_start3A_57 : memref<10016x128xf32, #tpu.memory_space<vmem_shared>>) offsets(%arg12 : memref<80xi32, #tpu.memory_space<vmem>>) semaphore(%run_scoped3A : memref<!tpu.dma_semaphore, #tpu.memory_space<semaphore_mem>>) {add = true}
        %dma_wait3A_58 = arith.constant 0 : i32
        %dma_wait3A_59 = arith.constant 0 : i32
        %dma_wait3A_60 = tpu.memref_slice %arg9[%dma_wait3A_58, %dma_wait3A_59] : memref<10016x128xf32, #tpu.memory_space<vmem_shared>> -> memref<10016x128xf32, #tpu.memory_space<vmem_shared>>
        tpu.wait_indirect_dma semaphore(%run_scoped3A : memref<!tpu.dma_semaphore, #tpu.memory_space<semaphore_mem>>) src(%arg14 : memref<80x128xf32, #tpu.memory_space<vmem>>) dst(%dma_wait3A_60 : memref<10016x128xf32, #tpu.memory_space<vmem_shared>>)
        tpu.yield
      }) : () -> ()
      %barrier3A_41 = arith.constant 0 : index
      tpu.barrier barrier_id(%barrier3A_41)
      %mul3A_42 = arith.constant 640 : i32
      %mul3A_43 = arith.muli %arg1, %mul3A_42 : i32
      %multiple_of3A_44 = tpu.assume_multiple %mul3A_43, 8 : i32
      %lt3A_45 = arith.constant 15 : i32
      %lt3A_46 = arith.cmpi slt, %arg1, %lt3A_45 : i32
      %convert_element_type3A_47 = arith.extui %lt3A_46 : i1 to i32
      %cond3A_48 = arith.constant 0 : i32
      %cond3A_49 = arith.cmpi ne, %convert_element_type3A_47, %cond3A_48 : i32
      scf.if %cond3A_49 {
        "tpu.region"() ({
          %run_scoped3A = tpu.sem_alloc : memref<!tpu.dma_semaphore, #tpu.memory_space<semaphore_mem>>
          %dma_start3A_55 = arith.constant 0 : i32
          %dma_start3A_56 = tpu.memref_slice %arg8[%multiple_of3A_44, %dma_start3A_55] : memref<10000x128xf32, #tpu.memory_space<hbm>> -> memref<640x128xf32, #tpu.memory_space<hbm>>
          %dma_start3A_57 = arith.constant 0 : i32
          %dma_start3A_58 = tpu.memref_slice %arg9[%multiple_of3A_44, %dma_start3A_57] : memref<10016x128xf32, #tpu.memory_space<vmem_shared>> -> memref<640x128xf32, #tpu.memory_space<vmem_shared>>
          tpu.enqueue_dma source(%dma_start3A_58 : memref<640x128xf32, #tpu.memory_space<vmem_shared>>) target(%dma_start3A_56 : memref<640x128xf32, #tpu.memory_space<hbm>>) target_semaphore(%run_scoped3A : memref<!tpu.dma_semaphore, #tpu.memory_space<semaphore_mem>>)
          %dma_wait3A_59 = arith.constant 0 : i32
          %dma_wait3A_60 = tpu.memref_slice %arg8[%multiple_of3A_44, %dma_wait3A_59] : memref<10000x128xf32, #tpu.memory_space<hbm>> -> memref<640x128xf32, #tpu.memory_space<hbm>>
          %dma_wait3A_61 = arith.constant 0 : i32
          %dma_wait3A_62 = tpu.memref_slice %arg9[%multiple_of3A_44, %dma_wait3A_61] : memref<10016x128xf32, #tpu.memory_space<vmem_shared>> -> memref<640x128xf32, #tpu.memory_space<vmem_shared>>
          tpu.wait_dma2 semaphore(%run_scoped3A : memref<!tpu.dma_semaphore, #tpu.memory_space<semaphore_mem>>) src(%dma_wait3A_62 : memref<640x128xf32, #tpu.memory_space<vmem_shared>>) dst(%dma_wait3A_60 : memref<640x128xf32, #tpu.memory_space<hbm>>)
          tpu.yield
        }) : () -> ()
      } else {
      }
      %eq3A_50 = arith.constant 15 : i32
      %eq3A_51 = arith.cmpi eq, %arg1, %eq3A_50 : i32
      %convert_element_type3A_52 = arith.extui %eq3A_51 : i1 to i32
      %cond3A_53 = arith.constant 0 : i32
      %cond3A_54 = arith.cmpi ne, %convert_element_type3A_52, %cond3A_53 : i32
      scf.if %cond3A_54 {
        "tpu.region"() ({
          %run_scoped3A = tpu.sem_alloc : memref<!tpu.dma_semaphore, #tpu.memory_space<semaphore_mem>>
          %dma_start3A_55 = arith.constant 0 : i32
          %dma_start3A_56 = tpu.memref_slice %arg8[%multiple_of3A_44, %dma_start3A_55] : memref<10000x128xf32, #tpu.memory_space<hbm>> -> memref<400x128xf32, #tpu.memory_space<hbm>>
          %dma_start3A_57 = arith.constant 0 : i32
          %dma_start3A_58 = tpu.memref_slice %arg9[%multiple_of3A_44, %dma_start3A_57] : memref<10016x128xf32, #tpu.memory_space<vmem_shared>> -> memref<400x128xf32, #tpu.memory_space<vmem_shared>>
          tpu.enqueue_dma source(%dma_start3A_58 : memref<400x128xf32, #tpu.memory_space<vmem_shared>>) target(%dma_start3A_56 : memref<400x128xf32, #tpu.memory_space<hbm>>) target_semaphore(%run_scoped3A : memref<!tpu.dma_semaphore, #tpu.memory_space<semaphore_mem>>)
          %dma_wait3A_59 = arith.constant 0 : i32
          %dma_wait3A_60 = tpu.memref_slice %arg8[%multiple_of3A_44, %dma_wait3A_59] : memref<10000x128xf32, #tpu.memory_space<hbm>> -> memref<400x128xf32, #tpu.memory_space<hbm>>
          %dma_wait3A_61 = arith.constant 0 : i32
          %dma_wait3A_62 = tpu.memref_slice %arg9[%multiple_of3A_44, %dma_wait3A_61] : memref<10016x128xf32, #tpu.memory_space<vmem_shared>> -> memref<400x128xf32, #tpu.memory_space<vmem_shared>>
          tpu.wait_dma2 semaphore(%run_scoped3A : memref<!tpu.dma_semaphore, #tpu.memory_space<semaphore_mem>>) src(%dma_wait3A_62 : memref<400x128xf32, #tpu.memory_space<vmem_shared>>) dst(%dma_wait3A_60 : memref<400x128xf32, #tpu.memory_space<hbm>>)
          tpu.yield
        }) : () -> ()
      } else {
      }
    } else {
    }
    return
  }
}

module attributes {stable_mosaic.version = 14 : i64} {
  func.func @body(%arg0: i32, %arg1: memref<1000x256xf32, #tpu.memory_space<vmem>>, %arg2: memref<256x256xf32, #tpu.memory_space<vmem>>, %arg3: memref<1000x128xf32, #tpu.memory_space<vmem>>, %arg4: memref<1000x128xf32, #tpu.memory_space<vmem>>, %arg5: memref<1000x128xf32, #tpu.memory_space<vmem>>, %arg6: memref<1000x128xf32, #tpu.memory_space<vmem>>, %arg7: memref<1000x8xf32, #tpu.memory_space<vmem>>) attributes {dimension_semantics = [#tpu.dimension_semantics<arbitrary>], iteration_bounds = array<i64: 10>, scalar_prefetch = 0 : i64, scratch_operands = 0 : i64, tpu.core_type = #tpu.core_type<tc>, window_params = [{transform_indices = @transform_0, window_bounds = array<i64: 1000, 256>}, {pipeline_mode = #tpu.pipeline_mode<synchronous>, transform_indices = @transform_1, window_bounds = array<i64: 256, 256>}, {transform_indices = @transform_2, window_bounds = array<i64: 1000, 128>}, {transform_indices = @transform_3, window_bounds = array<i64: 1000, 128>}, {transform_indices = @transform_4, window_bounds = array<i64: 1000, 128>}, {transform_indices = @transform_5, window_bounds = array<i64: 1000, 128>}, {transform_indices = @transform_6, window_bounds = array<i64: 1000, 8>}]} {
    %get3A = arith.constant 0 : index
    %get3A_0 = arith.constant 0 : index
    %get3A_1 = vector.load %arg1[%get3A, %get3A_0] : memref<1000x256xf32, #tpu.memory_space<vmem>>, vector<1000x256xf32>
    %get3A_2 = arith.constant 0 : index
    %get3A_3 = arith.constant 0 : index
    %get3A_4 = vector.load %arg2[%get3A_2, %get3A_3] : memref<256x256xf32, #tpu.memory_space<vmem>>, vector<256x256xf32>
    %dot_general3A = arith.constant dense<0.000000e+00> : vector<1000x256xf32>
    %dot_general3A_5 = tpu.matmul %get3A_1, %get3A_4, %dot_general3A {dimension_numbers = #tpu.dot_dimension_numbers<[1], [0], [0], [1], [0, 0, 1, 1], [], []>, transpose_lhs_hint = false} : vector<1000x256xf32>, vector<256x256xf32>, vector<1000x256xf32> -> vector<1000x256xf32>
    %get3A_6 = arith.constant 0 : index
    %get3A_7 = arith.constant 0 : index
    %get3A_8 = vector.load %arg3[%get3A_6, %get3A_7] : memref<1000x128xf32, #tpu.memory_space<vmem>>, vector<1000x1xf32>
    %add3A = arith.constant 1.000000e+00 : f32
    %add3A_9 = vector.broadcast %add3A : f32 to vector<1000x1xf32>
    %add3A_10 = arith.addf %add3A_9, %get3A_8 : vector<1000x1xf32>
    %get3A_11 = arith.constant 0 : index
    %get3A_12 = arith.constant 0 : index
    %get3A_13 = vector.load %arg4[%get3A_11, %get3A_12] : memref<1000x128xf32, #tpu.memory_space<vmem>>, vector<1000x1xf32>
    %add3A_14 = arith.addf %add3A_10, %get3A_13 : vector<1000x1xf32>
    %rsqrt3A = math.rsqrt %add3A_14 : vector<1000x1xf32>
    %mul3A = vector.broadcast %rsqrt3A : vector<1000x1xf32> to vector<1000x256xf32>
    %mul3A_15 = arith.mulf %dot_general3A_5, %mul3A : vector<1000x256xf32>
    %slice3A = vector.extract_strided_slice %mul3A_15 {offsets = [0, 0], sizes = [1000, 128], strides = [1, 1]} : vector<1000x256xf32> to vector<1000x128xf32>
    %swap3A = arith.constant 0 : index
    %swap3A_16 = arith.constant 0 : index
    %swap3A_17 = vector.load %arg5[%swap3A, %swap3A_16] : memref<1000x128xf32, #tpu.memory_space<vmem>>, vector<1000x128xf32>
    tpu.vector_store %arg5[%swap3A, %swap3A_16], %slice3A {strides = array<i32>} : memref<1000x128xf32, #tpu.memory_space<vmem>>, vector<1000x128xf32>,
    %slice3A_18 = vector.extract_strided_slice %mul3A_15 {offsets = [0, 128], sizes = [1000, 128], strides = [1, 1]} : vector<1000x256xf32> to vector<1000x128xf32>
    %swap3A_19 = arith.constant 0 : index
    %swap3A_20 = arith.constant 0 : index
    %swap3A_21 = vector.load %arg6[%swap3A_19, %swap3A_20] : memref<1000x128xf32, #tpu.memory_space<vmem>>, vector<1000x128xf32>
    tpu.vector_store %arg6[%swap3A_19, %swap3A_20], %slice3A_18 {strides = array<i32>} : memref<1000x128xf32, #tpu.memory_space<vmem>>, vector<1000x128xf32>,
    %broadcast_in_dim3A = vector.shape_cast %rsqrt3A : vector<1000x1xf32> to vector<1000x1xf32>
    %broadcast_in_dim3A_22 = vector.broadcast %broadcast_in_dim3A : vector<1000x1xf32> to vector<1000x8xf32>
    %swap3A_23 = arith.constant 0 : index
    %swap3A_24 = arith.constant 0 : index
    %swap3A_25 = vector.load %arg7[%swap3A_23, %swap3A_24] : memref<1000x8xf32, #tpu.memory_space<vmem>>, vector<1000x8xf32>
    tpu.vector_store %arg7[%swap3A_23, %swap3A_24], %broadcast_in_dim3A_22 {strides = array<i32>} : memref<1000x8xf32, #tpu.memory_space<vmem>>, vector<1000x8xf32>,
    return
  }
  func.func @transform_0(%arg0: i32) -> (i32, i32) {
    %c0_i32 = arith.constant 0 : i32
    %c0_i32_0 = arith.constant 0 : i32
    return %arg0, %c0_i32 : i32, i32
  }
  func.func @transform_1(%arg0: i32) -> (i32, i32) {
    %c0_i32 = arith.constant 0 : i32
    %c0_i32_0 = arith.constant 0 : i32
    %c0_i32_1 = arith.constant 0 : i32
    return %c0_i32, %c0_i32_0 : i32, i32
  }
  func.func @transform_2(%arg0: i32) -> (i32, i32) {
    %c0_i32 = arith.constant 0 : i32
    %c0_i32_0 = arith.constant 0 : i32
    return %arg0, %c0_i32 : i32, i32
  }
  func.func @transform_3(%arg0: i32) -> (i32, i32) {
    %c0_i32 = arith.constant 0 : i32
    %c0_i32_0 = arith.constant 0 : i32
    return %arg0, %c0_i32 : i32, i32
  }
  func.func @transform_4(%arg0: i32) -> (i32, i32) {
    %c0_i32 = arith.constant 0 : i32
    %c0_i32_0 = arith.constant 0 : i32
    return %arg0, %c0_i32 : i32, i32
  }
  func.func @transform_5(%arg0: i32) -> (i32, i32) {
    %c0_i32 = arith.constant 0 : i32
    %c0_i32_0 = arith.constant 0 : i32
    return %arg0, %c0_i32 : i32, i32
  }
  func.func @transform_6(%arg0: i32) -> (i32, i32) {
    %c0_i32 = arith.constant 0 : i32
    %c0_i32_0 = arith.constant 0 : i32
    return %arg0, %c0_i32 : i32, i32
  }
}

module attributes {stable_mosaic.version = 14 : i64} {
  func.func @body(%arg0: i32, %arg1: memref<1000x128xf32, #tpu.memory_space<vmem>>, %arg2: memref<1000x128xf32, #tpu.memory_space<vmem>>, %arg3: memref<1000x128xf32, #tpu.memory_space<vmem>>, %arg4: memref<1000x128xf32, #tpu.memory_space<vmem>>, %arg5: memref<1000x8xf32, #tpu.memory_space<vmem>>, %arg6: memref<1x256xf32, #tpu.memory_space<vmem>>, %arg7: memref<1000x256xf32, #tpu.memory_space<vmem>>) attributes {dimension_semantics = [#tpu.dimension_semantics<arbitrary>], iteration_bounds = array<i64: 10>, scalar_prefetch = 0 : i64, scratch_operands = 0 : i64, tpu.core_type = #tpu.core_type<tc>, window_params = [{transform_indices = @transform_0, window_bounds = array<i64: 1000, 128>}, {transform_indices = @transform_1, window_bounds = array<i64: 1000, 128>}, {transform_indices = @transform_2, window_bounds = array<i64: 1000, 128>}, {transform_indices = @transform_3, window_bounds = array<i64: 1000, 128>}, {transform_indices = @transform_4, window_bounds = array<i64: 1000, 8>}, {pipeline_mode = #tpu.pipeline_mode<synchronous>, transform_indices = @transform_5, window_bounds = array<i64: 1, 256>}, {transform_indices = @transform_6, window_bounds = array<i64: 1000, 256>}]} {
    %get3A = arith.constant 0 : index
    %get3A_0 = arith.constant 0 : index
    %get3A_1 = vector.load %arg5[%get3A, %get3A_0] : memref<1000x8xf32, #tpu.memory_space<vmem>>, vector<1000x1xf32>
    %get3A_2 = arith.constant 0 : index
    %get3A_3 = arith.constant 0 : index
    %get3A_4 = vector.load %arg1[%get3A_2, %get3A_3] : memref<1000x128xf32, #tpu.memory_space<vmem>>, vector<1000x128xf32>
    %get3A_5 = arith.constant 0 : index
    %get3A_6 = arith.constant 0 : index
    %get3A_7 = vector.load %arg3[%get3A_5, %get3A_6] : memref<1000x128xf32, #tpu.memory_space<vmem>>, vector<1000x128xf32>
    %add3A = arith.addf %get3A_4, %get3A_7 : vector<1000x128xf32>
    %mul3A = vector.broadcast %get3A_1 : vector<1000x1xf32> to vector<1000x128xf32>
    %mul3A_8 = arith.mulf %add3A, %mul3A : vector<1000x128xf32>
    %get3A_9 = arith.constant 0 : index
    %get3A_10 = arith.constant 0 : index
    %get3A_11 = vector.load %arg2[%get3A_9, %get3A_10] : memref<1000x128xf32, #tpu.memory_space<vmem>>, vector<1000x128xf32>
    %get3A_12 = arith.constant 0 : index
    %get3A_13 = arith.constant 0 : index
    %get3A_14 = vector.load %arg4[%get3A_12, %get3A_13] : memref<1000x128xf32, #tpu.memory_space<vmem>>, vector<1000x128xf32>
    %add3A_15 = arith.addf %get3A_11, %get3A_14 : vector<1000x128xf32>
    %mul3A_16 = vector.broadcast %get3A_1 : vector<1000x1xf32> to vector<1000x128xf32>
    %mul3A_17 = arith.mulf %add3A_15, %mul3A_16 : vector<1000x128xf32>
    %concatenate3A = tpu.concatenate %mul3A_8, %mul3A_17 in 1 : vector<1000x128xf32>, vector<1000x128xf32> -> vector<1000x256xf32>
    %get3A_18 = arith.constant 0 : index
    %get3A_19 = arith.constant 0 : index
    %get3A_20 = vector.load %arg6[%get3A_18, %get3A_19] : memref<1x256xf32, #tpu.memory_space<vmem>>, vector<1x256xf32>
    %add3A_21 = vector.broadcast %get3A_20 : vector<1x256xf32> to vector<1000x256xf32>
    %add3A_22 = arith.addf %concatenate3A, %add3A_21 : vector<1000x256xf32>
    %swap3A = arith.constant 0 : index
    %swap3A_23 = arith.constant 0 : index
    %swap3A_24 = vector.load %arg7[%swap3A, %swap3A_23] : memref<1000x256xf32, #tpu.memory_space<vmem>>, vector<1000x256xf32>
    tpu.vector_store %arg7[%swap3A, %swap3A_23], %add3A_22 {strides = array<i32>} : memref<1000x256xf32, #tpu.memory_space<vmem>>, vector<1000x256xf32>,
    return
  }
  func.func @transform_0(%arg0: i32) -> (i32, i32) {
    %c0_i32 = arith.constant 0 : i32
    %c0_i32_0 = arith.constant 0 : i32
    return %arg0, %c0_i32 : i32, i32
  }
  func.func @transform_1(%arg0: i32) -> (i32, i32) {
    %c0_i32 = arith.constant 0 : i32
    %c0_i32_0 = arith.constant 0 : i32
    return %arg0, %c0_i32 : i32, i32
  }
  func.func @transform_2(%arg0: i32) -> (i32, i32) {
    %c0_i32 = arith.constant 0 : i32
    %c0_i32_0 = arith.constant 0 : i32
    return %arg0, %c0_i32 : i32, i32
  }
  func.func @transform_3(%arg0: i32) -> (i32, i32) {
    %c0_i32 = arith.constant 0 : i32
    %c0_i32_0 = arith.constant 0 : i32
    return %arg0, %c0_i32 : i32, i32
  }
  func.func @transform_4(%arg0: i32) -> (i32, i32) {
    %c0_i32 = arith.constant 0 : i32
    %c0_i32_0 = arith.constant 0 : i32
    return %arg0, %c0_i32 : i32, i32
  }
  func.func @transform_5(%arg0: i32) -> (i32, i32) {
    %c0_i32 = arith.constant 0 : i32
    %c0_i32_0 = arith.constant 0 : i32
    %c0_i32_1 = arith.constant 0 : i32
    return %c0_i32, %c0_i32_0 : i32, i32
  }
  func.func @transform_6(%arg0: i32) -> (i32, i32) {
    %c0_i32 = arith.constant 0 : i32
    %c0_i32_0 = arith.constant 0 : i32
    return %arg0, %c0_i32 : i32, i32
  }
}

module attributes {stable_mosaic.version = 14 : i64} {
  func.func @body(%arg0: i32, %arg1: memref<1000x128xf32, #tpu.memory_space<vmem>>, %arg2: memref<1000x128xf32, #tpu.memory_space<vmem>>, %arg3: memref<1000x128xf32, #tpu.memory_space<vmem>>, %arg4: memref<1000x128xf32, #tpu.memory_space<vmem>>, %arg5: memref<1000x8xf32, #tpu.memory_space<vmem>>, %arg6: memref<1x256xf32, #tpu.memory_space<vmem>>, %arg7: memref<256x256xf32, #tpu.memory_space<vmem>>, %arg8: memref<1000x128xf32, #tpu.memory_space<vmem>>, %arg9: memref<1000x128xf32, #tpu.memory_space<vmem>>) attributes {dimension_semantics = [#tpu.dimension_semantics<arbitrary>], iteration_bounds = array<i64: 10>, scalar_prefetch = 0 : i64, scratch_operands = 0 : i64, tpu.core_type = #tpu.core_type<tc>, window_params = [{transform_indices = @transform_0, window_bounds = array<i64: 1000, 128>}, {transform_indices = @transform_1, window_bounds = array<i64: 1000, 128>}, {transform_indices = @transform_2, window_bounds = array<i64: 1000, 128>}, {transform_indices = @transform_3, window_bounds = array<i64: 1000, 128>}, {transform_indices = @transform_4, window_bounds = array<i64: 1000, 8>}, {pipeline_mode = #tpu.pipeline_mode<synchronous>, transform_indices = @transform_5, window_bounds = array<i64: 1, 256>}, {pipeline_mode = #tpu.pipeline_mode<synchronous>, transform_indices = @transform_6, window_bounds = array<i64: 256, 256>}, {transform_indices = @transform_7, window_bounds = array<i64: 1000, 128>}, {transform_indices = @transform_8, window_bounds = array<i64: 1000, 128>}]} {
    %get3A = arith.constant 0 : index
    %get3A_0 = arith.constant 0 : index
    %get3A_1 = vector.load %arg5[%get3A, %get3A_0] : memref<1000x8xf32, #tpu.memory_space<vmem>>, vector<1000x1xf32>
    %get3A_2 = arith.constant 0 : index
    %get3A_3 = arith.constant 0 : index
    %get3A_4 = vector.load %arg1[%get3A_2, %get3A_3] : memref<1000x128xf32, #tpu.memory_space<vmem>>, vector<1000x128xf32>
    %get3A_5 = arith.constant 0 : index
    %get3A_6 = arith.constant 0 : index
    %get3A_7 = vector.load %arg3[%get3A_5, %get3A_6] : memref<1000x128xf32, #tpu.memory_space<vmem>>, vector<1000x128xf32>
    %add3A = arith.addf %get3A_4, %get3A_7 : vector<1000x128xf32>
    %mul3A = vector.broadcast %get3A_1 : vector<1000x1xf32> to vector<1000x128xf32>
    %mul3A_8 = arith.mulf %add3A, %mul3A : vector<1000x128xf32>
    %get3A_9 = arith.constant 0 : index
    %get3A_10 = arith.constant 0 : index
    %get3A_11 = vector.load %arg2[%get3A_9, %get3A_10] : memref<1000x128xf32, #tpu.memory_space<vmem>>, vector<1000x128xf32>
    %get3A_12 = arith.constant 0 : index
    %get3A_13 = arith.constant 0 : index
    %get3A_14 = vector.load %arg4[%get3A_12, %get3A_13] : memref<1000x128xf32, #tpu.memory_space<vmem>>, vector<1000x128xf32>
    %add3A_15 = arith.addf %get3A_11, %get3A_14 : vector<1000x128xf32>
    %mul3A_16 = vector.broadcast %get3A_1 : vector<1000x1xf32> to vector<1000x128xf32>
    %mul3A_17 = arith.mulf %add3A_15, %mul3A_16 : vector<1000x128xf32>
    %concatenate3A = tpu.concatenate %mul3A_8, %mul3A_17 in 1 : vector<1000x128xf32>, vector<1000x128xf32> -> vector<1000x256xf32>
    %get3A_18 = arith.constant 0 : index
    %get3A_19 = arith.constant 0 : index
    %get3A_20 = vector.load %arg6[%get3A_18, %get3A_19] : memref<1x256xf32, #tpu.memory_space<vmem>>, vector<1x256xf32>
    %add3A_21 = vector.broadcast %get3A_20 : vector<1x256xf32> to vector<1000x256xf32>
    %add3A_22 = arith.addf %concatenate3A, %add3A_21 : vector<1000x256xf32>
    %tanh3A = math.tanh %add3A_22 : vector<1000x256xf32>
    %get3A_23 = arith.constant 0 : index
    %get3A_24 = arith.constant 0 : index
    %get3A_25 = vector.load %arg7[%get3A_23, %get3A_24] : memref<256x256xf32, #tpu.memory_space<vmem>>, vector<256x256xf32>
    %dot_general3A = arith.constant dense<0.000000e+00> : vector<1000x256xf32>
    %dot_general3A_26 = tpu.matmul %tanh3A, %get3A_25, %dot_general3A {dimension_numbers = #tpu.dot_dimension_numbers<[1], [0], [0], [1], [0, 0, 1, 1], [], []>, transpose_lhs_hint = false} : vector<1000x256xf32>, vector<256x256xf32>, vector<1000x256xf32> -> vector<1000x256xf32>
    %mul3A_27 = vector.broadcast %get3A_1 : vector<1000x1xf32> to vector<1000x256xf32>
    %mul3A_28 = arith.mulf %dot_general3A_26, %mul3A_27 : vector<1000x256xf32>
    %slice3A = vector.extract_strided_slice %mul3A_28 {offsets = [0, 0], sizes = [1000, 128], strides = [1, 1]} : vector<1000x256xf32> to vector<1000x128xf32>
    %swap3A = arith.constant 0 : index
    %swap3A_29 = arith.constant 0 : index
    %swap3A_30 = vector.load %arg8[%swap3A, %swap3A_29] : memref<1000x128xf32, #tpu.memory_space<vmem>>, vector<1000x128xf32>
    tpu.vector_store %arg8[%swap3A, %swap3A_29], %slice3A {strides = array<i32>} : memref<1000x128xf32, #tpu.memory_space<vmem>>, vector<1000x128xf32>,
    %slice3A_31 = vector.extract_strided_slice %mul3A_28 {offsets = [0, 128], sizes = [1000, 128], strides = [1, 1]} : vector<1000x256xf32> to vector<1000x128xf32>
    %swap3A_32 = arith.constant 0 : index
    %swap3A_33 = arith.constant 0 : index
    %swap3A_34 = vector.load %arg9[%swap3A_32, %swap3A_33] : memref<1000x128xf32, #tpu.memory_space<vmem>>, vector<1000x128xf32>
    tpu.vector_store %arg9[%swap3A_32, %swap3A_33], %slice3A_31 {strides = array<i32>} : memref<1000x128xf32, #tpu.memory_space<vmem>>, vector<1000x128xf32>,
    return
  }
  func.func @transform_0(%arg0: i32) -> (i32, i32) {
    %c0_i32 = arith.constant 0 : i32
    %c0_i32_0 = arith.constant 0 : i32
    return %arg0, %c0_i32 : i32, i32
  }
  func.func @transform_1(%arg0: i32) -> (i32, i32) {
    %c0_i32 = arith.constant 0 : i32
    %c0_i32_0 = arith.constant 0 : i32
    return %arg0, %c0_i32 : i32, i32
  }
  func.func @transform_2(%arg0: i32) -> (i32, i32) {
    %c0_i32 = arith.constant 0 : i32
    %c0_i32_0 = arith.constant 0 : i32
    return %arg0, %c0_i32 : i32, i32
  }
  func.func @transform_3(%arg0: i32) -> (i32, i32) {
    %c0_i32 = arith.constant 0 : i32
    %c0_i32_0 = arith.constant 0 : i32
    return %arg0, %c0_i32 : i32, i32
  }
  func.func @transform_4(%arg0: i32) -> (i32, i32) {
    %c0_i32 = arith.constant 0 : i32
    %c0_i32_0 = arith.constant 0 : i32
    return %arg0, %c0_i32 : i32, i32
  }
  func.func @transform_5(%arg0: i32) -> (i32, i32) {
    %c0_i32 = arith.constant 0 : i32
    %c0_i32_0 = arith.constant 0 : i32
    %c0_i32_1 = arith.constant 0 : i32
    return %c0_i32, %c0_i32_0 : i32, i32
  }
  func.func @transform_6(%arg0: i32) -> (i32, i32) {
    %c0_i32 = arith.constant 0 : i32
    %c0_i32_0 = arith.constant 0 : i32
    %c0_i32_1 = arith.constant 0 : i32
    return %c0_i32, %c0_i32_0 : i32, i32
  }
  func.func @transform_7(%arg0: i32) -> (i32, i32) {
    %c0_i32 = arith.constant 0 : i32
    %c0_i32_0 = arith.constant 0 : i32
    return %arg0, %c0_i32 : i32, i32
  }
  func.func @transform_8(%arg0: i32) -> (i32, i32) {
    %c0_i32 = arith.constant 0 : i32
    %c0_i32_0 = arith.constant 0 : i32
    return %arg0, %c0_i32 : i32, i32
  }
}

</mosaic_0001>

<sc_bundles>
// kernel: kernel.11.cloned.1.call-start
scs
__scs_entry_jumppad:
0x0: {  	(pc) =	sbr.rel $0x88, $3  }
0x1: {  	(tag) =	ssettag $0x0;
	lr =	simm.s32 $0x1  }
0x2: {  	[smem:$0x3F9B] =	sst lr;
	_ =	strace $0xD0000000  }
0x3: {  	_ = 	snop  }
0x4: {  	_ = 	snop  }
0x5: {  	_ = 	snop  }
0x6: {  	_ = 	snop  }
0x7: {  	_ = 	snop  }
__scs_overlays_trampoline_lowered:
0x8: {  	[smem:$0x3FAA] =	sst s0  }
0x9: {  	[smem:$0x3FAB] =	sst s1  }
0xa: {  	[smem:$0x3FAC] =	sst s2  }
0xb: {  	[smem:$0x3FAD] =	sst s3  }
0xc: {  	[smem:$0x3FAE] =	sst s4  }
0xd: {  	[smem:$0x3FAF] =	sst s5  }
0xe: {  	[smem:$0x3FB0] =	sst s6  }
0xf: {  	[smem:$0x3FB1] =	sst s7  }
0x10: {  	[smem:$0x3FB2] =	sst s8  }
0x11: {  	[smem:$0x3FB3] =	sst s9;
	s0 =	simm.s32 @!p0 $0x0  }
0x12: {  	s1 =	sld [smem:$0x3F99];
	s0 =	simm.s32 @p0 $0x1  }
0x13: {  	[smem:$0x3FB4] =	sst s0;
	s0 =	simm.s32 @!p1 $0x0  }
0x14: {  	s2 =	sld [smem:$0x3F98];
	s0 =	simm.s32 @p1 $0x1  }
0x15: {  	[smem:$0x3FB5] =	sst s0;
	s0 =	simm.s32 @!p2 $0x0  }
0x16: {  	s3 =	sld [smem:$0x3FDB];
	s0 =	simm.s32 @p2 $0x1  }
0x17: {  	s4 =	simm.s32 $0x1BF5;
	[smem:$0x3FB7] =	sst s0  }
0x18: {  	s0 =	sld [smem:$0x3F9A];
	_ =	swait.ge [sflag:s4], $0x0  }
0x19: {  	s7 =	sld [smem:$0x3F9B]  }
0x1a: {  	s8 =	sadd.s32 $0xFFFFE003, lr  }
0x1b: {  	s9 =	sadd.s32 $0xFFFFFEF7, lr;
	s5 =	simm.s32 $0xFFFFFFFF;
	p2 =	slt.u32 s8, $0xFFFFF086  }
0x1c: {  	p1 =	slt.u32 s9, $0xF7A;
	s5 =	simm.s32 @!p2 $0x0  }
0x1d: {  	s5 =	simm.s32 @p1 $0x1;
	p0 =	seq.s32 s7, s2  }
0x1e: {  	s7 =	smul.u32 @!p0 $0xF7A, s2;
	p2 =	seq.s32 @!p0 s5, $0x0  }
0x1f: {  	s9 =	smul.u32 $0xF7A, s1;
	s8 =	simm.s32 @!p0 $0x1BF5;
	p2 =	por !p2, p0  }
0x20: {  	[sflag:s8] =	ssyncset.s32 @!p0 $0xFFFFF086;
	s6 =	sadd.s32 @!p0 s3, s7;
	s7 =	simm.s32 @!p0 $0x108  }
0x21: {  	s3 =	sadd.s32 s3, s9;
	s6 =	sadd.s32 @!p0 $0x88, s6;
	s7 =	simm.s32 @p2 $0x1082  }
0x22: {  	[simem:s7], [sflag:s8] =	dma.local @!p0 [hbm:s6], $0xF7A  }
0x23: {  	s9 =	sor.u32 $0xD0000000, s2;
	s6 =	simm.s32 $0x108;
	_ =	swait.ge @!p0 [sflag:s8], $0x0  }
0x24: {  	s3 =	sadd.s32 $0x88, s3;
	s6 =	simm.s32 @!p1 $0x1082;
	[sflag:s4] =	ssyncset.s32 $0xFFFFF086  }
0x25: {  	[simem:s6], [sflag:s4] =	dma.local [hbm:s3], $0xF7A  }
0x26: {  	[smem:$0x3F9B] =	sst s1;
	(tag) =	ssettag s2;
	_ =	strace s9  }
0x27: {  	s1 =	sld [smem:$0x3FAB]  }
0x28: {  	s2 =	sld [smem:$0x3FAC]  }
0x29: {  	s4 =	sld [smem:$0x3FAE]  }
0x2a: {  	p0 =	seq.s32 s5, $0x0;
	s5 =	sld [smem:$0x3FAF]  }
0x2b: {  	s6 =	sld [smem:$0x3FB0]  }
0x2c: {  	s7 =	sld [smem:$0x3FB1]  }
0x2d: {  	s3 =	simm.s32 $0x108;
	s8 =	sld [smem:$0x3FB2]  }
0x2e: {  	s3 =	simm.s32 @!p0 $0x1082;
	s9 =	sld [smem:$0x3FB3]  }
0x2f: {  	lr =	sadd.s32 s0, s3;
	s0 =	sld [smem:$0x3FAA]  }
0x30: {  	s3 =	sld [smem:$0x3FAD]  }
0x31: {  	[smem:$0x3FB6] =	sst s10  }
0x32: {  	s10 =	sld [smem:$0x3FB4];
	_ =	sdelay $0x3  }
0x33: {  	p0 =	seq.s32 s10, $0x1;
	s10 =	sld [smem:$0x3FB6];
	_ =	sdelay $0x3  }
0x34: {  	[smem:$0x3FB6] =	sst s10  }
0x35: {  	s10 =	sld [smem:$0x3FB5];
	_ =	sdelay $0x3  }
0x36: {  	p1 =	seq.s32 s10, $0x1;
	s10 =	sld [smem:$0x3FB6];
	_ =	sdelay $0x3  }
0x37: {  	[smem:$0x3FB6] =	sst s10  }
0x38: {  	s10 =	sld [smem:$0x3FB7]  }
0x39: {  	_ = 	snop;
	(pc) =	sbr.ind lr, $3  }
0x3a: {  	_ = 	snop  }
0x3b: {  	_ = 	snop  }
0x3c: {  	p2 =	seq.s32 s10, $0x1;
	s10 =	sld [smem:$0x3FB6]  }
0x3d: {  	_ =	shalt  }
0x3e: {  	_ =	shalt  }
0x3f: {  	_ =	shalt  }
0x40: {  	_ =	shalt  }
0x41: {  	_ =	shalt  }
0x42: {  	_ =	shalt  }
0x43: {  	_ =	shalt  }
0x44: {  	_ =	shalt  }
0x45: {  	_ =	shalt  }
0x46: {  	_ =	shalt  }
0x47: {  	_ =	shalt  }
0x48: {  	_ =	shalt  }
0x49: {  	_ =	shalt  }
0x4a: {  	_ =	shalt  }
0x4b: {  	_ =	shalt  }
0x4c: {  	_ =	shalt  }
0x4d: {  	_ =	shalt  }
0x4e: {  	_ =	shalt  }
0x4f: {  	_ =	shalt  }
0x50: {  	_ =	shalt  }
0x51: {  	_ =	shalt  }
0x52: {  	_ =	shalt  }
0x53: {  	_ =	shalt  }
0x54: {  	_ =	shalt  }
0x55: {  	_ =	shalt  }
0x56: {  	_ =	shalt  }
0x57: {  	_ =	shalt  }
0x58: {  	_ =	shalt  }
0x59: {  	_ =	shalt  }
0x5a: {  	_ =	shalt  }
0x5b: {  	_ =	shalt  }
0x5c: {  	_ =	shalt  }
0x5d: {  	_ =	shalt  }
0x5e: {  	_ =	shalt  }
0x5f: {  	_ =	shalt  }
0x60: {  	_ =	shalt  }
0x61: {  	_ =	shalt  }
0x62: {  	_ =	shalt  }
0x63: {  	_ =	shalt  }
0x64: {  	_ =	shalt  }
0x65: {  	_ =	shalt  }
0x66: {  	_ =	shalt  }
0x67: {  	_ =	shalt  }
0x68: {  	_ =	shalt  }
0x69: {  	_ =	shalt  }
0x6a: {  	_ =	shalt  }
0x6b: {  	_ =	shalt  }
0x6c: {  	_ =	shalt  }
0x6d: {  	_ =	shalt  }
0x6e: {  	_ =	shalt  }
0x6f: {  	_ =	shalt  }
0x70: {  	_ =	shalt  }
0x71: {  	_ =	shalt  }
0x72: {  	_ =	shalt  }
0x73: {  	_ =	shalt  }
0x74: {  	_ =	shalt  }
0x75: {  	_ =	shalt  }
0x76: {  	_ =	shalt  }
0x77: {  	_ =	shalt  }
0x78: {  	_ =	shalt  }
0x79: {  	_ =	shalt  }
0x7a: {  	_ =	shalt  }
0x7b: {  	_ =	shalt  }
0x7c: {  	_ =	shalt  }
0x7d: {  	_ =	shalt  }
0x7e: {  	_ =	shalt  }
0x7f: {  	_ =	shalt  }
0x80: {  	_ =	shalt  }
0x81: {  	_ =	shalt  }
0x82: {  	_ =	shalt  }
0x83: {  	_ =	shalt  }
0x84: {  	_ =	shalt  }
0x85: {  	_ =	shalt  }
0x86: {  	_ =	shalt  }
0x87: {  	_ =	shalt  }
.Lfunc_end0:
.L_simem_size_0:
called_computation.1_lowered:
.L_overlay_start_0:
0x88: {  	s2 =	sld [smem:$0x3FD9]  }
0x89: {  	s3 =	sld [smem:$0x3FFE];
	_ =	sdelay $0x1  }
0x8a: {  	s1 =	srdreg.scid  }
0x8b: {  	s0 =	sand.u32 $0x1, s1  }
0x8c: {  	s17 =	sshll.u32 s0, $0xA;
	s2 =	sadd.s32 s3, s2  }
0x8d: {  	s2 =	sadd.s32 s2, s17  }
0x8e: {  	[smem:$0x3FC2] =	sst s2  }
0x8f: {  	_ = 	snop  }
0x90: {  	s2 =	sld [smem:$0x3FD0];
	(tm) =	ssettm $0x1  }
0x91: {  	s18 =	sld [smem:$0x3FFB];
	_ =	sdelay $0x3  }
0x92: {  	_ =	strace s18  }
0x93: {  	s3 =	sld [smem:$0x3FFC];
	_ =	sdelay $0x3  }
0x94: {  	_ =	strace s3  }
0x95: {  	s3 =	sld [smem:$0x3FFD];
	_ =	sdelay $0x3  }
0x96: {  	_ =	strace s3  }
0x97: {  	_ =	strace $0x8FFFFFFF  }
0x98: {  	s19 =	sld [smem:$0x3FDB];
	_ =	sdelay $0x1  }
0x99: {  	s4 =	simm.s32 $_scs_section_size  }
0x9a: {  	s5 =	simm.s32 $_size__tile_overlayer_lowered;
	s6 =	simm.s32 $_tile_overlayer_lowered  }
0x9b: {  	s22 =	simm.s32 $0x1BFF;
	s21 =	sshll.u32 s6, $0x1;
	s3 =	sadd.s32 s4, s19  }
0x9c: {  	s7 =	simm.s32 $0x0;
	s20 =	sshll.u32 s5, $0x1;
	s5 =	sadd.s32 s21, s3  }
0x9d: {  	[timem:s7], [sflag:s22] =	dma.local [hbm:s5], s20  }
0x9e: {  	_ =	swait.ge [sflag:s22], s20  }
0x9f: {  	s4 =	ssub.s32 $0x0, s20;
	[sflag:s22] =	ssyncset.done $0x0  }
0xa0: {  	[sflag:s22] =	ssyncadd.s32 s4;
	_ =	sdelay $0x1  }
0xa1: {  	s23 =	simm.s32 $0x1B8B  }
0xa2: {  	_ =	swait.ge [sflag:s23], $0x1  }
0xa3: {  	[sflag:s23] =	ssyncset.done $0x0  }
0xa4: {  	s25 =	simm.s32 $0x1B8E;
	s24 =	sld [smem:$0x3FFE];
	[sflag:s23] =	ssyncadd.s32 $0xFFFFFFFF  }
0xa5: {  	s26 =	simm.s32 $execute0_lowered;
	[smem:$0x3FD2] =	sst s25  }
0xa6: {  	s5 =	sshll.u32 s26, $0x1;
	_ =	strace $0x80000049;
	[dreg:$0x1] =	wrdreg $0xFFFFFFFF  }
0xa7: {  	s28 =	simm.s32 $_size_execute0_lowered;
	s3 =	sadd.s32 s3, s5;
	[dreg:$0x0] =	wrdreg $0x0  }
0xa8: {  	s5 =	sshll.u32 s28, $0x1;
	[dreg:$0x2] =	wrdreg s3  }
0xa9: {  	[dreg:$0x3] =	wrdreg s5  }
0xaa: {  	[dreg:$0x4] =	wrdreg $0xC0  }
0xab: {  	_ =	task [dreg:s7], $0x5FFFF  }
0xac: {  	[dreg:$0x1] =	wrdreg $0xFFFFFFFF  }
0xad: {  	[dreg:$0x0] =	wrdreg $0x60  }
0xae: {  	[dreg:$0x2] =	wrdreg s2  }
0xaf: {  	[dreg:$0x3] =	wrdreg s24  }
0xb0: {  	[dreg:$0x4] =	wrdreg $0x0  }
0xb1: {  	[dreg:$0x5] =	wrdreg $0x9  }
0xb2: {  	_ =	task.clear_ibuf [dreg:s7], $0x6FFFF;
	_ =	strace $0x90000049  }
0xb3: {  	s29 =	simm.s32 $0x9;
	_ =	strace $0x8000004B  }
0xb4: {  	_ =	swait.ge [sflag:s29], $0x1  }
0xb5: {  	[sflag:s29] =	ssyncadd.s32 $0xFFFFFFFF  }
0xb6: {  	_ =	strace $0x9000004B  }
0xb7: {  	_ =	sfence  }
0xb8: {  	s30 =	sld [smem:$0x0];
	_ =	sdelay $0x2  }
0xb9: {  	s31 =	sshll.u32 s1, $0xD;
	s1 =	sshrl.u32 s1, $0x2  }
0xba: {  	s3 =	sand.u32 $0x4000, s31;
	s1 =	sadd.s32 s1, s30  }
0xbb: {  	s0 =	sor.u32 s3, s0;
	s1 =	sshll.u32 s1, $0x11  }
0xbc: {  	s0 =	sor.u32 s1, s0  }
0xbd: {  	s0 =	sadd.s32 $0x8F2B, s0  }
0xbe: {  	[sflag:s0] =	ssyncadd.remote.s32 $0x1  }
0xbf: {  	_ =	sfence.sel $0xFFFF  }
0xc0: {  	[dreg:$0x0] =	wrdreg $0xFFFFFFFF;
	(pc) =	sbr.abs _section_cstart, $3  }
0xc1: {  	[dreg:$0x1] =	wrdreg $0xFFFFFFFF  }
0xc2: {  	_ =	task.clear_ibuf [dreg:s7], $0x2FFFF;
	_ =	strace $0x9FFFFFFF  }
0xc3: {  	(tm) =	ssettm $0x7FFFFFFF  }
tec
execute0_lowered:
.L_overlay_start_1:
0x0: {  	(tag) =	ssettag $0x1  }
0x1: {  	s1 =	rddreg [dreg:$0x0]  }
0x2: {  	s0 =	rddreg [dreg:$0x1]  }
0x3: {  	s3 =	rddreg [dreg:$0x2];
	s4 =	simm.s32 $0x0;
	s12 =	stileid.u32  }
0x4: {  	s6 =	srdreg.scid;
	s28 =	simm.s32 $0x50;
	s30 =	simm.s32 $0x1B100  }
0x5: {  	s31 =	simm.s32 $0x1;
	s14 =	simm.s32 $0x0;
	s2 =	smul.u32 $0x4E2, s12  }
0x6: {  	[smem:$0x7FF] =	sst s4;
	s5 =	sadd.s32 $0x12E00, s0;
	s7 =	smul.u32 $0x2800, s12  }
0x7: {  	s6 =	sand.u32 $0x1, s6;
	s9 =	smul.u32 $0x50000, s12;
	s10 =	sadd.s32 $0x12600, s0  }
0x8: {  	s11 =	sadd.s32 $0x12C000, s3;
	s26 =	sadd.s32 $0x86A00, s0;
	p1 =	seq.s32 s12, $0xF  }
0x9: {  	s12 =	simm.s32 $0x18880;
	_ =	strace $0x8000004A;
	[dreg:$0x4] =	wrdreg s10  }
0xa: {  	s8 =	ssub.s32 $0x2, s6;
	p0 =	seq.s32 s6, $0x1;
	[dreg:$0x8] =	wrdreg s26  }
0xb: {  	s6 =	sadd.s32 $0x133800, s3;
	s10 =	simm.s32 $0x2;
	s2 =	sadd.s32 s2, s0  }
0xc: {  	s7 =	sadd.s32 s7, s0;
	s23 =	sshrl.u32 s8, $0x1;
	s0 =	sadd.s32 $0xADC00, s0  }
0xd: {  	s9 =	sshrl.u32 s9, $0x2;
	s24 =	sadd.s32 $0x3600, s2;
	[dreg:$0xa] =	wrdreg s0  }
0xe: {  	s8 =	ssub.s32 s8, s23;
	s2 =	sadd.s32 $0x8600, s2;
	[dreg:$0x5] =	wrdreg s24  }
0xf: {  	s9 =	sadd.s32 s9, s3;
	s25 =	sadd.s32 $0x61200, s7;
	[dreg:$0x6] =	wrdreg s2  }
0x10: {  	s29 =	sadd.s32 $0x88400, s7;
	s0 =	sadd.s32 $0x12E800, s3;
	[dreg:$0x7] =	wrdreg s25  }
0x11: {  	s23 =	simm.s32 $0x18900;
	[dreg:$0x9] =	wrdreg s29;
	s15 =	smax.u32 s8, $0x1  }
0x12: {  	s16 =	sadd.s32 $0x2800, s9;
	s17 =	sadd.s32 $0x5000, s9;
	s18 =	sadd.s32 $0x7800, s9  }
.Ltmp0:
0x13: {  	s19 =	sadd.s32 $0xA000, s9;
	s20 =	sadd.s32 $0xC800, s9;
	(pc) =	sbr.rel .LBB2_1-.Ltmp0, $4  }
0x14: {  	s21 =	sadd.s32 $0xF000, s9;
	s22 =	sadd.s32 $0x11800, s9;
	s2 =	sadd.s32 $0x131000, s3  }
0x15: {  	s24 =	simm.s32 $0x3;
	s25 =	simm.s32 $0x13900;
	s19 =	smov.u32 @p1 s0  }
0x16: {  	s0 =	sadd.s32 $0x136000, s3;
	s20 =	smov.u32 @p1 s2;
	s21 =	smov.u32 @p1 s6  }
0x17: {  	s18 =	smov.u32 @p1 s11;
	s22 =	smov.u32 @p1 s0;
	s0 =	simm.s32 $0x18800  }
.LBB2_7:
0x18: {  	[tilespmem:s30], [sflag:$0x2] =	stream.indirect.gather [hbm4b:s5+s28], $0x80, s8, s28, $0xb8;
	[tilespmem:$0x1D900] =	vst v63  }
0x19: {  	v0 =	vld [tilespmem:s2+$0x16080];
	_ =	sdelay $0x4  }
0x1a: {  	[tilespmem:$0x18800] =	vst v0  }
0x1b: {  	v0 =	vld [tilespmem:s2+$0x16090];
	_ =	sdelay $0x4  }
0x1c: {  	[tilespmem:$0x18810] =	vst v0  }
0x1d: {  	v0 =	vld [tilespmem:s2+$0x160A0];
	_ =	sdelay $0x4  }
0x1e: {  	[tilespmem:$0x18820] =	vst v0  }
0x1f: {  	v0 =	vld [tilespmem:s2+$0x160B0];
	_ =	sdelay $0x4  }
0x20: {  	[tilespmem:$0x18830] =	vst v0  }
0x21: {  	v0 =	vld [tilespmem:s2+$0x160C0];
	_ =	sdelay $0x4  }
0x22: {  	[tilespmem:$0x18840] =	vst v0  }
0x23: {  	_ =	swait.ge [sflag:s31], $0x2800  }
0x24: {  	[sflag:s31] =	ssyncset.done $0x0  }
0x25: {  	[sflag:s31] =	ssyncadd.s32 $0xFFFFD800  }
0x26: {  	[spmem:s3] =	stream.indirect.scatter.add.f32 [tilespmem:s23], [sflag:$0x3], $0x80, s0, s28, $0xb8;
	[tilespmem:$0x1D900] =	vst v63  }
0x27: {  	_ =	swait.ge [sflag:s24], $0x2800  }
0x28: {  	[sflag:s24] =	ssyncset.done $0x0  }
0x29: {  	s6 =	sadd.s32 $0x139A0, s2;
	[sflag:s24] =	ssyncadd.s32 $0xFFFFD800  }
0x2a: {  	[tilespmem:s23], [sflag:$0x1] =	stream.indirect.gather [hbm4b:s5+s28], $0x80, s6, s28, $0xb8;
	[tilespmem:$0x1D900] =	vst v63  }
0x2b: {  	v52 =	vld [tilespmem:s2+$0x160D0];
	_ =	sdelay $0x4  }
0x2c: {  	[tilespmem:$0x18880] =	vst v52  }
0x2d: {  	v0 =	vld [tilespmem:s2+$0x160E0];
	_ =	sdelay $0x4  }
0x2e: {  	[tilespmem:$0x18890] =	vst v0  }
0x2f: {  	v0 =	vld [tilespmem:s2+$0x160F0];
	_ =	sdelay $0x4  }
0x30: {  	[tilespmem:$0x188A0] =	vst v0  }
0x31: {  	v0 =	vld [tilespmem:s2+$0x16100];
	_ =	sdelay $0x4  }
0x32: {  	[tilespmem:$0x188B0] =	vst v0  }
0x33: {  	v0 =	vld [tilespmem:s2+$0x16110];
	_ =	sdelay $0x4  }
0x34: {  	[tilespmem:$0x188C0] =	vst v0  }
0x35: {  	_ =	swait.ge [sflag:s10], $0x2800  }
0x36: {  	[sflag:s10] =	ssyncset.done $0x0  }
0x37: {  	[sflag:s10] =	ssyncadd.s32 $0xFFFFD800  }
0x38: {  	[spmem:s3] =	stream.indirect.scatter.add.f32 [tilespmem:s30], [sflag:$0x3], $0x80, s12, s28, $0xb8;
	[tilespmem:$0x1D900] =	vst v63  }
0x39: {  	_ =	swait.ge [sflag:s24], $0x2800  }
0x3a: {  	[sflag:s24] =	ssyncset.done $0x0  }
0x3b: {  	s7 =	sadd.s32 $0x139F0, s2;
	[sflag:s24] =	ssyncadd.s32 $0xFFFFD800  }
0x3c: {  	[tilespmem:s30], [sflag:$0x2] =	stream.indirect.gather [hbm4b:s5+s28], $0x80, s7, s28, $0xb8;
	[tilespmem:$0x1D900] =	vst v63  }
0x3d: {  	v53 =	vld [tilespmem:$0x186A0]  }
0x3e: {  	v1 =	vld [tilespmem:$0x186B0]  }
0x3f: {  	v2 =	vld [tilespmem:$0x186C0]  }
0x40: {  	v3 =	vld [tilespmem:$0x186D0]  }
0x41: {  	v4 =	vld [tilespmem:$0x186E0]  }
0x42: {  	[tilespmem:$0x18800] =	vst v53  }
0x43: {  	[tilespmem:$0x18810] =	vst v1  }
0x44: {  	[tilespmem:$0x18820] =	vst v2  }
0x45: {  	[tilespmem:$0x18830] =	vst v3  }
0x46: {  	[tilespmem:$0x18840] =	vst v4  }
0x47: {  	_ =	swait.ge [sflag:s31], $0x2800  }
0x48: {  	[sflag:s31] =	ssyncset.done $0x0  }
0x49: {  	[sflag:s31] =	ssyncadd.s32 $0xFFFFD800  }
0x4a: {  	[spmem:s3] =	stream.indirect.scatter.add.f32 [tilespmem:s23], [sflag:$0x3], $0x80, s0, s28, $0xb8;
	[tilespmem:$0x1D900] =	vst v63  }
0x4b: {  	_ =	swait.ge [sflag:s24], $0x2800  }
0x4c: {  	[sflag:s24] =	ssyncset.done $0x0  }
0x4d: {  	s8 =	simm.s32 $0x15FC0;
	[sflag:s24] =	ssyncadd.s32 $0xFFFFD800  }
0x4e: {  	[tilespmem:s23], [sflag:$0x1] =	stream.indirect.gather [hbm4b:s5+s28], $0x80, s8, s28, $0xb8;
	[tilespmem:$0x1D900] =	vst v63  }
0x4f: {  	v54 =	vld [tilespmem:$0x186F0]  }
0x50: {  	v55 =	vld [tilespmem:$0x18700]  }
0x51: {  	v56 =	vld [tilespmem:$0x18710]  }
0x52: {  	v57 =	vld [tilespmem:$0x18720]  }
0x53: {  	v58 =	vld [tilespmem:$0x18730]  }
0x54: {  	[tilespmem:$0x18880] =	vst v54  }
0x55: {  	[tilespmem:$0x18890] =	vst v55  }
0x56: {  	[tilespmem:$0x188A0] =	vst v56  }
0x57: {  	[tilespmem:$0x188B0] =	vst v57  }
0x58: {  	[tilespmem:$0x188C0] =	vst v58  }
0x59: {  	_ =	swait.ge [sflag:s10], $0x2800  }
0x5a: {  	[sflag:s10] =	ssyncset.done $0x0  }
0x5b: {  	[sflag:s10] =	ssyncadd.s32 $0xFFFFD800  }
0x5c: {  	[spmem:s3] =	stream.indirect.scatter.add.f32 [tilespmem:s30], [sflag:$0x3], $0x80, s12, s28, $0xb8;
	[tilespmem:$0x1D900] =	vst v63  }
0x5d: {  	_ =	swait.ge [sflag:s24], $0x2800  }
0x5e: {  	[sflag:s24] =	ssyncset.done $0x0  }
0x5f: {  	[sflag:s24] =	ssyncadd.s32 $0xFFFFD800  }
0x60: {  	v59 =	vld [tilespmem:$0x18740]  }
0x61: {  	v60 =	vld [tilespmem:$0x18750]  }
0x62: {  	v61 =	vld [tilespmem:$0x18760]  }
0x63: {  	v62 =	vld [tilespmem:$0x18770]  }
0x64: {  	v63 =	vld [tilespmem:$0x18780]  }
0x65: {  	[tilespmem:$0x18800] =	vst v59  }
0x66: {  	[tilespmem:$0x18810] =	vst v60  }
0x67: {  	[tilespmem:$0x18820] =	vst v61  }
0x68: {  	[tilespmem:$0x18830] =	vst v62  }
0x69: {  	[tilespmem:$0x18840] =	vst v63  }
0x6a: {  	_ =	swait.ge [sflag:s31], $0x2800  }
0x6b: {  	[sflag:s31] =	ssyncset.done $0x0  }
0x6c: {  	[sflag:s31] =	ssyncadd.s32 $0xFFFFD800  }
0x6d: {  	[spmem:s3] =	stream.indirect.scatter.add.f32 [tilespmem:s23], [sflag:$0x3], $0x80, s0, s28, $0xb8;
	[tilespmem:$0x1D900] =	vst v63  }
0x6e: {  	_ =	swait.ge [sflag:s24], $0x2800  }
0x6f: {  	[sflag:s24] =	ssyncset.done $0x0  }
0x70: {  	[sflag:s24] =	ssyncadd.s32 $0xFFFFD800  }
0x71: {  	[bflag:$0x0] =	sbarrier.arrive $0xFFFF  }
0x72: {  	s2 =	simm.s32 @p1 $0x1FC3;
	s6 =	rddreg [dreg:$0xa]  }
0x73: {  	[hbm:s6], [sflag:s2] =	dma.local @p1 [spmem:s13], $0x1900  }
0x74: {  	s2 =	simm.s32 @p1 $0x3  }
0x75: {  	_ =	swait.ge @p1 [sflag:s2], $0x1900  }
0x76: {  	[sflag:s2] =	ssyncset.done @p1 $0x0  }
0x77: {  	[sflag:s2] =	ssyncadd.s32 @p1 $0xFFFFE700;
	s2 =	rddreg [dreg:$0x9]  }
0x78: {  	[hbm:s2], [sflag:s29] =	dma.local @!p1 [spmem:s26], $0x2800  }
0x79: {  	s2 =	simm.s32 @!p1 $0x3  }
0x7a: {  	_ =	swait.ge @!p1 [sflag:s2], $0x2800  }
0x7b: {  	[sflag:s2] =	ssyncset.done @!p1 $0x0  }
0x7c: {  	[sflag:s2] =	ssyncadd.s32 @!p1 $0xFFFFD800  }
.LBB2_8:
0x7d: {  	s14 =	sadd.s32 $0x1, s14  }
0x7e: {  	p2 =	sne.s32 s14, s15  }
.Ltmp1:
0x7f: {  	_ = 	snop;
	(pc) =	sbr.rel @!p2 .LBB2_9-.Ltmp1, $1  }
0x80: {  	_ =	sdelay $0x3  }
.LBB2_1:
0x81: {  	s2 =	rddreg [dreg:$0x4]  }
0x82: {  	[tilespmem:s23], [sflag:$0x3] =	stream.linear.gather [hbm4b:s2+s4], $0x2800, $0x38;
	[tilespmem:$0x1D900] =	vst v63  }
0x83: {  	_ =	swait.ge [sflag:s24], $0x2800  }
0x84: {  	[sflag:s24] =	ssyncset.done $0x0  }
0x85: {  	s6 =	simm.s32 @!p1 $0x3;
	s2 =	simm.s32 @!p1 $0x18900;
	[sflag:s24] =	ssyncadd.s32 $0xFFFFD800  }
0x86: {  	[spmem:s9] =	stream.linear.scatter @!p1 [tilespmem:s2], [sflag:$0x3], $0x2800, $0x38;
	[tilespmem:$0x1D900] =	vst v63  }
0x87: {  	_ =	swait.ge @!p1 [sflag:s6], $0x2800  }
0x88: {  	[sflag:s6] =	ssyncset.done @!p1 $0x0  }
0x89: {  	[sflag:s6] =	ssyncadd.s32 @!p1 $0xFFFFD800  }
0x8a: {  	[spmem:s16] =	stream.linear.scatter @!p1 [tilespmem:s2], [sflag:$0x3], $0x2800, $0x38;
	[tilespmem:$0x1D900] =	vst v63  }
0x8b: {  	_ =	swait.ge @!p1 [sflag:s6], $0x2800  }
0x8c: {  	[sflag:s6] =	ssyncset.done @!p1 $0x0  }
0x8d: {  	[sflag:s6] =	ssyncadd.s32 @!p1 $0xFFFFD800  }
0x8e: {  	[spmem:s17] =	stream.linear.scatter @!p1 [tilespmem:s2], [sflag:$0x3], $0x2800, $0x38;
	[tilespmem:$0x1D900] =	vst v63  }
0x8f: {  	_ =	swait.ge @!p1 [sflag:s6], $0x2800  }
0x90: {  	[sflag:s6] =	ssyncset.done @!p1 $0x0  }
0x91: {  	[sflag:s6] =	ssyncadd.s32 @!p1 $0xFFFFD800  }
0x92: {  	[spmem:s18] =	stream.linear.scatter [tilespmem:s23], [sflag:$0x3], $0x2800, $0x38;
	[tilespmem:$0x1D900] =	vst v63  }
0x93: {  	_ =	swait.ge [sflag:s24], $0x2800  }
0x94: {  	[sflag:s24] =	ssyncset.done $0x0  }
0x95: {  	[sflag:s24] =	ssyncadd.s32 $0xFFFFD800  }
0x96: {  	[spmem:s19] =	stream.linear.scatter [tilespmem:s23], [sflag:$0x3], $0x2800, $0x38;
	[tilespmem:$0x1D900] =	vst v63  }
0x97: {  	_ =	swait.ge [sflag:s24], $0x2800  }
0x98: {  	[sflag:s24] =	ssyncset.done $0x0  }
0x99: {  	[sflag:s24] =	ssyncadd.s32 $0xFFFFD800  }
0x9a: {  	[spmem:s20] =	stream.linear.scatter [tilespmem:s23], [sflag:$0x3], $0x2800, $0x38;
	[tilespmem:$0x1D900] =	vst v63  }
0x9b: {  	_ =	swait.ge [sflag:s24], $0x2800  }
0x9c: {  	[sflag:s24] =	ssyncset.done $0x0  }
0x9d: {  	[sflag:s24] =	ssyncadd.s32 $0xFFFFD800  }
0x9e: {  	[spmem:s21] =	stream.linear.scatter [tilespmem:s23], [sflag:$0x3], $0x2800, $0x38;
	[tilespmem:$0x1D900] =	vst v63  }
0x9f: {  	_ =	swait.ge [sflag:s24], $0x2800  }
0xa0: {  	[sflag:s24] =	ssyncset.done $0x0  }
0xa1: {  	[sflag:s24] =	ssyncadd.s32 $0xFFFFD800  }
0xa2: {  	[spmem:s22] =	stream.linear.scatter [tilespmem:s23], [sflag:$0x3], $0x2800, $0x38;
	[tilespmem:$0x1D900] =	vst v63  }
0xa3: {  	_ =	swait.ge [sflag:s24], $0x2800  }
0xa4: {  	[sflag:s24] =	ssyncset.done $0x0  }
0xa5: {  	s8 =	rddreg [dreg:$0x5];
	[sflag:s24] =	ssyncadd.s32 $0xFFFFD800  }
0xa6: {  	[tilespmem:s25], [sflag:$0x3] =	stream.linear.gather [hbm4b:s8+s4], $0x2710, $0x38;
	[tilespmem:$0x1D900] =	vst v63  }
0xa7: {  	_ =	swait.ge [sflag:s24], $0x2710  }
0xa8: {  	[sflag:s24] =	ssyncset.done $0x0  }
0xa9: {  	s26 =	simm.s32 $0x16080;
	s13 =	rddreg [dreg:$0x6];
	[sflag:s24] =	ssyncadd.s32 $0xFFFFD8F0  }
0xaa: {  	[tilespmem:s26], [sflag:$0x3] =	stream.linear.gather [hbm4b:s13+s4], $0x2710, $0x38;
	[tilespmem:$0x1D900] =	vst v63  }
.Ltmp2:
0xab: {  	_ =	swait.ge [sflag:s24], $0x2710;
	(pc) =	sbr.rel @!p0 .LBB2_2-.Ltmp2, $4  }
0xac: {  	[sflag:s24] =	ssyncset.done $0x0  }
0xad: {  	s2 =	stileid.u32;
	[sflag:s24] =	ssyncadd.s32 $0xFFFFD8F0  }
0xae: {  	s2 =	sshll.u32 @!p1 s2, $0x6;
	[bflag:$0x0] =	sbarrier.arrive $0xFFFF  }
0xaf: {  	s29 =	sor.u32 @!p1 $0x1C03, s2;
	s13 =	sshrl.u32 @p1 s11, $0x3;
	s26 =	sshrl.u32 @!p1 s9, $0x3  }
0xb0: {  	[tilespmem:s23], [sflag:$0x1] =	stream.indirect.gather [hbm4b:s5+s28], $0x80, s25, s28, $0xb8;
	[tilespmem:$0x1D900] =	vst v63  }
0xb1: {  	s2 =	simm.s32 $0x13950;
	s8 =	simm.s32 $0x0  }
0xb2: {  	[tilespmem:s30], [sflag:$0x2] =	stream.indirect.gather [hbm4b:s5+s28], $0x80, s2, s28, $0xb8;
	[tilespmem:$0x1D900] =	vst v63  }
0xb3: {  	v0 =	vld [tilespmem:s8+$0x16080];
	_ =	sdelay $0x4  }
0xb4: {  	[tilespmem:$0x18800] =	vst v0  }
0xb5: {  	v0 =	vld [tilespmem:s8+$0x16090];
	_ =	sdelay $0x4  }
0xb6: {  	[tilespmem:$0x18810] =	vst v0  }
0xb7: {  	v0 =	vld [tilespmem:s8+$0x160A0];
	_ =	sdelay $0x4  }
0xb8: {  	[tilespmem:$0x18820] =	vst v0  }
0xb9: {  	v0 =	vld [tilespmem:s8+$0x160B0];
	_ =	sdelay $0x4  }
0xba: {  	[tilespmem:$0x18830] =	vst v0  }
0xbb: {  	v0 =	vld [tilespmem:s8+$0x160C0];
	_ =	sdelay $0x4  }
0xbc: {  	[tilespmem:$0x18840] =	vst v0  }
0xbd: {  	_ =	swait.ge [sflag:s31], $0x2800  }
0xbe: {  	[sflag:s31] =	ssyncset.done $0x0  }
0xbf: {  	[sflag:s31] =	ssyncadd.s32 $0xFFFFD800  }
0xc0: {  	[spmem:s3] =	stream.indirect.scatter.add.f32 [tilespmem:s23], [sflag:$0x3], $0x80, s0, s28, $0xb8;
	[tilespmem:$0x1D900] =	vst v63  }
0xc1: {  	_ =	swait.ge [sflag:s24], $0x2800  }
0xc2: {  	[sflag:s24] =	ssyncset.done $0x0  }
0xc3: {  	s6 =	simm.s32 $0x139A0;
	[sflag:s24] =	ssyncadd.s32 $0xFFFFD800  }
0xc4: {  	[tilespmem:s23], [sflag:$0x1] =	stream.indirect.gather [hbm4b:s5+s28], $0x80, s6, s28, $0xb8;
	[tilespmem:$0x1D900] =	vst v63  }
0xc5: {  	v63 =	vld [tilespmem:s8+$0x160D0];
	_ =	sdelay $0x4  }
0xc6: {  	[tilespmem:$0x18880] =	vst v63  }
0xc7: {  	v0 =	vld [tilespmem:s8+$0x160E0];
	_ =	sdelay $0x4  }
0xc8: {  	[tilespmem:$0x18890] =	vst v0  }
0xc9: {  	v0 =	vld [tilespmem:s8+$0x160F0];
	_ =	sdelay $0x4  }
0xca: {  	[tilespmem:$0x188A0] =	vst v0  }
0xcb: {  	v0 =	vld [tilespmem:s8+$0x16100];
	_ =	sdelay $0x4  }
0xcc: {  	[tilespmem:$0x188B0] =	vst v0  }
0xcd: {  	v0 =	vld [tilespmem:s8+$0x16110];
	_ =	sdelay $0x4  }
0xce: {  	[tilespmem:$0x188C0] =	vst v0  }
0xcf: {  	_ =	swait.ge [sflag:s10], $0x2800  }
0xd0: {  	[sflag:s10] =	ssyncset.done $0x0  }
0xd1: {  	[sflag:s10] =	ssyncadd.s32 $0xFFFFD800  }
0xd2: {  	[spmem:s3] =	stream.indirect.scatter.add.f32 [tilespmem:s30], [sflag:$0x3], $0x80, s12, s28, $0xb8;
	[tilespmem:$0x1D900] =	vst v63  }
0xd3: {  	_ =	swait.ge [sflag:s24], $0x2800  }
0xd4: {  	s2 =	simm.s32 $0xA0;
	[sflag:s24] =	ssyncset.done $0x0  }
0xd5: {  	s6 =	simm.s32 $0x500;
	s8 =	simm.s32 $0x139F0;
	[sflag:s24] =	ssyncadd.s32 $0xFFFFD800  }
.LBB2_6:
0xd6: {  	[tilespmem:s30], [sflag:$0x2] =	stream.indirect.gather [hbm4b:s5+s28], $0x80, s8, s28, $0xb8;
	[tilespmem:$0x1D900] =	vst v63  }
0xd7: {  	s7 =	sshra.s32 s6, $0x2;
	p2 =	sne.s32 s6, $0x9600;
	s6 =	sadd.s32 $0x280, s6;
	v0 =	vld [tilespmem:s2+$0x16080]  }
0xd8: {  	_ =	sdelay $0x3  }
0xd9: {  	[tilespmem:$0x18800] =	vst v0  }
0xda: {  	v0 =	vld [tilespmem:s2+$0x16090];
	_ =	sdelay $0x4  }
0xdb: {  	[tilespmem:$0x18810] =	vst v0  }
0xdc: {  	v0 =	vld [tilespmem:s2+$0x160A0];
	_ =	sdelay $0x4  }
0xdd: {  	[tilespmem:$0x18820] =	vst v0  }
0xde: {  	v0 =	vld [tilespmem:s2+$0x160B0];
	_ =	sdelay $0x4  }
0xdf: {  	[tilespmem:$0x18830] =	vst v0  }
0xe0: {  	v0 =	vld [tilespmem:s2+$0x160C0];
	_ =	sdelay $0x4  }
0xe1: {  	[tilespmem:$0x18840] =	vst v0  }
0xe2: {  	_ =	swait.ge [sflag:s31], $0x2800  }
0xe3: {  	[sflag:s31] =	ssyncset.done $0x0  }
0xe4: {  	[sflag:s31] =	ssyncadd.s32 $0xFFFFD800  }
0xe5: {  	[spmem:s3] =	stream.indirect.scatter.add.f32 [tilespmem:s23], [sflag:$0x3], $0x80, s0, s28, $0xb8;
	[tilespmem:$0x1D900] =	vst v63  }
0xe6: {  	_ =	swait.ge [sflag:s24], $0x2800  }
0xe7: {  	[sflag:s24] =	ssyncset.done $0x0  }
0xe8: {  	s8 =	sadd.s32 $0x139A0, s2;
	[sflag:s24] =	ssyncadd.s32 $0xFFFFD800  }
0xe9: {  	[tilespmem:s23], [sflag:$0x1] =	stream.indirect.gather [hbm4b:s5+s28], $0x80, s8, s28, $0xb8;
	[tilespmem:$0x1D900] =	vst v63  }
0xea: {  	v0 =	vld [tilespmem:s2+$0x160D0];
	_ =	sdelay $0x4  }
0xeb: {  	[tilespmem:$0x18880] =	vst v0  }
0xec: {  	v0 =	vld [tilespmem:s2+$0x160E0];
	_ =	sdelay $0x4  }
0xed: {  	[tilespmem:$0x18890] =	vst v0  }
0xee: {  	v0 =	vld [tilespmem:s2+$0x160F0];
	_ =	sdelay $0x4  }
0xef: {  	[tilespmem:$0x188A0] =	vst v0  }
0xf0: {  	v0 =	vld [tilespmem:s2+$0x16100];
	_ =	sdelay $0x4  }
0xf1: {  	[tilespmem:$0x188B0] =	vst v0  }
0xf2: {  	v0 =	vld [tilespmem:s2+$0x16110];
	_ =	sdelay $0x4  }
0xf3: {  	[tilespmem:$0x188C0] =	vst v0  }
0xf4: {  	_ =	swait.ge [sflag:s10], $0x2800  }
0xf5: {  	[sflag:s10] =	ssyncset.done $0x0  }
.Ltmp3:
0xf6: {  	[sflag:s10] =	ssyncadd.s32 $0xFFFFD800;
	(pc) =	sbr.rel @p2 .LBB2_6-.Ltmp3, $4  }
0xf7: {  	[spmem:s3] =	stream.indirect.scatter.add.f32 [tilespmem:s30], [sflag:$0x3], $0x80, s12, s28, $0xb8;
	[tilespmem:$0x1D900] =	vst v63  }
0xf8: {  	_ =	swait.ge [sflag:s24], $0x2800  }
0xf9: {  	[sflag:s24] =	ssyncset.done $0x0  }
0xfa: {  	s8 =	sadd.s32 $0x139F0, s2;
	s2 =	smov.u32 s7;
	[sflag:s24] =	ssyncadd.s32 $0xFFFFD800  }
.Ltmp4:
0xfb: {  	_ = 	snop;
	(pc) =	sbr.rel .LBB2_7-.Ltmp4, $1  }
0xfc: {  	_ =	sdelay $0x3  }
.LBB2_2:
0xfd: {  	[tilespmem:s23], [sflag:$0x1] =	stream.indirect.gather [hbm4b:s1+s28], $0x80, s25, s28, $0xb8;
	[tilespmem:$0x1D900] =	vst v63  }
0xfe: {  	s2 =	simm.s32 $0x13950;
	s8 =	simm.s32 $0x0  }
0xff: {  	[tilespmem:s30], [sflag:$0x2] =	stream.indirect.gather [hbm4b:s1+s28], $0x80, s2, s28, $0xb8;
	[tilespmem:$0x1D900] =	vst v63  }
0x100: {  	v0 =	vld [tilespmem:s8+$0x16080];
	_ =	sdelay $0x4  }
0x101: {  	[tilespmem:$0x18800] =	vst v0  }
0x102: {  	v0 =	vld [tilespmem:s8+$0x16090];
	_ =	sdelay $0x4  }
0x103: {  	[tilespmem:$0x18810] =	vst v0  }
0x104: {  	v0 =	vld [tilespmem:s8+$0x160A0];
	_ =	sdelay $0x4  }
0x105: {  	[tilespmem:$0x18820] =	vst v0  }
0x106: {  	v0 =	vld [tilespmem:s8+$0x160B0];
	_ =	sdelay $0x4  }
0x107: {  	[tilespmem:$0x18830] =	vst v0  }
0x108: {  	v0 =	vld [tilespmem:s8+$0x160C0];
	_ =	sdelay $0x4  }
0x109: {  	[tilespmem:$0x18840] =	vst v0  }
0x10a: {  	_ =	swait.ge [sflag:s31], $0x2800  }
0x10b: {  	[sflag:s31] =	ssyncset.done $0x0  }
0x10c: {  	[sflag:s31] =	ssyncadd.s32 $0xFFFFD800  }
0x10d: {  	[spmem:s3] =	stream.indirect.scatter.add.f32 [tilespmem:s23], [sflag:$0x3], $0x80, s0, s28, $0xb8;
	[tilespmem:$0x1D900] =	vst v63  }
0x10e: {  	_ =	swait.ge [sflag:s24], $0x2800  }
0x10f: {  	[sflag:s24] =	ssyncset.done $0x0  }
0x110: {  	s6 =	simm.s32 $0x139A0;
	[sflag:s24] =	ssyncadd.s32 $0xFFFFD800  }
0x111: {  	[tilespmem:s23], [sflag:$0x1] =	stream.indirect.gather [hbm4b:s1+s28], $0x80, s6, s28, $0xb8;
	[tilespmem:$0x1D900] =	vst v63  }
0x112: {  	v63 =	vld [tilespmem:s8+$0x160D0];
	_ =	sdelay $0x4  }
0x113: {  	[tilespmem:$0x18880] =	vst v63  }
0x114: {  	v0 =	vld [tilespmem:s8+$0x160E0];
	_ =	sdelay $0x4  }
0x115: {  	[tilespmem:$0x18890] =	vst v0  }
0x116: {  	v0 =	vld [tilespmem:s8+$0x160F0];
	_ =	sdelay $0x4  }
0x117: {  	[tilespmem:$0x188A0] =	vst v0  }
0x118: {  	v0 =	vld [tilespmem:s8+$0x16100];
	_ =	sdelay $0x4  }
0x119: {  	[tilespmem:$0x188B0] =	vst v0  }
0x11a: {  	v0 =	vld [tilespmem:s8+$0x16110];
	_ =	sdelay $0x4  }
0x11b: {  	[tilespmem:$0x188C0] =	vst v0  }
0x11c: {  	_ =	swait.ge [sflag:s10], $0x2800  }
0x11d: {  	[sflag:s10] =	ssyncset.done $0x0  }
0x11e: {  	[sflag:s10] =	ssyncadd.s32 $0xFFFFD800  }
0x11f: {  	[spmem:s3] =	stream.indirect.scatter.add.f32 [tilespmem:s30], [sflag:$0x3], $0x80, s12, s28, $0xb8;
	[tilespmem:$0x1D900] =	vst v63  }
0x120: {  	_ =	swait.ge [sflag:s24], $0x2800  }
0x121: {  	s2 =	simm.s32 $0xA0;
	[sflag:s24] =	ssyncset.done $0x0  }
0x122: {  	s6 =	simm.s32 $0x500;
	s8 =	simm.s32 $0x139F0;
	[sflag:s24] =	ssyncadd.s32 $0xFFFFD800  }
.LBB2_3:
0x123: {  	[tilespmem:s30], [sflag:$0x2] =	stream.indirect.gather [hbm4b:s1+s28], $0x80, s8, s28, $0xb8;
	[tilespmem:$0x1D900] =	vst v63  }
0x124: {  	s7 =	sshra.s32 s6, $0x2;
	p2 =	sne.s32 s6, $0x9600;
	s6 =	sadd.s32 $0x280, s6;
	v0 =	vld [tilespmem:s2+$0x16080]  }
0x125: {  	_ =	sdelay $0x3  }
0x126: {  	[tilespmem:$0x18800] =	vst v0  }
0x127: {  	v0 =	vld [tilespmem:s2+$0x16090];
	_ =	sdelay $0x4  }
0x128: {  	[tilespmem:$0x18810] =	vst v0  }
0x129: {  	v0 =	vld [tilespmem:s2+$0x160A0];
	_ =	sdelay $0x4  }
0x12a: {  	[tilespmem:$0x18820] =	vst v0  }
0x12b: {  	v0 =	vld [tilespmem:s2+$0x160B0];
	_ =	sdelay $0x4  }
0x12c: {  	[tilespmem:$0x18830] =	vst v0  }
0x12d: {  	v0 =	vld [tilespmem:s2+$0x160C0];
	_ =	sdelay $0x4  }
0x12e: {  	[tilespmem:$0x18840] =	vst v0  }
0x12f: {  	_ =	swait.ge [sflag:s31], $0x2800  }
0x130: {  	[sflag:s31] =	ssyncset.done $0x0  }
0x131: {  	[sflag:s31] =	ssyncadd.s32 $0xFFFFD800  }
0x132: {  	[spmem:s3] =	stream.indirect.scatter.add.f32 [tilespmem:s23], [sflag:$0x3], $0x80, s0, s28, $0xb8;
	[tilespmem:$0x1D900] =	vst v63  }
0x133: {  	_ =	swait.ge [sflag:s24], $0x2800  }
0x134: {  	[sflag:s24] =	ssyncset.done $0x0  }
0x135: {  	s8 =	sadd.s32 $0x139A0, s2;
	[sflag:s24] =	ssyncadd.s32 $0xFFFFD800  }
0x136: {  	[tilespmem:s23], [sflag:$0x1] =	stream.indirect.gather [hbm4b:s1+s28], $0x80, s8, s28, $0xb8;
	[tilespmem:$0x1D900] =	vst v63  }
0x137: {  	v0 =	vld [tilespmem:s2+$0x160D0];
	_ =	sdelay $0x4  }
0x138: {  	[tilespmem:$0x18880] =	vst v0  }
0x139: {  	v0 =	vld [tilespmem:s2+$0x160E0];
	_ =	sdelay $0x4  }
0x13a: {  	[tilespmem:$0x18890] =	vst v0  }
0x13b: {  	v0 =	vld [tilespmem:s2+$0x160F0];
	_ =	sdelay $0x4  }
0x13c: {  	[tilespmem:$0x188A0] =	vst v0  }
0x13d: {  	v0 =	vld [tilespmem:s2+$0x16100];
	_ =	sdelay $0x4  }
0x13e: {  	[tilespmem:$0x188B0] =	vst v0  }
0x13f: {  	v0 =	vld [tilespmem:s2+$0x16110];
	_ =	sdelay $0x4  }
0x140: {  	[tilespmem:$0x188C0] =	vst v0  }
0x141: {  	_ =	swait.ge [sflag:s10], $0x2800  }
0x142: {  	[sflag:s10] =	ssyncset.done $0x0  }
.Ltmp5:
0x143: {  	[sflag:s10] =	ssyncadd.s32 $0xFFFFD800;
	(pc) =	sbr.rel @p2 .LBB2_3-.Ltmp5, $4  }
0x144: {  	[spmem:s3] =	stream.indirect.scatter.add.f32 [tilespmem:s30], [sflag:$0x3], $0x80, s12, s28, $0xb8;
	[tilespmem:$0x1D900] =	vst v63  }
0x145: {  	_ =	swait.ge [sflag:s24], $0x2800  }
0x146: {  	[sflag:s24] =	ssyncset.done $0x0  }
0x147: {  	s8 =	sadd.s32 $0x139F0, s2;
	s2 =	smov.u32 s7;
	[sflag:s24] =	ssyncadd.s32 $0xFFFFD800  }
0x148: {  	[tilespmem:s30], [sflag:$0x2] =	stream.indirect.gather [hbm4b:s1+s28], $0x80, s8, s28, $0xb8;
	[tilespmem:$0x1D900] =	vst v63  }
0x149: {  	v0 =	vld [tilespmem:s2+$0x16080];
	_ =	sdelay $0x4  }
0x14a: {  	[tilespmem:$0x18800] =	vst v0  }
0x14b: {  	v0 =	vld [tilespmem:s2+$0x16090];
	_ =	sdelay $0x4  }
0x14c: {  	[tilespmem:$0x18810] =	vst v0  }
0x14d: {  	v0 =	vld [tilespmem:s2+$0x160A0];
	_ =	sdelay $0x4  }
0x14e: {  	[tilespmem:$0x18820] =	vst v0  }
0x14f: {  	v0 =	vld [tilespmem:s2+$0x160B0];
	_ =	sdelay $0x4  }
0x150: {  	[tilespmem:$0x18830] =	vst v0  }
0x151: {  	v0 =	vld [tilespmem:s2+$0x160C0];
	_ =	sdelay $0x4  }
0x152: {  	[tilespmem:$0x18840] =	vst v0  }
0x153: {  	_ =	swait.ge [sflag:s31], $0x2800  }
0x154: {  	[sflag:s31] =	ssyncset.done $0x0  }
0x155: {  	[sflag:s31] =	ssyncadd.s32 $0xFFFFD800  }
0x156: {  	[spmem:s3] =	stream.indirect.scatter.add.f32 [tilespmem:s23], [sflag:$0x3], $0x80, s0, s28, $0xb8;
	[tilespmem:$0x1D900] =	vst v63  }
0x157: {  	_ =	swait.ge [sflag:s24], $0x2800  }
0x158: {  	[sflag:s24] =	ssyncset.done $0x0  }
0x159: {  	s6 =	sadd.s32 $0x139A0, s2;
	[sflag:s24] =	ssyncadd.s32 $0xFFFFD800  }
0x15a: {  	[tilespmem:s23], [sflag:$0x1] =	stream.indirect.gather [hbm4b:s1+s28], $0x80, s6, s28, $0xb8;
	[tilespmem:$0x1D900] =	vst v63  }
0x15b: {  	v52 =	vld [tilespmem:s2+$0x160D0];
	_ =	sdelay $0x4  }
0x15c: {  	[tilespmem:$0x18880] =	vst v52  }
0x15d: {  	v0 =	vld [tilespmem:s2+$0x160E0];
	_ =	sdelay $0x4  }
0x15e: {  	[tilespmem:$0x18890] =	vst v0  }
0x15f: {  	v0 =	vld [tilespmem:s2+$0x160F0];
	_ =	sdelay $0x4  }
0x160: {  	[tilespmem:$0x188A0] =	vst v0  }
0x161: {  	v0 =	vld [tilespmem:s2+$0x16100];
	_ =	sdelay $0x4  }
0x162: {  	[tilespmem:$0x188B0] =	vst v0  }
0x163: {  	v0 =	vld [tilespmem:s2+$0x16110];
	_ =	sdelay $0x4  }
0x164: {  	[tilespmem:$0x188C0] =	vst v0  }
0x165: {  	_ =	swait.ge [sflag:s10], $0x2800  }
0x166: {  	[sflag:s10] =	ssyncset.done $0x0  }
0x167: {  	[sflag:s10] =	ssyncadd.s32 $0xFFFFD800  }
0x168: {  	[spmem:s3] =	stream.indirect.scatter.add.f32 [tilespmem:s30], [sflag:$0x3], $0x80, s12, s28, $0xb8;
	[tilespmem:$0x1D900] =	vst v63  }
0x169: {  	_ =	swait.ge [sflag:s24], $0x2800  }
0x16a: {  	[sflag:s24] =	ssyncset.done $0x0  }
0x16b: {  	s7 =	sadd.s32 $0x139F0, s2;
	[sflag:s24] =	ssyncadd.s32 $0xFFFFD800  }
0x16c: {  	[tilespmem:s30], [sflag:$0x2] =	stream.indirect.gather [hbm4b:s1+s28], $0x80, s7, s28, $0xb8;
	[tilespmem:$0x1D900] =	vst v63  }
0x16d: {  	v53 =	vld [tilespmem:$0x186A0]  }
0x16e: {  	v1 =	vld [tilespmem:$0x186B0]  }
0x16f: {  	v2 =	vld [tilespmem:$0x186C0]  }
0x170: {  	v3 =	vld [tilespmem:$0x186D0]  }
0x171: {  	v4 =	vld [tilespmem:$0x186E0]  }
0x172: {  	[tilespmem:$0x18800] =	vst v53  }
0x173: {  	[tilespmem:$0x18810] =	vst v1  }
0x174: {  	[tilespmem:$0x18820] =	vst v2  }
0x175: {  	[tilespmem:$0x18830] =	vst v3  }
0x176: {  	[tilespmem:$0x18840] =	vst v4  }
0x177: {  	_ =	swait.ge [sflag:s31], $0x2800  }
0x178: {  	[sflag:s31] =	ssyncset.done $0x0  }
0x179: {  	[sflag:s31] =	ssyncadd.s32 $0xFFFFD800  }
0x17a: {  	[spmem:s3] =	stream.indirect.scatter.add.f32 [tilespmem:s23], [sflag:$0x3], $0x80, s0, s28, $0xb8;
	[tilespmem:$0x1D900] =	vst v63  }
0x17b: {  	_ =	swait.ge [sflag:s24], $0x2800  }
0x17c: {  	[sflag:s24] =	ssyncset.done $0x0  }
0x17d: {  	s8 =	simm.s32 $0x15FC0;
	[sflag:s24] =	ssyncadd.s32 $0xFFFFD800  }
0x17e: {  	[tilespmem:s23], [sflag:$0x1] =	stream.indirect.gather [hbm4b:s1+s28], $0x80, s8, s28, $0xb8;
	[tilespmem:$0x1D900] =	vst v63  }
0x17f: {  	v54 =	vld [tilespmem:$0x186F0]  }
0x180: {  	v55 =	vld [tilespmem:$0x18700]  }
0x181: {  	v56 =	vld [tilespmem:$0x18710]  }
0x182: {  	v57 =	vld [tilespmem:$0x18720]  }
0x183: {  	v58 =	vld [tilespmem:$0x18730]  }
0x184: {  	[tilespmem:$0x18880] =	vst v54  }
0x185: {  	[tilespmem:$0x18890] =	vst v55  }
0x186: {  	[tilespmem:$0x188A0] =	vst v56  }
0x187: {  	[tilespmem:$0x188B0] =	vst v57  }
0x188: {  	[tilespmem:$0x188C0] =	vst v58  }
0x189: {  	_ =	swait.ge [sflag:s10], $0x2800  }
0x18a: {  	[sflag:s10] =	ssyncset.done $0x0  }
0x18b: {  	[sflag:s10] =	ssyncadd.s32 $0xFFFFD800  }
0x18c: {  	[spmem:s3] =	stream.indirect.scatter.add.f32 [tilespmem:s30], [sflag:$0x3], $0x80, s12, s28, $0xb8;
	[tilespmem:$0x1D900] =	vst v63  }
0x18d: {  	_ =	swait.ge [sflag:s24], $0x2800  }
0x18e: {  	[sflag:s24] =	ssyncset.done $0x0  }
0x18f: {  	[sflag:s24] =	ssyncadd.s32 $0xFFFFD800  }
0x190: {  	v59 =	vld [tilespmem:$0x18740]  }
0x191: {  	v60 =	vld [tilespmem:$0x18750]  }
0x192: {  	v61 =	vld [tilespmem:$0x18760]  }
0x193: {  	v62 =	vld [tilespmem:$0x18770]  }
0x194: {  	v63 =	vld [tilespmem:$0x18780]  }
0x195: {  	[tilespmem:$0x18800] =	vst v59  }
0x196: {  	[tilespmem:$0x18810] =	vst v60  }
0x197: {  	[tilespmem:$0x18820] =	vst v61  }
0x198: {  	[tilespmem:$0x18830] =	vst v62  }
0x199: {  	[tilespmem:$0x18840] =	vst v63  }
0x19a: {  	_ =	swait.ge [sflag:s31], $0x2800  }
0x19b: {  	[sflag:s31] =	ssyncset.done $0x0  }
0x19c: {  	[sflag:s31] =	ssyncadd.s32 $0xFFFFD800  }
0x19d: {  	[spmem:s3] =	stream.indirect.scatter.add.f32 [tilespmem:s23], [sflag:$0x3], $0x80, s0, s28, $0xb8;
	[tilespmem:$0x1D900] =	vst v63  }
0x19e: {  	_ =	swait.ge [sflag:s24], $0x2800  }
0x19f: {  	[sflag:s24] =	ssyncset.done $0x0  }
0x1a0: {  	[sflag:s24] =	ssyncadd.s32 $0xFFFFD800  }
0x1a1: {  	[bflag:$0x0] =	sbarrier.arrive $0xFFFF  }
0x1a2: {  	s2 =	simm.s32 @p1 $0x1FC3;
	s6 =	rddreg [dreg:$0x8]  }
0x1a3: {  	[hbm:s6], [sflag:s2] =	dma.local @p1 [spmem:s13], $0x1900  }
0x1a4: {  	s2 =	simm.s32 @p1 $0x3  }
0x1a5: {  	_ =	swait.ge @p1 [sflag:s2], $0x1900  }
0x1a6: {  	[sflag:s2] =	ssyncset.done @p1 $0x0  }
0x1a7: {  	[sflag:s2] =	ssyncadd.s32 @p1 $0xFFFFE700;
	s2 =	rddreg [dreg:$0x7]  }
0x1a8: {  	[hbm:s2], [sflag:s29] =	dma.local @!p1 [spmem:s26], $0x2800  }
.Ltmp6:
0x1a9: {  	_ = 	snop;
	(pc) =	sbr.rel .LBB2_8-.Ltmp6, $4  }
0x1aa: {  	s2 =	simm.s32 @!p1 $0x3  }
0x1ab: {  	_ =	swait.ge @!p1 [sflag:s2], $0x2800  }
0x1ac: {  	[sflag:s2] =	ssyncset.done @!p1 $0x0  }
0x1ad: {  	[sflag:s2] =	ssyncadd.s32 @!p1 $0xFFFFD800  }
.LBB2_9:
0x1ae: {  	_ =	sfence.sel $0x180000  }
0x1af: {  	[bflag:$0x0] =	sbarrier.arrive $0xFFFF  }
0x1b0: {  	_ =	strace $0x9000004A  }
0x1b1: {  	s0 =	stileid.u32;
	[bflag:$0x2] =	sbarrier.arrive $0xFFFF  }
0x1b2: {  	p0 =	sne.s32 s0, $0x0;
	s0 =	rddreg [dreg:$0x3]  }
0x1b3: {  	s0 =	sadd.s32 @!p0 $0x100000, s0  }
0x1b4: {  	[sflag:s0] =	ssyncadd.tile.s32 @!p0 $0x1;
	_ =	shalt  }
.Lfunc_end2:
_tile_overlayer_lowered:
.L_overlay_start_2:
0x1b5: {  	(tag) =	ssettag $0x2  }
0x1b6: {  	s0 =	rddreg [dreg:$0x0];
	s2 =	stileid.u32  }
0x1b7: {  	s1 =	rddreg [dreg:$0x1];
	p0 =	sne.s32 s2, $0x0  }
0x1b8: {  	s3 =	rddreg [dreg:$0x2];
	[bflag:$0x3] =	sbarrier.arrive $0xFFFF;
	s2 =	simm.s32 @!p0 $0x1C03  }
0x1b9: {  	[timem:s3], [sflag:s2] =	dma.local @!p0 [hbm:s0], s1  }
0x1ba: {  	s0 =	simm.s32 @!p0 $0x3  }
0x1bb: {  	_ =	swait.ge @!p0 [sflag:s0], s1  }
0x1bc: {  	s1 =	ssub.s32 @!p0 $0x0, s1;
	[sflag:s0] =	ssyncset.done @!p0 $0x0  }
0x1bd: {  	[sflag:s0] =	ssyncadd.s32 @!p0 s1  }
0x1be: {  	[bflag:$0x3] =	sbarrier.arrive $0xFFFF  }
0x1bf: {  	_ =	shalt  }

// kernel: kernel.14.cloned.1.call-start
scs
__scs_entry_jumppad:
0x0: {  	(pc) =	sbr.rel $0x88, $3  }
0x1: {  	(tag) =	ssettag $0x0;
	lr =	simm.s32 $0x1  }
0x2: {  	[smem:$0x3F9B] =	sst lr;
	_ =	strace $0xD0000000  }
0x3: {  	_ = 	snop  }
0x4: {  	_ = 	snop  }
0x5: {  	_ = 	snop  }
0x6: {  	_ = 	snop  }
0x7: {  	_ = 	snop  }
__scs_overlays_trampoline_lowered:
0x8: {  	[smem:$0x3FAA] =	sst s0  }
0x9: {  	[smem:$0x3FAB] =	sst s1  }
0xa: {  	[smem:$0x3FAC] =	sst s2  }
0xb: {  	[smem:$0x3FAD] =	sst s3  }
0xc: {  	[smem:$0x3FAE] =	sst s4  }
0xd: {  	[smem:$0x3FAF] =	sst s5  }
0xe: {  	[smem:$0x3FB0] =	sst s6  }
0xf: {  	[smem:$0x3FB1] =	sst s7  }
0x10: {  	[smem:$0x3FB2] =	sst s8  }
0x11: {  	[smem:$0x3FB3] =	sst s9;
	s0 =	simm.s32 @!p0 $0x0  }
0x12: {  	s1 =	sld [smem:$0x3F99];
	s0 =	simm.s32 @p0 $0x1  }
0x13: {  	[smem:$0x3FB4] =	sst s0;
	s0 =	simm.s32 @!p1 $0x0  }
0x14: {  	s2 =	sld [smem:$0x3F98];
	s0 =	simm.s32 @p1 $0x1  }
0x15: {  	[smem:$0x3FB5] =	sst s0;
	s0 =	simm.s32 @!p2 $0x0  }
0x16: {  	s3 =	sld [smem:$0x3FDB];
	s0 =	simm.s32 @p2 $0x1  }
0x17: {  	s4 =	simm.s32 $0x1BF5;
	[smem:$0x3FB7] =	sst s0  }
0x18: {  	s0 =	sld [smem:$0x3F9A];
	_ =	swait.ge [sflag:s4], $0x0  }
0x19: {  	s7 =	sld [smem:$0x3F9B]  }
0x1a: {  	s8 =	sadd.s32 $0xFFFFE003, lr  }
0x1b: {  	s9 =	sadd.s32 $0xFFFFFEF7, lr;
	s5 =	simm.s32 $0xFFFFFFFF;
	p2 =	slt.u32 s8, $0xFFFFF086  }
0x1c: {  	p1 =	slt.u32 s9, $0xF7A;
	s5 =	simm.s32 @!p2 $0x0  }
0x1d: {  	s5 =	simm.s32 @p1 $0x1;
	p0 =	seq.s32 s7, s2  }
0x1e: {  	s7 =	smul.u32 @!p0 $0xF7A, s2;
	p2 =	seq.s32 @!p0 s5, $0x0  }
0x1f: {  	s9 =	smul.u32 $0xF7A, s1;
	s8 =	simm.s32 @!p0 $0x1BF5;
	p2 =	por !p2, p0  }
0x20: {  	[sflag:s8] =	ssyncset.s32 @!p0 $0xFFFFF086;
	s6 =	sadd.s32 @!p0 s3, s7;
	s7 =	simm.s32 @!p0 $0x108  }
0x21: {  	s3 =	sadd.s32 s3, s9;
	s6 =	sadd.s32 @!p0 $0x88, s6;
	s7 =	simm.s32 @p2 $0x1082  }
0x22: {  	[simem:s7], [sflag:s8] =	dma.local @!p0 [hbm:s6], $0xF7A  }
0x23: {  	s9 =	sor.u32 $0xD0000000, s2;
	s6 =	simm.s32 $0x108;
	_ =	swait.ge @!p0 [sflag:s8], $0x0  }
0x24: {  	s3 =	sadd.s32 $0x88, s3;
	s6 =	simm.s32 @!p1 $0x1082;
	[sflag:s4] =	ssyncset.s32 $0xFFFFF086  }
0x25: {  	[simem:s6], [sflag:s4] =	dma.local [hbm:s3], $0xF7A  }
0x26: {  	[smem:$0x3F9B] =	sst s1;
	(tag) =	ssettag s2;
	_ =	strace s9  }
0x27: {  	s1 =	sld [smem:$0x3FAB]  }
0x28: {  	s2 =	sld [smem:$0x3FAC]  }
0x29: {  	s4 =	sld [smem:$0x3FAE]  }
0x2a: {  	p0 =	seq.s32 s5, $0x0;
	s5 =	sld [smem:$0x3FAF]  }
0x2b: {  	s6 =	sld [smem:$0x3FB0]  }
0x2c: {  	s7 =	sld [smem:$0x3FB1]  }
0x2d: {  	s3 =	simm.s32 $0x108;
	s8 =	sld [smem:$0x3FB2]  }
0x2e: {  	s3 =	simm.s32 @!p0 $0x1082;
	s9 =	sld [smem:$0x3FB3]  }
0x2f: {  	lr =	sadd.s32 s0, s3;
	s0 =	sld [smem:$0x3FAA]  }
0x30: {  	s3 =	sld [smem:$0x3FAD]  }
0x31: {  	[smem:$0x3FB6] =	sst s10  }
0x32: {  	s10 =	sld [smem:$0x3FB4];
	_ =	sdelay $0x3  }
0x33: {  	p0 =	seq.s32 s10, $0x1;
	s10 =	sld [smem:$0x3FB6];
	_ =	sdelay $0x3  }
0x34: {  	[smem:$0x3FB6] =	sst s10  }
0x35: {  	s10 =	sld [smem:$0x3FB5];
	_ =	sdelay $0x3  }
0x36: {  	p1 =	seq.s32 s10, $0x1;
	s10 =	sld [smem:$0x3FB6];
	_ =	sdelay $0x3  }
0x37: {  	[smem:$0x3FB6] =	sst s10  }
0x38: {  	s10 =	sld [smem:$0x3FB7]  }
0x39: {  	_ = 	snop;
	(pc) =	sbr.ind lr, $3  }
0x3a: {  	_ = 	snop  }
0x3b: {  	_ = 	snop  }
0x3c: {  	p2 =	seq.s32 s10, $0x1;
	s10 =	sld [smem:$0x3FB6]  }
0x3d: {  	_ =	shalt  }
0x3e: {  	_ =	shalt  }
0x3f: {  	_ =	shalt  }
0x40: {  	_ =	shalt  }
0x41: {  	_ =	shalt  }
0x42: {  	_ =	shalt  }
0x43: {  	_ =	shalt  }
0x44: {  	_ =	shalt  }
0x45: {  	_ =	shalt  }
0x46: {  	_ =	shalt  }
0x47: {  	_ =	shalt  }
0x48: {  	_ =	shalt  }
0x49: {  	_ =	shalt  }
0x4a: {  	_ =	shalt  }
0x4b: {  	_ =	shalt  }
0x4c: {  	_ =	shalt  }
0x4d: {  	_ =	shalt  }
0x4e: {  	_ =	shalt  }
0x4f: {  	_ =	shalt  }
0x50: {  	_ =	shalt  }
0x51: {  	_ =	shalt  }
0x52: {  	_ =	shalt  }
0x53: {  	_ =	shalt  }
0x54: {  	_ =	shalt  }
0x55: {  	_ =	shalt  }
0x56: {  	_ =	shalt  }
0x57: {  	_ =	shalt  }
0x58: {  	_ =	shalt  }
0x59: {  	_ =	shalt  }
0x5a: {  	_ =	shalt  }
0x5b: {  	_ =	shalt  }
0x5c: {  	_ =	shalt  }
0x5d: {  	_ =	shalt  }
0x5e: {  	_ =	shalt  }
0x5f: {  	_ =	shalt  }
0x60: {  	_ =	shalt  }
0x61: {  	_ =	shalt  }
0x62: {  	_ =	shalt  }
0x63: {  	_ =	shalt  }
0x64: {  	_ =	shalt  }
0x65: {  	_ =	shalt  }
0x66: {  	_ =	shalt  }
0x67: {  	_ =	shalt  }
0x68: {  	_ =	shalt  }
0x69: {  	_ =	shalt  }
0x6a: {  	_ =	shalt  }
0x6b: {  	_ =	shalt  }
0x6c: {  	_ =	shalt  }
0x6d: {  	_ =	shalt  }
0x6e: {  	_ =	shalt  }
0x6f: {  	_ =	shalt  }
0x70: {  	_ =	shalt  }
0x71: {  	_ =	shalt  }
0x72: {  	_ =	shalt  }
0x73: {  	_ =	shalt  }
0x74: {  	_ =	shalt  }
0x75: {  	_ =	shalt  }
0x76: {  	_ =	shalt  }
0x77: {  	_ =	shalt  }
0x78: {  	_ =	shalt  }
0x79: {  	_ =	shalt  }
0x7a: {  	_ =	shalt  }
0x7b: {  	_ =	shalt  }
0x7c: {  	_ =	shalt  }
0x7d: {  	_ =	shalt  }
0x7e: {  	_ =	shalt  }
0x7f: {  	_ =	shalt  }
0x80: {  	_ =	shalt  }
0x81: {  	_ =	shalt  }
0x82: {  	_ =	shalt  }
0x83: {  	_ =	shalt  }
0x84: {  	_ =	shalt  }
0x85: {  	_ =	shalt  }
0x86: {  	_ =	shalt  }
0x87: {  	_ =	shalt  }
.Lfunc_end0:
.L_simem_size_0:
called_computation.2_lowered:
.L_overlay_start_0:
0x88: {  	s2 =	sld [smem:$0x3FD9]  }
0x89: {  	s3 =	sld [smem:$0x3FFE];
	_ =	sdelay $0x1  }
0x8a: {  	s1 =	srdreg.scid  }
0x8b: {  	s0 =	sand.u32 $0x1, s1  }
0x8c: {  	s17 =	sshll.u32 s0, $0xA;
	s2 =	sadd.s32 s3, s2  }
0x8d: {  	s2 =	sadd.s32 s2, s17  }
0x8e: {  	[smem:$0x3FC2] =	sst s2  }
0x8f: {  	_ = 	snop  }
0x90: {  	s2 =	sld [smem:$0x3FD0];
	(tm) =	ssettm $0x1  }
0x91: {  	s18 =	sld [smem:$0x3FFB];
	_ =	sdelay $0x3  }
0x92: {  	_ =	strace s18  }
0x93: {  	s3 =	sld [smem:$0x3FFC];
	_ =	sdelay $0x3  }
0x94: {  	_ =	strace s3  }
0x95: {  	s3 =	sld [smem:$0x3FFD];
	_ =	sdelay $0x3  }
0x96: {  	_ =	strace s3  }
0x97: {  	_ =	strace $0x8FFFFFFF  }
0x98: {  	s19 =	sld [smem:$0x3FDB];
	_ =	sdelay $0x1  }
0x99: {  	s4 =	simm.s32 $_scs_section_size  }
0x9a: {  	s5 =	simm.s32 $_size__tile_overlayer_lowered;
	s6 =	simm.s32 $_tile_overlayer_lowered  }
0x9b: {  	s22 =	simm.s32 $0x1BFF;
	s21 =	sshll.u32 s6, $0x1;
	s3 =	sadd.s32 s4, s19  }
0x9c: {  	s7 =	simm.s32 $0x0;
	s20 =	sshll.u32 s5, $0x1;
	s5 =	sadd.s32 s21, s3  }
0x9d: {  	[timem:s7], [sflag:s22] =	dma.local [hbm:s5], s20  }
0x9e: {  	_ =	swait.ge [sflag:s22], s20  }
0x9f: {  	s4 =	ssub.s32 $0x0, s20;
	[sflag:s22] =	ssyncset.done $0x0  }
0xa0: {  	[sflag:s22] =	ssyncadd.s32 s4;
	_ =	sdelay $0x1  }
0xa1: {  	s23 =	simm.s32 $0x1B8B  }
0xa2: {  	_ =	swait.ge [sflag:s23], $0x1  }
0xa3: {  	[sflag:s23] =	ssyncset.done $0x0  }
0xa4: {  	s25 =	simm.s32 $0x1B8E;
	s24 =	sld [smem:$0x3FFE];
	[sflag:s23] =	ssyncadd.s32 $0xFFFFFFFF  }
0xa5: {  	s26 =	simm.s32 $execute0_lowered;
	[smem:$0x3FD2] =	sst s25  }
0xa6: {  	s5 =	sshll.u32 s26, $0x1;
	_ =	strace $0x8000004C;
	[dreg:$0x1] =	wrdreg $0xFFFFFFFF  }
0xa7: {  	s28 =	simm.s32 $_size_execute0_lowered;
	s3 =	sadd.s32 s3, s5;
	[dreg:$0x0] =	wrdreg $0x0  }
0xa8: {  	s5 =	sshll.u32 s28, $0x1;
	[dreg:$0x2] =	wrdreg s3  }
0xa9: {  	[dreg:$0x3] =	wrdreg s5  }
0xaa: {  	[dreg:$0x4] =	wrdreg $0xC0  }
0xab: {  	_ =	task [dreg:s7], $0x5FFFF  }
0xac: {  	[dreg:$0x1] =	wrdreg $0xFFFFFFFF  }
0xad: {  	[dreg:$0x0] =	wrdreg $0x60  }
0xae: {  	[dreg:$0x2] =	wrdreg s2  }
0xaf: {  	[dreg:$0x3] =	wrdreg s24  }
0xb0: {  	[dreg:$0x4] =	wrdreg $0x0  }
0xb1: {  	[dreg:$0x5] =	wrdreg $0x9  }
0xb2: {  	_ =	task.clear_ibuf [dreg:s7], $0x6FFFF;
	_ =	strace $0x9000004C  }
0xb3: {  	s29 =	simm.s32 $0x9;
	_ =	strace $0x8000004E  }
0xb4: {  	_ =	swait.ge [sflag:s29], $0x1  }
0xb5: {  	[sflag:s29] =	ssyncadd.s32 $0xFFFFFFFF  }
0xb6: {  	_ =	strace $0x9000004E  }
0xb7: {  	_ =	sfence  }
0xb8: {  	s30 =	sld [smem:$0x0];
	_ =	sdelay $0x2  }
0xb9: {  	s31 =	sshll.u32 s1, $0xD;
	s1 =	sshrl.u32 s1, $0x2  }
0xba: {  	s3 =	sand.u32 $0x4000, s31;
	s1 =	sadd.s32 s1, s30  }
0xbb: {  	s0 =	sor.u32 s3, s0;
	s1 =	sshll.u32 s1, $0x11  }
0xbc: {  	s0 =	sor.u32 s1, s0  }
0xbd: {  	s0 =	sadd.s32 $0x8F2B, s0  }
0xbe: {  	[sflag:s0] =	ssyncadd.remote.s32 $0x1  }
0xbf: {  	_ =	sfence.sel $0xFFFF  }
0xc0: {  	[dreg:$0x0] =	wrdreg $0xFFFFFFFF;
	(pc) =	sbr.abs _section_cstart, $3  }
0xc1: {  	[dreg:$0x1] =	wrdreg $0xFFFFFFFF  }
0xc2: {  	_ =	task.clear_ibuf [dreg:s7], $0x2FFFF;
	_ =	strace $0x9FFFFFFF  }
0xc3: {  	(tm) =	ssettm $0x7FFFFFFF  }
tec
execute0_lowered:
.L_overlay_start_1:
0x0: {  	(tag) =	ssettag $0x1  }
0x1: {  	s1 =	rddreg [dreg:$0x0]  }
0x2: {  	s0 =	rddreg [dreg:$0x1]  }
0x3: {  	s3 =	rddreg [dreg:$0x2];
	s4 =	simm.s32 $0x0;
	s12 =	stileid.u32  }
0x4: {  	s6 =	srdreg.scid;
	s28 =	simm.s32 $0x50;
	s30 =	simm.s32 $0x1B100  }
0x5: {  	s31 =	simm.s32 $0x1;
	s14 =	simm.s32 $0x0;
	s2 =	smul.u32 $0x4E2, s12  }
0x6: {  	[smem:$0x7FF] =	sst s4;
	s5 =	sadd.s32 $0x12E00, s0;
	s7 =	smul.u32 $0x2800, s12  }
0x7: {  	s6 =	sand.u32 $0x1, s6;
	s9 =	smul.u32 $0x50000, s12;
	s10 =	sadd.s32 $0x12600, s0  }
0x8: {  	s11 =	sadd.s32 $0x12C000, s3;
	s26 =	sadd.s32 $0x86A00, s0;
	p1 =	seq.s32 s12, $0xF  }
0x9: {  	s12 =	simm.s32 $0x18880;
	_ =	strace $0x8000004D;
	[dreg:$0x4] =	wrdreg s10  }
0xa: {  	s8 =	ssub.s32 $0x2, s6;
	p0 =	seq.s32 s6, $0x1;
	[dreg:$0x8] =	wrdreg s26  }
0xb: {  	s6 =	sadd.s32 $0x133800, s3;
	s10 =	simm.s32 $0x2;
	s2 =	sadd.s32 s2, s0  }
0xc: {  	s7 =	sadd.s32 s7, s0;
	s23 =	sshrl.u32 s8, $0x1;
	s0 =	sadd.s32 $0xADC00, s0  }
0xd: {  	s9 =	sshrl.u32 s9, $0x2;
	s24 =	sadd.s32 $0x3600, s2;
	[dreg:$0xa] =	wrdreg s0  }
0xe: {  	s8 =	ssub.s32 s8, s23;
	s2 =	sadd.s32 $0x8600, s2;
	[dreg:$0x5] =	wrdreg s24  }
0xf: {  	s9 =	sadd.s32 s9, s3;
	s25 =	sadd.s32 $0x61200, s7;
	[dreg:$0x6] =	wrdreg s2  }
0x10: {  	s29 =	sadd.s32 $0x88400, s7;
	s0 =	sadd.s32 $0x12E800, s3;
	[dreg:$0x7] =	wrdreg s25  }
0x11: {  	s23 =	simm.s32 $0x18900;
	[dreg:$0x9] =	wrdreg s29;
	s15 =	smax.u32 s8, $0x1  }
0x12: {  	s16 =	sadd.s32 $0x2800, s9;
	s17 =	sadd.s32 $0x5000, s9;
	s18 =	sadd.s32 $0x7800, s9  }
.Ltmp0:
0x13: {  	s19 =	sadd.s32 $0xA000, s9;
	s20 =	sadd.s32 $0xC800, s9;
	(pc) =	sbr.rel .LBB2_1-.Ltmp0, $4  }
0x14: {  	s21 =	sadd.s32 $0xF000, s9;
	s22 =	sadd.s32 $0x11800, s9;
	s2 =	sadd.s32 $0x131000, s3  }
0x15: {  	s24 =	simm.s32 $0x3;
	s25 =	simm.s32 $0x13900;
	s19 =	smov.u32 @p1 s0  }
0x16: {  	s0 =	sadd.s32 $0x136000, s3;
	s20 =	smov.u32 @p1 s2;
	s21 =	smov.u32 @p1 s6  }
0x17: {  	s18 =	smov.u32 @p1 s11;
	s22 =	smov.u32 @p1 s0;
	s0 =	simm.s32 $0x18800  }
.LBB2_7:
0x18: {  	[tilespmem:s30], [sflag:$0x2] =	stream.indirect.gather [hbm4b:s5+s28], $0x80, s8, s28, $0xb8;
	[tilespmem:$0x1D900] =	vst v63  }
0x19: {  	v0 =	vld [tilespmem:s2+$0x16080];
	_ =	sdelay $0x4  }
0x1a: {  	[tilespmem:$0x18800] =	vst v0  }
0x1b: {  	v0 =	vld [tilespmem:s2+$0x16090];
	_ =	sdelay $0x4  }
0x1c: {  	[tilespmem:$0x18810] =	vst v0  }
0x1d: {  	v0 =	vld [tilespmem:s2+$0x160A0];
	_ =	sdelay $0x4  }
0x1e: {  	[tilespmem:$0x18820] =	vst v0  }
0x1f: {  	v0 =	vld [tilespmem:s2+$0x160B0];
	_ =	sdelay $0x4  }
0x20: {  	[tilespmem:$0x18830] =	vst v0  }
0x21: {  	v0 =	vld [tilespmem:s2+$0x160C0];
	_ =	sdelay $0x4  }
0x22: {  	[tilespmem:$0x18840] =	vst v0  }
0x23: {  	_ =	swait.ge [sflag:s31], $0x2800  }
0x24: {  	[sflag:s31] =	ssyncset.done $0x0  }
0x25: {  	[sflag:s31] =	ssyncadd.s32 $0xFFFFD800  }
0x26: {  	[spmem:s3] =	stream.indirect.scatter.add.f32 [tilespmem:s23], [sflag:$0x3], $0x80, s0, s28, $0xb8;
	[tilespmem:$0x1D900] =	vst v63  }
0x27: {  	_ =	swait.ge [sflag:s24], $0x2800  }
0x28: {  	[sflag:s24] =	ssyncset.done $0x0  }
0x29: {  	s6 =	sadd.s32 $0x139A0, s2;
	[sflag:s24] =	ssyncadd.s32 $0xFFFFD800  }
0x2a: {  	[tilespmem:s23], [sflag:$0x1] =	stream.indirect.gather [hbm4b:s5+s28], $0x80, s6, s28, $0xb8;
	[tilespmem:$0x1D900] =	vst v63  }
0x2b: {  	v52 =	vld [tilespmem:s2+$0x160D0];
	_ =	sdelay $0x4  }
0x2c: {  	[tilespmem:$0x18880] =	vst v52  }
0x2d: {  	v0 =	vld [tilespmem:s2+$0x160E0];
	_ =	sdelay $0x4  }
0x2e: {  	[tilespmem:$0x18890] =	vst v0  }
0x2f: {  	v0 =	vld [tilespmem:s2+$0x160F0];
	_ =	sdelay $0x4  }
0x30: {  	[tilespmem:$0x188A0] =	vst v0  }
0x31: {  	v0 =	vld [tilespmem:s2+$0x16100];
	_ =	sdelay $0x4  }
0x32: {  	[tilespmem:$0x188B0] =	vst v0  }
0x33: {  	v0 =	vld [tilespmem:s2+$0x16110];
	_ =	sdelay $0x4  }
0x34: {  	[tilespmem:$0x188C0] =	vst v0  }
0x35: {  	_ =	swait.ge [sflag:s10], $0x2800  }
0x36: {  	[sflag:s10] =	ssyncset.done $0x0  }
0x37: {  	[sflag:s10] =	ssyncadd.s32 $0xFFFFD800  }
0x38: {  	[spmem:s3] =	stream.indirect.scatter.add.f32 [tilespmem:s30], [sflag:$0x3], $0x80, s12, s28, $0xb8;
	[tilespmem:$0x1D900] =	vst v63  }
0x39: {  	_ =	swait.ge [sflag:s24], $0x2800  }
0x3a: {  	[sflag:s24] =	ssyncset.done $0x0  }
0x3b: {  	s7 =	sadd.s32 $0x139F0, s2;
	[sflag:s24] =	ssyncadd.s32 $0xFFFFD800  }
0x3c: {  	[tilespmem:s30], [sflag:$0x2] =	stream.indirect.gather [hbm4b:s5+s28], $0x80, s7, s28, $0xb8;
	[tilespmem:$0x1D900] =	vst v63  }
0x3d: {  	v53 =	vld [tilespmem:$0x186A0]  }
0x3e: {  	v1 =	vld [tilespmem:$0x186B0]  }
0x3f: {  	v2 =	vld [tilespmem:$0x186C0]  }
0x40: {  	v3 =	vld [tilespmem:$0x186D0]  }
0x41: {  	v4 =	vld [tilespmem:$0x186E0]  }
0x42: {  	[tilespmem:$0x18800] =	vst v53  }
0x43: {  	[tilespmem:$0x18810] =	vst v1  }
0x44: {  	[tilespmem:$0x18820] =	vst v2  }
0x45: {  	[tilespmem:$0x18830] =	vst v3  }
0x46: {  	[tilespmem:$0x18840] =	vst v4  }
0x47: {  	_ =	swait.ge [sflag:s31], $0x2800  }
0x48: {  	[sflag:s31] =	ssyncset.done $0x0  }
0x49: {  	[sflag:s31] =	ssyncadd.s32 $0xFFFFD800  }
0x4a: {  	[spmem:s3] =	stream.indirect.scatter.add.f32 [tilespmem:s23], [sflag:$0x3], $0x80, s0, s28, $0xb8;
	[tilespmem:$0x1D900] =	vst v63  }
0x4b: {  	_ =	swait.ge [sflag:s24], $0x2800  }
0x4c: {  	[sflag:s24] =	ssyncset.done $0x0  }
0x4d: {  	s8 =	simm.s32 $0x15FC0;
	[sflag:s24] =	ssyncadd.s32 $0xFFFFD800  }
0x4e: {  	[tilespmem:s23], [sflag:$0x1] =	stream.indirect.gather [hbm4b:s5+s28], $0x80, s8, s28, $0xb8;
	[tilespmem:$0x1D900] =	vst v63  }
0x4f: {  	v54 =	vld [tilespmem:$0x186F0]  }
0x50: {  	v55 =	vld [tilespmem:$0x18700]  }
0x51: {  	v56 =	vld [tilespmem:$0x18710]  }
0x52: {  	v57 =	vld [tilespmem:$0x18720]  }
0x53: {  	v58 =	vld [tilespmem:$0x18730]  }
0x54: {  	[tilespmem:$0x18880] =	vst v54  }
0x55: {  	[tilespmem:$0x18890] =	vst v55  }
0x56: {  	[tilespmem:$0x188A0] =	vst v56  }
0x57: {  	[tilespmem:$0x188B0] =	vst v57  }
0x58: {  	[tilespmem:$0x188C0] =	vst v58  }
0x59: {  	_ =	swait.ge [sflag:s10], $0x2800  }
0x5a: {  	[sflag:s10] =	ssyncset.done $0x0  }
0x5b: {  	[sflag:s10] =	ssyncadd.s32 $0xFFFFD800  }
0x5c: {  	[spmem:s3] =	stream.indirect.scatter.add.f32 [tilespmem:s30], [sflag:$0x3], $0x80, s12, s28, $0xb8;
	[tilespmem:$0x1D900] =	vst v63  }
0x5d: {  	_ =	swait.ge [sflag:s24], $0x2800  }
0x5e: {  	[sflag:s24] =	ssyncset.done $0x0  }
0x5f: {  	[sflag:s24] =	ssyncadd.s32 $0xFFFFD800  }
0x60: {  	v59 =	vld [tilespmem:$0x18740]  }
0x61: {  	v60 =	vld [tilespmem:$0x18750]  }
0x62: {  	v61 =	vld [tilespmem:$0x18760]  }
0x63: {  	v62 =	vld [tilespmem:$0x18770]  }
0x64: {  	v63 =	vld [tilespmem:$0x18780]  }
0x65: {  	[tilespmem:$0x18800] =	vst v59  }
0x66: {  	[tilespmem:$0x18810] =	vst v60  }
0x67: {  	[tilespmem:$0x18820] =	vst v61  }
0x68: {  	[tilespmem:$0x18830] =	vst v62  }
0x69: {  	[tilespmem:$0x18840] =	vst v63  }
0x6a: {  	_ =	swait.ge [sflag:s31], $0x2800  }
0x6b: {  	[sflag:s31] =	ssyncset.done $0x0  }
0x6c: {  	[sflag:s31] =	ssyncadd.s32 $0xFFFFD800  }
0x6d: {  	[spmem:s3] =	stream.indirect.scatter.add.f32 [tilespmem:s23], [sflag:$0x3], $0x80, s0, s28, $0xb8;
	[tilespmem:$0x1D900] =	vst v63  }
0x6e: {  	_ =	swait.ge [sflag:s24], $0x2800  }
0x6f: {  	[sflag:s24] =	ssyncset.done $0x0  }
0x70: {  	[sflag:s24] =	ssyncadd.s32 $0xFFFFD800  }
0x71: {  	[bflag:$0x0] =	sbarrier.arrive $0xFFFF  }
0x72: {  	s2 =	simm.s32 @p1 $0x1FC3;
	s6 =	rddreg [dreg:$0xa]  }
0x73: {  	[hbm:s6], [sflag:s2] =	dma.local @p1 [spmem:s13], $0x1900  }
0x74: {  	s2 =	simm.s32 @p1 $0x3  }
0x75: {  	_ =	swait.ge @p1 [sflag:s2], $0x1900  }
0x76: {  	[sflag:s2] =	ssyncset.done @p1 $0x0  }
0x77: {  	[sflag:s2] =	ssyncadd.s32 @p1 $0xFFFFE700;
	s2 =	rddreg [dreg:$0x9]  }
0x78: {  	[hbm:s2], [sflag:s29] =	dma.local @!p1 [spmem:s26], $0x2800  }
0x79: {  	s2 =	simm.s32 @!p1 $0x3  }
0x7a: {  	_ =	swait.ge @!p1 [sflag:s2], $0x2800  }
0x7b: {  	[sflag:s2] =	ssyncset.done @!p1 $0x0  }
0x7c: {  	[sflag:s2] =	ssyncadd.s32 @!p1 $0xFFFFD800  }
.LBB2_8:
0x7d: {  	s14 =	sadd.s32 $0x1, s14  }
0x7e: {  	p2 =	sne.s32 s14, s15  }
.Ltmp1:
0x7f: {  	_ = 	snop;
	(pc) =	sbr.rel @!p2 .LBB2_9-.Ltmp1, $1  }
0x80: {  	_ =	sdelay $0x3  }
.LBB2_1:
0x81: {  	s2 =	rddreg [dreg:$0x4]  }
0x82: {  	[tilespmem:s23], [sflag:$0x3] =	stream.linear.gather [hbm4b:s2+s4], $0x2800, $0x38;
	[tilespmem:$0x1D900] =	vst v63  }
0x83: {  	_ =	swait.ge [sflag:s24], $0x2800  }
0x84: {  	[sflag:s24] =	ssyncset.done $0x0  }
0x85: {  	s6 =	simm.s32 @!p1 $0x3;
	s2 =	simm.s32 @!p1 $0x18900;
	[sflag:s24] =	ssyncadd.s32 $0xFFFFD800  }
0x86: {  	[spmem:s9] =	stream.linear.scatter @!p1 [tilespmem:s2], [sflag:$0x3], $0x2800, $0x38;
	[tilespmem:$0x1D900] =	vst v63  }
0x87: {  	_ =	swait.ge @!p1 [sflag:s6], $0x2800  }
0x88: {  	[sflag:s6] =	ssyncset.done @!p1 $0x0  }
0x89: {  	[sflag:s6] =	ssyncadd.s32 @!p1 $0xFFFFD800  }
0x8a: {  	[spmem:s16] =	stream.linear.scatter @!p1 [tilespmem:s2], [sflag:$0x3], $0x2800, $0x38;
	[tilespmem:$0x1D900] =	vst v63  }
0x8b: {  	_ =	swait.ge @!p1 [sflag:s6], $0x2800  }
0x8c: {  	[sflag:s6] =	ssyncset.done @!p1 $0x0  }
0x8d: {  	[sflag:s6] =	ssyncadd.s32 @!p1 $0xFFFFD800  }
0x8e: {  	[spmem:s17] =	stream.linear.scatter @!p1 [tilespmem:s2], [sflag:$0x3], $0x2800, $0x38;
	[tilespmem:$0x1D900] =	vst v63  }
0x8f: {  	_ =	swait.ge @!p1 [sflag:s6], $0x2800  }
0x90: {  	[sflag:s6] =	ssyncset.done @!p1 $0x0  }
0x91: {  	[sflag:s6] =	ssyncadd.s32 @!p1 $0xFFFFD800  }
0x92: {  	[spmem:s18] =	stream.linear.scatter [tilespmem:s23], [sflag:$0x3], $0x2800, $0x38;
	[tilespmem:$0x1D900] =	vst v63  }
0x93: {  	_ =	swait.ge [sflag:s24], $0x2800  }
0x94: {  	[sflag:s24] =	ssyncset.done $0x0  }
0x95: {  	[sflag:s24] =	ssyncadd.s32 $0xFFFFD800  }
0x96: {  	[spmem:s19] =	stream.linear.scatter [tilespmem:s23], [sflag:$0x3], $0x2800, $0x38;
	[tilespmem:$0x1D900] =	vst v63  }
0x97: {  	_ =	swait.ge [sflag:s24], $0x2800  }
0x98: {  	[sflag:s24] =	ssyncset.done $0x0  }
0x99: {  	[sflag:s24] =	ssyncadd.s32 $0xFFFFD800  }
0x9a: {  	[spmem:s20] =	stream.linear.scatter [tilespmem:s23], [sflag:$0x3], $0x2800, $0x38;
	[tilespmem:$0x1D900] =	vst v63  }
0x9b: {  	_ =	swait.ge [sflag:s24], $0x2800  }
0x9c: {  	[sflag:s24] =	ssyncset.done $0x0  }
0x9d: {  	[sflag:s24] =	ssyncadd.s32 $0xFFFFD800  }
0x9e: {  	[spmem:s21] =	stream.linear.scatter [tilespmem:s23], [sflag:$0x3], $0x2800, $0x38;
	[tilespmem:$0x1D900] =	vst v63  }
0x9f: {  	_ =	swait.ge [sflag:s24], $0x2800  }
0xa0: {  	[sflag:s24] =	ssyncset.done $0x0  }
0xa1: {  	[sflag:s24] =	ssyncadd.s32 $0xFFFFD800  }
0xa2: {  	[spmem:s22] =	stream.linear.scatter [tilespmem:s23], [sflag:$0x3], $0x2800, $0x38;
	[tilespmem:$0x1D900] =	vst v63  }
0xa3: {  	_ =	swait.ge [sflag:s24], $0x2800  }
0xa4: {  	[sflag:s24] =	ssyncset.done $0x0  }
0xa5: {  	s8 =	rddreg [dreg:$0x5];
	[sflag:s24] =	ssyncadd.s32 $0xFFFFD800  }
0xa6: {  	[tilespmem:s25], [sflag:$0x3] =	stream.linear.gather [hbm4b:s8+s4], $0x2710, $0x38;
	[tilespmem:$0x1D900] =	vst v63  }
0xa7: {  	_ =	swait.ge [sflag:s24], $0x2710  }
0xa8: {  	[sflag:s24] =	ssyncset.done $0x0  }
0xa9: {  	s26 =	simm.s32 $0x16080;
	s13 =	rddreg [dreg:$0x6];
	[sflag:s24] =	ssyncadd.s32 $0xFFFFD8F0  }
0xaa: {  	[tilespmem:s26], [sflag:$0x3] =	stream.linear.gather [hbm4b:s13+s4], $0x2710, $0x38;
	[tilespmem:$0x1D900] =	vst v63  }
.Ltmp2:
0xab: {  	_ =	swait.ge [sflag:s24], $0x2710;
	(pc) =	sbr.rel @!p0 .LBB2_2-.Ltmp2, $4  }
0xac: {  	[sflag:s24] =	ssyncset.done $0x0  }
0xad: {  	s2 =	stileid.u32;
	[sflag:s24] =	ssyncadd.s32 $0xFFFFD8F0  }
0xae: {  	s2 =	sshll.u32 @!p1 s2, $0x6;
	[bflag:$0x0] =	sbarrier.arrive $0xFFFF  }
0xaf: {  	s29 =	sor.u32 @!p1 $0x1C03, s2;
	s13 =	sshrl.u32 @p1 s11, $0x3;
	s26 =	sshrl.u32 @!p1 s9, $0x3  }
0xb0: {  	[tilespmem:s23], [sflag:$0x1] =	stream.indirect.gather [hbm4b:s5+s28], $0x80, s25, s28, $0xb8;
	[tilespmem:$0x1D900] =	vst v63  }
0xb1: {  	s2 =	simm.s32 $0x13950;
	s8 =	simm.s32 $0x0  }
0xb2: {  	[tilespmem:s30], [sflag:$0x2] =	stream.indirect.gather [hbm4b:s5+s28], $0x80, s2, s28, $0xb8;
	[tilespmem:$0x1D900] =	vst v63  }
0xb3: {  	v0 =	vld [tilespmem:s8+$0x16080];
	_ =	sdelay $0x4  }
0xb4: {  	[tilespmem:$0x18800] =	vst v0  }
0xb5: {  	v0 =	vld [tilespmem:s8+$0x16090];
	_ =	sdelay $0x4  }
0xb6: {  	[tilespmem:$0x18810] =	vst v0  }
0xb7: {  	v0 =	vld [tilespmem:s8+$0x160A0];
	_ =	sdelay $0x4  }
0xb8: {  	[tilespmem:$0x18820] =	vst v0  }
0xb9: {  	v0 =	vld [tilespmem:s8+$0x160B0];
	_ =	sdelay $0x4  }
0xba: {  	[tilespmem:$0x18830] =	vst v0  }
0xbb: {  	v0 =	vld [tilespmem:s8+$0x160C0];
	_ =	sdelay $0x4  }
0xbc: {  	[tilespmem:$0x18840] =	vst v0  }
0xbd: {  	_ =	swait.ge [sflag:s31], $0x2800  }
0xbe: {  	[sflag:s31] =	ssyncset.done $0x0  }
0xbf: {  	[sflag:s31] =	ssyncadd.s32 $0xFFFFD800  }
0xc0: {  	[spmem:s3] =	stream.indirect.scatter.add.f32 [tilespmem:s23], [sflag:$0x3], $0x80, s0, s28, $0xb8;
	[tilespmem:$0x1D900] =	vst v63  }
0xc1: {  	_ =	swait.ge [sflag:s24], $0x2800  }
0xc2: {  	[sflag:s24] =	ssyncset.done $0x0  }
0xc3: {  	s6 =	simm.s32 $0x139A0;
	[sflag:s24] =	ssyncadd.s32 $0xFFFFD800  }
0xc4: {  	[tilespmem:s23], [sflag:$0x1] =	stream.indirect.gather [hbm4b:s5+s28], $0x80, s6, s28, $0xb8;
	[tilespmem:$0x1D900] =	vst v63  }
0xc5: {  	v63 =	vld [tilespmem:s8+$0x160D0];
	_ =	sdelay $0x4  }
0xc6: {  	[tilespmem:$0x18880] =	vst v63  }
0xc7: {  	v0 =	vld [tilespmem:s8+$0x160E0];
	_ =	sdelay $0x4  }
0xc8: {  	[tilespmem:$0x18890] =	vst v0  }
0xc9: {  	v0 =	vld [tilespmem:s8+$0x160F0];
	_ =	sdelay $0x4  }
0xca: {  	[tilespmem:$0x188A0] =	vst v0  }
0xcb: {  	v0 =	vld [tilespmem:s8+$0x16100];
	_ =	sdelay $0x4  }
0xcc: {  	[tilespmem:$0x188B0] =	vst v0  }
0xcd: {  	v0 =	vld [tilespmem:s8+$0x16110];
	_ =	sdelay $0x4  }
0xce: {  	[tilespmem:$0x188C0] =	vst v0  }
0xcf: {  	_ =	swait.ge [sflag:s10], $0x2800  }
0xd0: {  	[sflag:s10] =	ssyncset.done $0x0  }
0xd1: {  	[sflag:s10] =	ssyncadd.s32 $0xFFFFD800  }
0xd2: {  	[spmem:s3] =	stream.indirect.scatter.add.f32 [tilespmem:s30], [sflag:$0x3], $0x80, s12, s28, $0xb8;
	[tilespmem:$0x1D900] =	vst v63  }
0xd3: {  	_ =	swait.ge [sflag:s24], $0x2800  }
0xd4: {  	s2 =	simm.s32 $0xA0;
	[sflag:s24] =	ssyncset.done $0x0  }
0xd5: {  	s6 =	simm.s32 $0x500;
	s8 =	simm.s32 $0x139F0;
	[sflag:s24] =	ssyncadd.s32 $0xFFFFD800  }
.LBB2_6:
0xd6: {  	[tilespmem:s30], [sflag:$0x2] =	stream.indirect.gather [hbm4b:s5+s28], $0x80, s8, s28, $0xb8;
	[tilespmem:$0x1D900] =	vst v63  }
0xd7: {  	s7 =	sshra.s32 s6, $0x2;
	p2 =	sne.s32 s6, $0x9600;
	s6 =	sadd.s32 $0x280, s6;
	v0 =	vld [tilespmem:s2+$0x16080]  }
0xd8: {  	_ =	sdelay $0x3  }
0xd9: {  	[tilespmem:$0x18800] =	vst v0  }
0xda: {  	v0 =	vld [tilespmem:s2+$0x16090];
	_ =	sdelay $0x4  }
0xdb: {  	[tilespmem:$0x18810] =	vst v0  }
0xdc: {  	v0 =	vld [tilespmem:s2+$0x160A0];
	_ =	sdelay $0x4  }
0xdd: {  	[tilespmem:$0x18820] =	vst v0  }
0xde: {  	v0 =	vld [tilespmem:s2+$0x160B0];
	_ =	sdelay $0x4  }
0xdf: {  	[tilespmem:$0x18830] =	vst v0  }
0xe0: {  	v0 =	vld [tilespmem:s2+$0x160C0];
	_ =	sdelay $0x4  }
0xe1: {  	[tilespmem:$0x18840] =	vst v0  }
0xe2: {  	_ =	swait.ge [sflag:s31], $0x2800  }
0xe3: {  	[sflag:s31] =	ssyncset.done $0x0  }
0xe4: {  	[sflag:s31] =	ssyncadd.s32 $0xFFFFD800  }
0xe5: {  	[spmem:s3] =	stream.indirect.scatter.add.f32 [tilespmem:s23], [sflag:$0x3], $0x80, s0, s28, $0xb8;
	[tilespmem:$0x1D900] =	vst v63  }
0xe6: {  	_ =	swait.ge [sflag:s24], $0x2800  }
0xe7: {  	[sflag:s24] =	ssyncset.done $0x0  }
0xe8: {  	s8 =	sadd.s32 $0x139A0, s2;
	[sflag:s24] =	ssyncadd.s32 $0xFFFFD800  }
0xe9: {  	[tilespmem:s23], [sflag:$0x1] =	stream.indirect.gather [hbm4b:s5+s28], $0x80, s8, s28, $0xb8;
	[tilespmem:$0x1D900] =	vst v63  }
0xea: {  	v0 =	vld [tilespmem:s2+$0x160D0];
	_ =	sdelay $0x4  }
0xeb: {  	[tilespmem:$0x18880] =	vst v0  }
0xec: {  	v0 =	vld [tilespmem:s2+$0x160E0];
	_ =	sdelay $0x4  }
0xed: {  	[tilespmem:$0x18890] =	vst v0  }
0xee: {  	v0 =	vld [tilespmem:s2+$0x160F0];
	_ =	sdelay $0x4  }
0xef: {  	[tilespmem:$0x188A0] =	vst v0  }
0xf0: {  	v0 =	vld [tilespmem:s2+$0x16100];
	_ =	sdelay $0x4  }
0xf1: {  	[tilespmem:$0x188B0] =	vst v0  }
0xf2: {  	v0 =	vld [tilespmem:s2+$0x16110];
	_ =	sdelay $0x4  }
0xf3: {  	[tilespmem:$0x188C0] =	vst v0  }
0xf4: {  	_ =	swait.ge [sflag:s10], $0x2800  }
0xf5: {  	[sflag:s10] =	ssyncset.done $0x0  }
.Ltmp3:
0xf6: {  	[sflag:s10] =	ssyncadd.s32 $0xFFFFD800;
	(pc) =	sbr.rel @p2 .LBB2_6-.Ltmp3, $4  }
0xf7: {  	[spmem:s3] =	stream.indirect.scatter.add.f32 [tilespmem:s30], [sflag:$0x3], $0x80, s12, s28, $0xb8;
	[tilespmem:$0x1D900] =	vst v63  }
0xf8: {  	_ =	swait.ge [sflag:s24], $0x2800  }
0xf9: {  	[sflag:s24] =	ssyncset.done $0x0  }
0xfa: {  	s8 =	sadd.s32 $0x139F0, s2;
	s2 =	smov.u32 s7;
	[sflag:s24] =	ssyncadd.s32 $0xFFFFD800  }
.Ltmp4:
0xfb: {  	_ = 	snop;
	(pc) =	sbr.rel .LBB2_7-.Ltmp4, $1  }
0xfc: {  	_ =	sdelay $0x3  }
.LBB2_2:
0xfd: {  	[tilespmem:s23], [sflag:$0x1] =	stream.indirect.gather [hbm4b:s1+s28], $0x80, s25, s28, $0xb8;
	[tilespmem:$0x1D900] =	vst v63  }
0xfe: {  	s2 =	simm.s32 $0x13950;
	s8 =	simm.s32 $0x0  }
0xff: {  	[tilespmem:s30], [sflag:$0x2] =	stream.indirect.gather [hbm4b:s1+s28], $0x80, s2, s28, $0xb8;
	[tilespmem:$0x1D900] =	vst v63  }
0x100: {  	v0 =	vld [tilespmem:s8+$0x16080];
	_ =	sdelay $0x4  }
0x101: {  	[tilespmem:$0x18800] =	vst v0  }
0x102: {  	v0 =	vld [tilespmem:s8+$0x16090];
	_ =	sdelay $0x4  }
0x103: {  	[tilespmem:$0x18810] =	vst v0  }
0x104: {  	v0 =	vld [tilespmem:s8+$0x160A0];
	_ =	sdelay $0x4  }
0x105: {  	[tilespmem:$0x18820] =	vst v0  }
0x106: {  	v0 =	vld [tilespmem:s8+$0x160B0];
	_ =	sdelay $0x4  }
0x107: {  	[tilespmem:$0x18830] =	vst v0  }
0x108: {  	v0 =	vld [tilespmem:s8+$0x160C0];
	_ =	sdelay $0x4  }
0x109: {  	[tilespmem:$0x18840] =	vst v0  }
0x10a: {  	_ =	swait.ge [sflag:s31], $0x2800  }
0x10b: {  	[sflag:s31] =	ssyncset.done $0x0  }
0x10c: {  	[sflag:s31] =	ssyncadd.s32 $0xFFFFD800  }
0x10d: {  	[spmem:s3] =	stream.indirect.scatter.add.f32 [tilespmem:s23], [sflag:$0x3], $0x80, s0, s28, $0xb8;
	[tilespmem:$0x1D900] =	vst v63  }
0x10e: {  	_ =	swait.ge [sflag:s24], $0x2800  }
0x10f: {  	[sflag:s24] =	ssyncset.done $0x0  }
0x110: {  	s6 =	simm.s32 $0x139A0;
	[sflag:s24] =	ssyncadd.s32 $0xFFFFD800  }
0x111: {  	[tilespmem:s23], [sflag:$0x1] =	stream.indirect.gather [hbm4b:s1+s28], $0x80, s6, s28, $0xb8;
	[tilespmem:$0x1D900] =	vst v63  }
0x112: {  	v63 =	vld [tilespmem:s8+$0x160D0];
	_ =	sdelay $0x4  }
0x113: {  	[tilespmem:$0x18880] =	vst v63  }
0x114: {  	v0 =	vld [tilespmem:s8+$0x160E0];
	_ =	sdelay $0x4  }
0x115: {  	[tilespmem:$0x18890] =	vst v0  }
0x116: {  	v0 =	vld [tilespmem:s8+$0x160F0];
	_ =	sdelay $0x4  }
0x117: {  	[tilespmem:$0x188A0] =	vst v0  }
0x118: {  	v0 =	vld [tilespmem:s8+$0x16100];
	_ =	sdelay $0x4  }
0x119: {  	[tilespmem:$0x188B0] =	vst v0  }
0x11a: {  	v0 =	vld [tilespmem:s8+$0x16110];
	_ =	sdelay $0x4  }
0x11b: {  	[tilespmem:$0x188C0] =	vst v0  }
0x11c: {  	_ =	swait.ge [sflag:s10], $0x2800  }
0x11d: {  	[sflag:s10] =	ssyncset.done $0x0  }
0x11e: {  	[sflag:s10] =	ssyncadd.s32 $0xFFFFD800  }
0x11f: {  	[spmem:s3] =	stream.indirect.scatter.add.f32 [tilespmem:s30], [sflag:$0x3], $0x80, s12, s28, $0xb8;
	[tilespmem:$0x1D900] =	vst v63  }
0x120: {  	_ =	swait.ge [sflag:s24], $0x2800  }
0x121: {  	s2 =	simm.s32 $0xA0;
	[sflag:s24] =	ssyncset.done $0x0  }
0x122: {  	s6 =	simm.s32 $0x500;
	s8 =	simm.s32 $0x139F0;
	[sflag:s24] =	ssyncadd.s32 $0xFFFFD800  }
.LBB2_3:
0x123: {  	[tilespmem:s30], [sflag:$0x2] =	stream.indirect.gather [hbm4b:s1+s28], $0x80, s8, s28, $0xb8;
	[tilespmem:$0x1D900] =	vst v63  }
0x124: {  	s7 =	sshra.s32 s6, $0x2;
	p2 =	sne.s32 s6, $0x9600;
	s6 =	sadd.s32 $0x280, s6;
	v0 =	vld [tilespmem:s2+$0x16080]  }
0x125: {  	_ =	sdelay $0x3  }
0x126: {  	[tilespmem:$0x18800] =	vst v0  }
0x127: {  	v0 =	vld [tilespmem:s2+$0x16090];
	_ =	sdelay $0x4  }
0x128: {  	[tilespmem:$0x18810] =	vst v0  }
0x129: {  	v0 =	vld [tilespmem:s2+$0x160A0];
	_ =	sdelay $0x4  }
0x12a: {  	[tilespmem:$0x18820] =	vst v0  }
0x12b: {  	v0 =	vld [tilespmem:s2+$0x160B0];
	_ =	sdelay $0x4  }
0x12c: {  	[tilespmem:$0x18830] =	vst v0  }
0x12d: {  	v0 =	vld [tilespmem:s2+$0x160C0];
	_ =	sdelay $0x4  }
0x12e: {  	[tilespmem:$0x18840] =	vst v0  }
0x12f: {  	_ =	swait.ge [sflag:s31], $0x2800  }
0x130: {  	[sflag:s31] =	ssyncset.done $0x0  }
0x131: {  	[sflag:s31] =	ssyncadd.s32 $0xFFFFD800  }
0x132: {  	[spmem:s3] =	stream.indirect.scatter.add.f32 [tilespmem:s23], [sflag:$0x3], $0x80, s0, s28, $0xb8;
	[tilespmem:$0x1D900] =	vst v63  }
0x133: {  	_ =	swait.ge [sflag:s24], $0x2800  }
0x134: {  	[sflag:s24] =	ssyncset.done $0x0  }
0x135: {  	s8 =	sadd.s32 $0x139A0, s2;
	[sflag:s24] =	ssyncadd.s32 $0xFFFFD800  }
0x136: {  	[tilespmem:s23], [sflag:$0x1] =	stream.indirect.gather [hbm4b:s1+s28], $0x80, s8, s28, $0xb8;
	[tilespmem:$0x1D900] =	vst v63  }
0x137: {  	v0 =	vld [tilespmem:s2+$0x160D0];
	_ =	sdelay $0x4  }
0x138: {  	[tilespmem:$0x18880] =	vst v0  }
0x139: {  	v0 =	vld [tilespmem:s2+$0x160E0];
	_ =	sdelay $0x4  }
0x13a: {  	[tilespmem:$0x18890] =	vst v0  }
0x13b: {  	v0 =	vld [tilespmem:s2+$0x160F0];
	_ =	sdelay $0x4  }
0x13c: {  	[tilespmem:$0x188A0] =	vst v0  }
0x13d: {  	v0 =	vld [tilespmem:s2+$0x16100];
	_ =	sdelay $0x4  }
0x13e: {  	[tilespmem:$0x188B0] =	vst v0  }
0x13f: {  	v0 =	vld [tilespmem:s2+$0x16110];
	_ =	sdelay $0x4  }
0x140: {  	[tilespmem:$0x188C0] =	vst v0  }
0x141: {  	_ =	swait.ge [sflag:s10], $0x2800  }
0x142: {  	[sflag:s10] =	ssyncset.done $0x0  }
.Ltmp5:
0x143: {  	[sflag:s10] =	ssyncadd.s32 $0xFFFFD800;
	(pc) =	sbr.rel @p2 .LBB2_3-.Ltmp5, $4  }
0x144: {  	[spmem:s3] =	stream.indirect.scatter.add.f32 [tilespmem:s30], [sflag:$0x3], $0x80, s12, s28, $0xb8;
	[tilespmem:$0x1D900] =	vst v63  }
0x145: {  	_ =	swait.ge [sflag:s24], $0x2800  }
0x146: {  	[sflag:s24] =	ssyncset.done $0x0  }
0x147: {  	s8 =	sadd.s32 $0x139F0, s2;
	s2 =	smov.u32 s7;
	[sflag:s24] =	ssyncadd.s32 $0xFFFFD800  }
0x148: {  	[tilespmem:s30], [sflag:$0x2] =	stream.indirect.gather [hbm4b:s1+s28], $0x80, s8, s28, $0xb8;
	[tilespmem:$0x1D900] =	vst v63  }
0x149: {  	v0 =	vld [tilespmem:s2+$0x16080];
	_ =	sdelay $0x4  }
0x14a: {  	[tilespmem:$0x18800] =	vst v0  }
0x14b: {  	v0 =	vld [tilespmem:s2+$0x16090];
	_ =	sdelay $0x4  }
0x14c: {  	[tilespmem:$0x18810] =	vst v0  }
0x14d: {  	v0 =	vld [tilespmem:s2+$0x160A0];
	_ =	sdelay $0x4  }
0x14e: {  	[tilespmem:$0x18820] =	vst v0  }
0x14f: {  	v0 =	vld [tilespmem:s2+$0x160B0];
	_ =	sdelay $0x4  }
0x150: {  	[tilespmem:$0x18830] =	vst v0  }
0x151: {  	v0 =	vld [tilespmem:s2+$0x160C0];
	_ =	sdelay $0x4  }
0x152: {  	[tilespmem:$0x18840] =	vst v0  }
0x153: {  	_ =	swait.ge [sflag:s31], $0x2800  }
0x154: {  	[sflag:s31] =	ssyncset.done $0x0  }
0x155: {  	[sflag:s31] =	ssyncadd.s32 $0xFFFFD800  }
0x156: {  	[spmem:s3] =	stream.indirect.scatter.add.f32 [tilespmem:s23], [sflag:$0x3], $0x80, s0, s28, $0xb8;
	[tilespmem:$0x1D900] =	vst v63  }
0x157: {  	_ =	swait.ge [sflag:s24], $0x2800  }
0x158: {  	[sflag:s24] =	ssyncset.done $0x0  }
0x159: {  	s6 =	sadd.s32 $0x139A0, s2;
	[sflag:s24] =	ssyncadd.s32 $0xFFFFD800  }
0x15a: {  	[tilespmem:s23], [sflag:$0x1] =	stream.indirect.gather [hbm4b:s1+s28], $0x80, s6, s28, $0xb8;
	[tilespmem:$0x1D900] =	vst v63  }
0x15b: {  	v52 =	vld [tilespmem:s2+$0x160D0];
	_ =	sdelay $0x4  }
0x15c: {  	[tilespmem:$0x18880] =	vst v52  }
0x15d: {  	v0 =	vld [tilespmem:s2+$0x160E0];
	_ =	sdelay $0x4  }
0x15e: {  	[tilespmem:$0x18890] =	vst v0  }
0x15f: {  	v0 =	vld [tilespmem:s2+$0x160F0];
	_ =	sdelay $0x4  }
0x160: {  	[tilespmem:$0x188A0] =	vst v0  }
0x161: {  	v0 =	vld [tilespmem:s2+$0x16100];
	_ =	sdelay $0x4  }
0x162: {  	[tilespmem:$0x188B0] =	vst v0  }
0x163: {  	v0 =	vld [tilespmem:s2+$0x16110];
	_ =	sdelay $0x4  }
0x164: {  	[tilespmem:$0x188C0] =	vst v0  }
0x165: {  	_ =	swait.ge [sflag:s10], $0x2800  }
0x166: {  	[sflag:s10] =	ssyncset.done $0x0  }
0x167: {  	[sflag:s10] =	ssyncadd.s32 $0xFFFFD800  }
0x168: {  	[spmem:s3] =	stream.indirect.scatter.add.f32 [tilespmem:s30], [sflag:$0x3], $0x80, s12, s28, $0xb8;
	[tilespmem:$0x1D900] =	vst v63  }
0x169: {  	_ =	swait.ge [sflag:s24], $0x2800  }
0x16a: {  	[sflag:s24] =	ssyncset.done $0x0  }
0x16b: {  	s7 =	sadd.s32 $0x139F0, s2;
	[sflag:s24] =	ssyncadd.s32 $0xFFFFD800  }
0x16c: {  	[tilespmem:s30], [sflag:$0x2] =	stream.indirect.gather [hbm4b:s1+s28], $0x80, s7, s28, $0xb8;
	[tilespmem:$0x1D900] =	vst v63  }
0x16d: {  	v53 =	vld [tilespmem:$0x186A0]  }
0x16e: {  	v1 =	vld [tilespmem:$0x186B0]  }
0x16f: {  	v2 =	vld [tilespmem:$0x186C0]  }
0x170: {  	v3 =	vld [tilespmem:$0x186D0]  }
0x171: {  	v4 =	vld [tilespmem:$0x186E0]  }
0x172: {  	[tilespmem:$0x18800] =	vst v53  }
0x173: {  	[tilespmem:$0x18810] =	vst v1  }
0x174: {  	[tilespmem:$0x18820] =	vst v2  }
0x175: {  	[tilespmem:$0x18830] =	vst v3  }
0x176: {  	[tilespmem:$0x18840] =	vst v4  }
0x177: {  	_ =	swait.ge [sflag:s31], $0x2800  }
0x178: {  	[sflag:s31] =	ssyncset.done $0x0  }
0x179: {  	[sflag:s31] =	ssyncadd.s32 $0xFFFFD800  }
0x17a: {  	[spmem:s3] =	stream.indirect.scatter.add.f32 [tilespmem:s23], [sflag:$0x3], $0x80, s0, s28, $0xb8;
	[tilespmem:$0x1D900] =	vst v63  }
0x17b: {  	_ =	swait.ge [sflag:s24], $0x2800  }
0x17c: {  	[sflag:s24] =	ssyncset.done $0x0  }
0x17d: {  	s8 =	simm.s32 $0x15FC0;
	[sflag:s24] =	ssyncadd.s32 $0xFFFFD800  }
0x17e: {  	[tilespmem:s23], [sflag:$0x1] =	stream.indirect.gather [hbm4b:s1+s28], $0x80, s8, s28, $0xb8;
	[tilespmem:$0x1D900] =	vst v63  }
0x17f: {  	v54 =	vld [tilespmem:$0x186F0]  }
0x180: {  	v55 =	vld [tilespmem:$0x18700]  }
0x181: {  	v56 =	vld [tilespmem:$0x18710]  }
0x182: {  	v57 =	vld [tilespmem:$0x18720]  }
0x183: {  	v58 =	vld [tilespmem:$0x18730]  }
0x184: {  	[tilespmem:$0x18880] =	vst v54  }
0x185: {  	[tilespmem:$0x18890] =	vst v55  }
0x186: {  	[tilespmem:$0x188A0] =	vst v56  }
0x187: {  	[tilespmem:$0x188B0] =	vst v57  }
0x188: {  	[tilespmem:$0x188C0] =	vst v58  }
0x189: {  	_ =	swait.ge [sflag:s10], $0x2800  }
0x18a: {  	[sflag:s10] =	ssyncset.done $0x0  }
0x18b: {  	[sflag:s10] =	ssyncadd.s32 $0xFFFFD800  }
0x18c: {  	[spmem:s3] =	stream.indirect.scatter.add.f32 [tilespmem:s30], [sflag:$0x3], $0x80, s12, s28, $0xb8;
	[tilespmem:$0x1D900] =	vst v63  }
0x18d: {  	_ =	swait.ge [sflag:s24], $0x2800  }
0x18e: {  	[sflag:s24] =	ssyncset.done $0x0  }
0x18f: {  	[sflag:s24] =	ssyncadd.s32 $0xFFFFD800  }
0x190: {  	v59 =	vld [tilespmem:$0x18740]  }
0x191: {  	v60 =	vld [tilespmem:$0x18750]  }
0x192: {  	v61 =	vld [tilespmem:$0x18760]  }
0x193: {  	v62 =	vld [tilespmem:$0x18770]  }
0x194: {  	v63 =	vld [tilespmem:$0x18780]  }
0x195: {  	[tilespmem:$0x18800] =	vst v59  }
0x196: {  	[tilespmem:$0x18810] =	vst v60  }
0x197: {  	[tilespmem:$0x18820] =	vst v61  }
0x198: {  	[tilespmem:$0x18830] =	vst v62  }
0x199: {  	[tilespmem:$0x18840] =	vst v63  }
0x19a: {  	_ =	swait.ge [sflag:s31], $0x2800  }
0x19b: {  	[sflag:s31] =	ssyncset.done $0x0  }
0x19c: {  	[sflag:s31] =	ssyncadd.s32 $0xFFFFD800  }
0x19d: {  	[spmem:s3] =	stream.indirect.scatter.add.f32 [tilespmem:s23], [sflag:$0x3], $0x80, s0, s28, $0xb8;
	[tilespmem:$0x1D900] =	vst v63  }
0x19e: {  	_ =	swait.ge [sflag:s24], $0x2800  }
0x19f: {  	[sflag:s24] =	ssyncset.done $0x0  }
0x1a0: {  	[sflag:s24] =	ssyncadd.s32 $0xFFFFD800  }
0x1a1: {  	[bflag:$0x0] =	sbarrier.arrive $0xFFFF  }
0x1a2: {  	s2 =	simm.s32 @p1 $0x1FC3;
	s6 =	rddreg [dreg:$0x8]  }
0x1a3: {  	[hbm:s6], [sflag:s2] =	dma.local @p1 [spmem:s13], $0x1900  }
0x1a4: {  	s2 =	simm.s32 @p1 $0x3  }
0x1a5: {  	_ =	swait.ge @p1 [sflag:s2], $0x1900  }
0x1a6: {  	[sflag:s2] =	ssyncset.done @p1 $0x0  }
0x1a7: {  	[sflag:s2] =	ssyncadd.s32 @p1 $0xFFFFE700;
	s2 =	rddreg [dreg:$0x7]  }
0x1a8: {  	[hbm:s2], [sflag:s29] =	dma.local @!p1 [spmem:s26], $0x2800  }
.Ltmp6:
0x1a9: {  	_ = 	snop;
	(pc) =	sbr.rel .LBB2_8-.Ltmp6, $4  }
0x1aa: {  	s2 =	simm.s32 @!p1 $0x3  }
0x1ab: {  	_ =	swait.ge @!p1 [sflag:s2], $0x2800  }
0x1ac: {  	[sflag:s2] =	ssyncset.done @!p1 $0x0  }
0x1ad: {  	[sflag:s2] =	ssyncadd.s32 @!p1 $0xFFFFD800  }
.LBB2_9:
0x1ae: {  	_ =	sfence.sel $0x180000  }
0x1af: {  	[bflag:$0x0] =	sbarrier.arrive $0xFFFF  }
0x1b0: {  	_ =	strace $0x9000004D  }
0x1b1: {  	s0 =	stileid.u32;
	[bflag:$0x2] =	sbarrier.arrive $0xFFFF  }
0x1b2: {  	p0 =	sne.s32 s0, $0x0;
	s0 =	rddreg [dreg:$0x3]  }
0x1b3: {  	s0 =	sadd.s32 @!p0 $0x100000, s0  }
0x1b4: {  	[sflag:s0] =	ssyncadd.tile.s32 @!p0 $0x1;
	_ =	shalt  }
.Lfunc_end2:
_tile_overlayer_lowered:
.L_overlay_start_2:
0x1b5: {  	(tag) =	ssettag $0x2  }
0x1b6: {  	s0 =	rddreg [dreg:$0x0];
	s2 =	stileid.u32  }
0x1b7: {  	s1 =	rddreg [dreg:$0x1];
	p0 =	sne.s32 s2, $0x0  }
0x1b8: {  	s3 =	rddreg [dreg:$0x2];
	[bflag:$0x3] =	sbarrier.arrive $0xFFFF;
	s2 =	simm.s32 @!p0 $0x1C03  }
0x1b9: {  	[timem:s3], [sflag:s2] =	dma.local @!p0 [hbm:s0], s1  }
0x1ba: {  	s0 =	simm.s32 @!p0 $0x3  }
0x1bb: {  	_ =	swait.ge @!p0 [sflag:s0], s1  }
0x1bc: {  	s1 =	ssub.s32 @!p0 $0x0, s1;
	[sflag:s0] =	ssyncset.done @!p0 $0x0  }
0x1bd: {  	[sflag:s0] =	ssyncadd.s32 @!p0 s1  }
0x1be: {  	[bflag:$0x3] =	sbarrier.arrive $0xFFFF  }
0x1bf: {  	_ =	shalt  }

// kernel: kernel.8.cloned.1.call-start
scs
__scs_entry_jumppad:
0x0: {  	(pc) =	sbr.rel $0x88, $3  }
0x1: {  	(tag) =	ssettag $0x0;
	lr =	simm.s32 $0x1  }
0x2: {  	[smem:$0x3F9B] =	sst lr;
	_ =	strace $0xD0000000  }
0x3: {  	_ = 	snop  }
0x4: {  	_ = 	snop  }
0x5: {  	_ = 	snop  }
0x6: {  	_ = 	snop  }
0x7: {  	_ = 	snop  }
__scs_overlays_trampoline_lowered:
0x8: {  	[smem:$0x3FAA] =	sst s0  }
0x9: {  	[smem:$0x3FAB] =	sst s1  }
0xa: {  	[smem:$0x3FAC] =	sst s2  }
0xb: {  	[smem:$0x3FAD] =	sst s3  }
0xc: {  	[smem:$0x3FAE] =	sst s4  }
0xd: {  	[smem:$0x3FAF] =	sst s5  }
0xe: {  	[smem:$0x3FB0] =	sst s6  }
0xf: {  	[smem:$0x3FB1] =	sst s7  }
0x10: {  	[smem:$0x3FB2] =	sst s8  }
0x11: {  	[smem:$0x3FB3] =	sst s9;
	s0 =	simm.s32 @!p0 $0x0  }
0x12: {  	s1 =	sld [smem:$0x3F99];
	s0 =	simm.s32 @p0 $0x1  }
0x13: {  	[smem:$0x3FB4] =	sst s0;
	s0 =	simm.s32 @!p1 $0x0  }
0x14: {  	s2 =	sld [smem:$0x3F98];
	s0 =	simm.s32 @p1 $0x1  }
0x15: {  	[smem:$0x3FB5] =	sst s0;
	s0 =	simm.s32 @!p2 $0x0  }
0x16: {  	s3 =	sld [smem:$0x3FDB];
	s0 =	simm.s32 @p2 $0x1  }
0x17: {  	s4 =	simm.s32 $0x1BF5;
	[smem:$0x3FB7] =	sst s0  }
0x18: {  	s0 =	sld [smem:$0x3F9A];
	_ =	swait.ge [sflag:s4], $0x0  }
0x19: {  	s7 =	sld [smem:$0x3F9B]  }
0x1a: {  	s8 =	sadd.s32 $0xFFFFE003, lr  }
0x1b: {  	s9 =	sadd.s32 $0xFFFFFEF7, lr;
	s5 =	simm.s32 $0xFFFFFFFF;
	p2 =	slt.u32 s8, $0xFFFFF086  }
0x1c: {  	p1 =	slt.u32 s9, $0xF7A;
	s5 =	simm.s32 @!p2 $0x0  }
0x1d: {  	s5 =	simm.s32 @p1 $0x1;
	p0 =	seq.s32 s7, s2  }
0x1e: {  	s7 =	smul.u32 @!p0 $0xF7A, s2;
	p2 =	seq.s32 @!p0 s5, $0x0  }
0x1f: {  	s9 =	smul.u32 $0xF7A, s1;
	s8 =	simm.s32 @!p0 $0x1BF5;
	p2 =	por !p2, p0  }
0x20: {  	[sflag:s8] =	ssyncset.s32 @!p0 $0xFFFFF086;
	s6 =	sadd.s32 @!p0 s3, s7;
	s7 =	simm.s32 @!p0 $0x108  }
0x21: {  	s3 =	sadd.s32 s3, s9;
	s6 =	sadd.s32 @!p0 $0x88, s6;
	s7 =	simm.s32 @p2 $0x1082  }
0x22: {  	[simem:s7], [sflag:s8] =	dma.local @!p0 [hbm:s6], $0xF7A  }
0x23: {  	s9 =	sor.u32 $0xD0000000, s2;
	s6 =	simm.s32 $0x108;
	_ =	swait.ge @!p0 [sflag:s8], $0x0  }
0x24: {  	s3 =	sadd.s32 $0x88, s3;
	s6 =	simm.s32 @!p1 $0x1082;
	[sflag:s4] =	ssyncset.s32 $0xFFFFF086  }
0x25: {  	[simem:s6], [sflag:s4] =	dma.local [hbm:s3], $0xF7A  }
0x26: {  	[smem:$0x3F9B] =	sst s1;
	(tag) =	ssettag s2;
	_ =	strace s9  }
0x27: {  	s1 =	sld [smem:$0x3FAB]  }
0x28: {  	s2 =	sld [smem:$0x3FAC]  }
0x29: {  	s4 =	sld [smem:$0x3FAE]  }
0x2a: {  	p0 =	seq.s32 s5, $0x0;
	s5 =	sld [smem:$0x3FAF]  }
0x2b: {  	s6 =	sld [smem:$0x3FB0]  }
0x2c: {  	s7 =	sld [smem:$0x3FB1]  }
0x2d: {  	s3 =	simm.s32 $0x108;
	s8 =	sld [smem:$0x3FB2]  }
0x2e: {  	s3 =	simm.s32 @!p0 $0x1082;
	s9 =	sld [smem:$0x3FB3]  }
0x2f: {  	lr =	sadd.s32 s0, s3;
	s0 =	sld [smem:$0x3FAA]  }
0x30: {  	s3 =	sld [smem:$0x3FAD]  }
0x31: {  	[smem:$0x3FB6] =	sst s10  }
0x32: {  	s10 =	sld [smem:$0x3FB4];
	_ =	sdelay $0x3  }
0x33: {  	p0 =	seq.s32 s10, $0x1;
	s10 =	sld [smem:$0x3FB6];
	_ =	sdelay $0x3  }
0x34: {  	[smem:$0x3FB6] =	sst s10  }
0x35: {  	s10 =	sld [smem:$0x3FB5];
	_ =	sdelay $0x3  }
0x36: {  	p1 =	seq.s32 s10, $0x1;
	s10 =	sld [smem:$0x3FB6];
	_ =	sdelay $0x3  }
0x37: {  	[smem:$0x3FB6] =	sst s10  }
0x38: {  	s10 =	sld [smem:$0x3FB7]  }
0x39: {  	_ = 	snop;
	(pc) =	sbr.ind lr, $3  }
0x3a: {  	_ = 	snop  }
0x3b: {  	_ = 	snop  }
0x3c: {  	p2 =	seq.s32 s10, $0x1;
	s10 =	sld [smem:$0x3FB6]  }
0x3d: {  	_ =	shalt  }
0x3e: {  	_ =	shalt  }
0x3f: {  	_ =	shalt  }
0x40: {  	_ =	shalt  }
0x41: {  	_ =	shalt  }
0x42: {  	_ =	shalt  }
0x43: {  	_ =	shalt  }
0x44: {  	_ =	shalt  }
0x45: {  	_ =	shalt  }
0x46: {  	_ =	shalt  }
0x47: {  	_ =	shalt  }
0x48: {  	_ =	shalt  }
0x49: {  	_ =	shalt  }
0x4a: {  	_ =	shalt  }
0x4b: {  	_ =	shalt  }
0x4c: {  	_ =	shalt  }
0x4d: {  	_ =	shalt  }
0x4e: {  	_ =	shalt  }
0x4f: {  	_ =	shalt  }
0x50: {  	_ =	shalt  }
0x51: {  	_ =	shalt  }
0x52: {  	_ =	shalt  }
0x53: {  	_ =	shalt  }
0x54: {  	_ =	shalt  }
0x55: {  	_ =	shalt  }
0x56: {  	_ =	shalt  }
0x57: {  	_ =	shalt  }
0x58: {  	_ =	shalt  }
0x59: {  	_ =	shalt  }
0x5a: {  	_ =	shalt  }
0x5b: {  	_ =	shalt  }
0x5c: {  	_ =	shalt  }
0x5d: {  	_ =	shalt  }
0x5e: {  	_ =	shalt  }
0x5f: {  	_ =	shalt  }
0x60: {  	_ =	shalt  }
0x61: {  	_ =	shalt  }
0x62: {  	_ =	shalt  }
0x63: {  	_ =	shalt  }
0x64: {  	_ =	shalt  }
0x65: {  	_ =	shalt  }
0x66: {  	_ =	shalt  }
0x67: {  	_ =	shalt  }
0x68: {  	_ =	shalt  }
0x69: {  	_ =	shalt  }
0x6a: {  	_ =	shalt  }
0x6b: {  	_ =	shalt  }
0x6c: {  	_ =	shalt  }
0x6d: {  	_ =	shalt  }
0x6e: {  	_ =	shalt  }
0x6f: {  	_ =	shalt  }
0x70: {  	_ =	shalt  }
0x71: {  	_ =	shalt  }
0x72: {  	_ =	shalt  }
0x73: {  	_ =	shalt  }
0x74: {  	_ =	shalt  }
0x75: {  	_ =	shalt  }
0x76: {  	_ =	shalt  }
0x77: {  	_ =	shalt  }
0x78: {  	_ =	shalt  }
0x79: {  	_ =	shalt  }
0x7a: {  	_ =	shalt  }
0x7b: {  	_ =	shalt  }
0x7c: {  	_ =	shalt  }
0x7d: {  	_ =	shalt  }
0x7e: {  	_ =	shalt  }
0x7f: {  	_ =	shalt  }
0x80: {  	_ =	shalt  }
0x81: {  	_ =	shalt  }
0x82: {  	_ =	shalt  }
0x83: {  	_ =	shalt  }
0x84: {  	_ =	shalt  }
0x85: {  	_ =	shalt  }
0x86: {  	_ =	shalt  }
0x87: {  	_ =	shalt  }
.Lfunc_end0:
.L_simem_size_0:
called_computation_lowered:
.L_overlay_start_0:
0x88: {  	s2 =	sld [smem:$0x3FD9]  }
0x89: {  	s3 =	sld [smem:$0x3FFE];
	_ =	sdelay $0x1  }
0x8a: {  	s1 =	srdreg.scid  }
0x8b: {  	s0 =	sand.u32 $0x1, s1  }
0x8c: {  	s17 =	sshll.u32 s0, $0xA;
	s2 =	sadd.s32 s3, s2  }
0x8d: {  	s2 =	sadd.s32 s2, s17  }
0x8e: {  	[smem:$0x3FC2] =	sst s2  }
0x8f: {  	_ = 	snop  }
0x90: {  	s2 =	sld [smem:$0x3FD0];
	(tm) =	ssettm $0x1  }
0x91: {  	s18 =	sld [smem:$0x3FFB];
	_ =	sdelay $0x3  }
0x92: {  	_ =	strace s18  }
0x93: {  	s3 =	sld [smem:$0x3FFC];
	_ =	sdelay $0x3  }
0x94: {  	_ =	strace s3  }
0x95: {  	s3 =	sld [smem:$0x3FFD];
	_ =	sdelay $0x3  }
0x96: {  	_ =	strace s3  }
0x97: {  	_ =	strace $0x8FFFFFFF  }
0x98: {  	s19 =	sld [smem:$0x3FDB];
	_ =	sdelay $0x1  }
0x99: {  	s4 =	simm.s32 $_scs_section_size  }
0x9a: {  	s5 =	simm.s32 $_size__tile_overlayer_lowered;
	s6 =	simm.s32 $_tile_overlayer_lowered  }
0x9b: {  	s22 =	simm.s32 $0x1BFF;
	s21 =	sshll.u32 s6, $0x1;
	s3 =	sadd.s32 s4, s19  }
0x9c: {  	s7 =	simm.s32 $0x0;
	s20 =	sshll.u32 s5, $0x1;
	s5 =	sadd.s32 s21, s3  }
0x9d: {  	[timem:s7], [sflag:s22] =	dma.local [hbm:s5], s20  }
0x9e: {  	_ =	swait.ge [sflag:s22], s20  }
0x9f: {  	s4 =	ssub.s32 $0x0, s20;
	[sflag:s22] =	ssyncset.done $0x0  }
0xa0: {  	[sflag:s22] =	ssyncadd.s32 s4;
	_ =	sdelay $0x1  }
0xa1: {  	s23 =	simm.s32 $0x1B8B  }
0xa2: {  	_ =	swait.ge [sflag:s23], $0x1  }
0xa3: {  	[sflag:s23] =	ssyncset.done $0x0  }
0xa4: {  	s25 =	simm.s32 $0x1B8E;
	s24 =	sld [smem:$0x3FFE];
	[sflag:s23] =	ssyncadd.s32 $0xFFFFFFFF  }
0xa5: {  	s26 =	simm.s32 $execute0_lowered;
	[smem:$0x3FD2] =	sst s25  }
0xa6: {  	s5 =	sshll.u32 s26, $0x1;
	_ =	strace $0x80000046;
	[dreg:$0x1] =	wrdreg $0xFFFFFFFF  }
0xa7: {  	s28 =	simm.s32 $_size_execute0_lowered;
	s3 =	sadd.s32 s3, s5;
	[dreg:$0x0] =	wrdreg $0x0  }
0xa8: {  	s5 =	sshll.u32 s28, $0x1;
	[dreg:$0x2] =	wrdreg s3  }
0xa9: {  	[dreg:$0x3] =	wrdreg s5  }
0xaa: {  	[dreg:$0x4] =	wrdreg $0xC0  }
0xab: {  	_ =	task [dreg:s7], $0x5FFFF  }
0xac: {  	[dreg:$0x1] =	wrdreg $0xFFFFFFFF  }
0xad: {  	[dreg:$0x0] =	wrdreg $0x60  }
0xae: {  	[dreg:$0x2] =	wrdreg s24  }
0xaf: {  	[dreg:$0x3] =	wrdreg s2  }
0xb0: {  	[dreg:$0x4] =	wrdreg $0x0  }
0xb1: {  	[dreg:$0x5] =	wrdreg $0x9  }
0xb2: {  	_ =	task.clear_ibuf [dreg:s7], $0x6FFFF;
	_ =	strace $0x90000046  }
0xb3: {  	s29 =	simm.s32 $0x9;
	_ =	strace $0x80000048  }
0xb4: {  	_ =	swait.ge [sflag:s29], $0x1  }
0xb5: {  	[sflag:s29] =	ssyncadd.s32 $0xFFFFFFFF  }
0xb6: {  	_ =	strace $0x90000048  }
0xb7: {  	_ =	sfence  }
0xb8: {  	s30 =	sld [smem:$0x0];
	_ =	sdelay $0x2  }
0xb9: {  	s31 =	sshll.u32 s1, $0xD;
	s1 =	sshrl.u32 s1, $0x2  }
0xba: {  	s3 =	sand.u32 $0x4000, s31;
	s1 =	sadd.s32 s1, s30  }
0xbb: {  	s0 =	sor.u32 s3, s0;
	s1 =	sshll.u32 s1, $0x11  }
0xbc: {  	s0 =	sor.u32 s1, s0  }
0xbd: {  	s0 =	sadd.s32 $0x8F2B, s0  }
0xbe: {  	[sflag:s0] =	ssyncadd.remote.s32 $0x1  }
0xbf: {  	_ =	sfence.sel $0xFFFF  }
0xc0: {  	[dreg:$0x0] =	wrdreg $0xFFFFFFFF;
	(pc) =	sbr.abs _section_cstart, $3  }
0xc1: {  	[dreg:$0x1] =	wrdreg $0xFFFFFFFF  }
0xc2: {  	_ =	task.clear_ibuf [dreg:s7], $0x2FFFF;
	_ =	strace $0x9FFFFFFF  }
0xc3: {  	(tm) =	ssettm $0x7FFFFFFF  }
tec
execute0_lowered:
.L_overlay_start_1:
0x0: {  	(tag) =	ssettag $0x1  }
0x1: {  	s0 =	rddreg [dreg:$0x0]  }
0x2: {  	s11 =	rddreg [dreg:$0x1];
	s1 =	srdreg.scid  }
0x3: {  	s2 =	rddreg [dreg:$0x2];
	s3 =	simm.s32 $0x0;
	s22 =	simm.s32 $0x2  }
0x4: {  	s23 =	simm.s32 $0x14D00;
	s24 =	simm.s32 $0x13900;
	s25 =	simm.s32 $0x80  }
0x5: {  	s28 =	simm.s32 $0x13A00;
	s29 =	simm.s32 $0x13A80;
	s9 =	sand.u32 $0x1, s1  }
0x6: {  	s30 =	simm.s32 $0x1;
	s1 =	stileid.u32;
	s4 =	smul.u32 $0x2800, s9  }
0x7: {  	s31 =	simm.s32 $0x0;
	[smem:$0x7FF] =	sst s3;
	s5 =	smul.u32 $0x280, s1  }
0x8: {  	s19 =	sadd.s32 $0x130000, s2;
	s20 =	sadd.s32 $0x134000, s2;
	s10 =	smul.u32 $0x2800, s1  }
0x9: {  	_ =	strace $0x80000047;
	s6 =	ssub.s32 $0x2, s9;
	s7 =	smul.u32 $0x50000, s1  }
0xa: {  	p4 =	seq.s32 s9, $0x1;
	p0 =	seq.s32 s1, $0xF;
	s12 =	sshrl.u32 s6, $0x1  }
0xb: {  	p2 =	seq.s32 @p4 s1, $0xF;
	p5 =	seq.s32 @!p4 s1, $0xF;
	s4 =	sadd.s32 s5, s4  }
0xc: {  	s5 =	sadd.s32 $0x12600, s0;
	s13 =	sadd.s32 s10, s0;
	s14 =	ssub.s32 s6, s12  }
0xd: {  	s26 =	sshrl.u32 s7, $0x2;
	s7 =	sadd.s32 $0x138000, s2;
	s9 =	sadd.s32 s11, s10  }
0xe: {  	s10 =	sadd.s32 $0x12C000, s2;
	s11 =	sadd.s32 $0x25800, s11;
	p1 =	por !p2, !p4  }
0xf: {  	p2 =	por p2, !p4;
	p3 =	por !p5, p4;
	p4 =	por p5, p4  }
0x10: {  	s8 =	sadd.s32 s4, s0;
	s4 =	sadd.s32 $0x12E00, s0;
	s6 =	sadd.s32 s26, s2  }
0x11: {  	s12 =	sadd.s32 $0x13600, s13;
	s13 =	sadd.s32 $0x38E00, s0;
	s14 =	smax.u32 s14, $0x1  }
0x12: {  	s26 =	simm.s32 $0x13980;
	s8 =	sadd.s32 $0xD600, s8;
	s15 =	sadd.s32 $0x4000, s6  }
0x13: {  	s16 =	sadd.s32 $0x8000, s6;
	s17 =	sadd.s32 $0xC000, s6;
	s18 =	sadd.s32 $0x10000, s6  }
.LBB2_1:
0x14: {  	s0 =	simm.s32 $0x18D00  }
0x15: {  	[tilespmem:s0], [sflag:$0x2] =	stream.linear.gather [hbm4b:s5+s3], $0x4000, $0x38;
	[tilespmem:$0x1CD00] =	vst v63  }
0x16: {  	_ =	swait.ge [sflag:s22], $0x4000  }
0x17: {  	[sflag:s22] =	ssyncset.done $0x0  }
0x18: {  	s21 =	simm.s32 @p0 $0x2;
	s0 =	simm.s32 @p0 $0x18D00;
	[sflag:s22] =	ssyncadd.s32 $0xFFFFC000  }
0x19: {  	[spmem:s10] =	stream.linear.scatter @p0 [tilespmem:s0], [sflag:$0x2], $0x4000, $0x38;
	[tilespmem:$0x1CD00] =	vst v63  }
0x1a: {  	_ =	swait.ge @p0 [sflag:s21], $0x4000  }
0x1b: {  	[sflag:s21] =	ssyncset.done @p0 $0x0  }
0x1c: {  	[sflag:s21] =	ssyncadd.s32 @p0 $0xFFFFC000  }
0x1d: {  	[spmem:s19] =	stream.linear.scatter @p0 [tilespmem:s0], [sflag:$0x2], $0x4000, $0x38;
	[tilespmem:$0x1CD00] =	vst v63  }
0x1e: {  	_ =	swait.ge @p0 [sflag:s21], $0x4000  }
0x1f: {  	[sflag:s21] =	ssyncset.done @p0 $0x0  }
0x20: {  	[sflag:s21] =	ssyncadd.s32 @p0 $0xFFFFC000  }
0x21: {  	[spmem:s20] =	stream.linear.scatter @p0 [tilespmem:s0], [sflag:$0x2], $0x4000, $0x38;
	[tilespmem:$0x1CD00] =	vst v63  }
0x22: {  	_ =	swait.ge @p0 [sflag:s21], $0x4000  }
0x23: {  	[sflag:s21] =	ssyncset.done @p0 $0x0  }
0x24: {  	[sflag:s21] =	ssyncadd.s32 @p0 $0xFFFFC000  }
0x25: {  	[spmem:s7] =	stream.linear.scatter @p0 [tilespmem:s0], [sflag:$0x2], $0x800, $0x38;
	[tilespmem:$0x1CD00] =	vst v63  }
0x26: {  	_ =	swait.ge @p0 [sflag:s21], $0x800  }
0x27: {  	[sflag:s21] =	ssyncset.done @p0 $0x0  }
0x28: {  	s0 =	simm.s32 @!p0 $0x18D00;
	[sflag:s21] =	ssyncadd.s32 @p0 $0xFFFFF800;
	s21 =	simm.s32 @!p0 $0x2  }
0x29: {  	[spmem:s6] =	stream.linear.scatter @!p0 [tilespmem:s0], [sflag:$0x2], $0x4000, $0x38;
	[tilespmem:$0x1CD00] =	vst v63  }
0x2a: {  	_ =	swait.ge @!p0 [sflag:s21], $0x4000  }
0x2b: {  	[sflag:s21] =	ssyncset.done @!p0 $0x0  }
0x2c: {  	[sflag:s21] =	ssyncadd.s32 @!p0 $0xFFFFC000  }
0x2d: {  	[spmem:s15] =	stream.linear.scatter @!p0 [tilespmem:s0], [sflag:$0x2], $0x4000, $0x38;
	[tilespmem:$0x1CD00] =	vst v63  }
0x2e: {  	_ =	swait.ge @!p0 [sflag:s21], $0x4000  }
0x2f: {  	[sflag:s21] =	ssyncset.done @!p0 $0x0  }
0x30: {  	[sflag:s21] =	ssyncadd.s32 @!p0 $0xFFFFC000  }
0x31: {  	[spmem:s16] =	stream.linear.scatter @!p0 [tilespmem:s0], [sflag:$0x2], $0x4000, $0x38;
	[tilespmem:$0x1CD00] =	vst v63  }
0x32: {  	_ =	swait.ge @!p0 [sflag:s21], $0x4000  }
0x33: {  	[sflag:s21] =	ssyncset.done @!p0 $0x0  }
0x34: {  	[sflag:s21] =	ssyncadd.s32 @!p0 $0xFFFFC000  }
0x35: {  	[spmem:s17] =	stream.linear.scatter @!p0 [tilespmem:s0], [sflag:$0x2], $0x4000, $0x38;
	[tilespmem:$0x1CD00] =	vst v63  }
0x36: {  	_ =	swait.ge @!p0 [sflag:s21], $0x4000  }
0x37: {  	[sflag:s21] =	ssyncset.done @!p0 $0x0  }
0x38: {  	[sflag:s21] =	ssyncadd.s32 @!p0 $0xFFFFC000  }
0x39: {  	[spmem:s18] =	stream.linear.scatter @!p0 [tilespmem:s0], [sflag:$0x2], $0x4000, $0x38;
	[tilespmem:$0x1CD00] =	vst v63  }
0x3a: {  	_ =	swait.ge @!p0 [sflag:s21], $0x4000  }
0x3b: {  	[sflag:s21] =	ssyncset.done @!p0 $0x0  }
0x3c: {  	[sflag:s21] =	ssyncadd.s32 @!p0 $0xFFFFC000  }
0x3d: {  	[tilespmem:s23], [sflag:$0x2] =	stream.linear.gather [hbm4b:s4+s3], $0x4000, $0x38;
	[tilespmem:$0x1CD00] =	vst v63  }
0x3e: {  	_ =	swait.ge [sflag:s22], $0x4000  }
0x3f: {  	[sflag:s22] =	ssyncset.done $0x0  }
0x40: {  	[sflag:s22] =	ssyncadd.s32 $0xFFFFC000  }
0x41: {  	[tilespmem:s24], [sflag:$0x2] =	stream.linear.gather [hbm4b:s8+s3], $0x1400, $0x38;
	[tilespmem:$0x1CD00] =	vst v63  }
0x42: {  	_ =	swait.ge [sflag:s22], $0x1400  }
0x43: {  	[sflag:s22] =	ssyncset.done $0x0  }
0x44: {  	[sflag:s22] =	ssyncadd.s32 $0xFFFFEC00  }
0x45: {  	[bflag:$0x0] =	sbarrier.arrive $0xFFFF  }
0x46: {  	[spmem:s2] =	stream.indirect.scatter.add.f32 [tilespmem:s23], [sflag:$0x1], $0x80, s24, s25, $0xb8;
	[tilespmem:$0x1CD00] =	vst v63  }
0x47: {  	_ = 	snop  }
0x48: {  	[spmem:s2] =	stream.indirect.scatter.add.f32 [tilespmem:s23], [sflag:$0x1], $0x80, s26, s25, $0xb8;
	[tilespmem:$0x1CD00] =	vst v63  }
0x49: {  	_ = 	snop  }
0x4a: {  	[spmem:s2] =	stream.indirect.scatter.add.f32 [tilespmem:s23], [sflag:$0x1], $0x80, s28, s25, $0xb8;
	[tilespmem:$0x1CD00] =	vst v63  }
0x4b: {  	_ = 	snop  }
0x4c: {  	[spmem:s2] =	stream.indirect.scatter.add.f32 [tilespmem:s23], [sflag:$0x1], $0x80, s29, s25, $0xb8;
	[tilespmem:$0x1CD00] =	vst v63  }
0x4d: {  	s21 =	simm.s32 $0x13B00  }
0x4e: {  	[spmem:s2] =	stream.indirect.scatter.add.f32 [tilespmem:s23], [sflag:$0x1], $0x80, s21, s25, $0xb8;
	[tilespmem:$0x1CD00] =	vst v63  }
0x4f: {  	s0 =	simm.s32 $0xA00;
	_ =	swait.ge [sflag:s30], $0x4000  }
.LBB2_2:
0x50: {  	s21 =	sshra.s32 s0, $0x2;
	[sflag:s30] =	ssyncset.done $0x0;
	p5 =	sne.s32 s0, $0x4E00  }
.Ltmp0:
0x51: {  	s21 =	sadd.s32 $0x13900, s21;
	[sflag:s30] =	ssyncadd.s32 $0xFFFFC000;
	(pc) =	sbr.rel @p5 .LBB2_2-.Ltmp0, $3  }
0x52: {  	[spmem:s2] =	stream.indirect.scatter.add.f32 [tilespmem:s23], [sflag:$0x1], $0x80, s21, s25, $0xb8;
	[tilespmem:$0x1CD00] =	vst v63  }
0x53: {  	s0 =	sadd.s32 $0x200, s0;
	_ =	sdelay $0x1  }
0x54: {  	_ =	swait.ge [sflag:s30], $0x4000  }
0x55: {  	[sflag:s30] =	ssyncset.done $0x0  }
0x56: {  	[sflag:s30] =	ssyncadd.s32 $0xFFFFC000  }
0x57: {  	_ =	swait.ge [sflag:s30], $0x4000  }
0x58: {  	[sflag:s30] =	ssyncset.done $0x0  }
0x59: {  	[sflag:s30] =	ssyncadd.s32 $0xFFFFC000  }
0x5a: {  	_ =	swait.ge [sflag:s30], $0x4000  }
0x5b: {  	[sflag:s30] =	ssyncset.done $0x0  }
0x5c: {  	[sflag:s30] =	ssyncadd.s32 $0xFFFFC000  }
0x5d: {  	_ =	swait.ge [sflag:s30], $0x4000  }
0x5e: {  	[sflag:s30] =	ssyncset.done $0x0  }
0x5f: {  	[sflag:s30] =	ssyncadd.s32 $0xFFFFC000  }
0x60: {  	_ =	swait.ge [sflag:s30], $0x4000  }
0x61: {  	[sflag:s30] =	ssyncset.done $0x0  }
0x62: {  	[sflag:s30] =	ssyncadd.s32 $0xFFFFC000  }
0x63: {  	s0 =	sshrl.u32 @!p1 s10, $0x3;
	s21 =	simm.s32 @!p1 $0x1FC2;
	[bflag:$0x0] =	sbarrier.arrive $0xFFFF  }
0x64: {  	[hbm:s13], [sflag:s21] =	dma.local @!p1 [spmem:s0], $0x1900  }
0x65: {  	s0 =	simm.s32 @!p1 $0x2  }
0x66: {  	_ =	swait.ge @!p1 [sflag:s0], $0x1900  }
0x67: {  	s21 =	sshll.u32 @!p2 s1, $0x6;
	[sflag:s0] =	ssyncset.done @!p1 $0x0  }
0x68: {  	[sflag:s0] =	ssyncadd.s32 @!p1 $0xFFFFE700;
	s0 =	sor.u32 @!p2 $0x1C02, s21;
	s21 =	sshrl.u32 @!p2 s6, $0x3  }
0x69: {  	[hbm:s12], [sflag:s0] =	dma.local @!p2 [spmem:s21], $0x2800  }
0x6a: {  	s0 =	simm.s32 @!p2 $0x2  }
0x6b: {  	_ =	swait.ge @!p2 [sflag:s0], $0x2800  }
0x6c: {  	[sflag:s0] =	ssyncset.done @!p2 $0x0  }
0x6d: {  	s21 =	simm.s32 @!p3 $0x1FC2;
	[sflag:s0] =	ssyncadd.s32 @!p2 $0xFFFFD800;
	s0 =	sshrl.u32 @!p3 s10, $0x3  }
0x6e: {  	[hbm:s11], [sflag:s21] =	dma.local @!p3 [spmem:s0], $0x1900  }
0x6f: {  	s0 =	simm.s32 @!p3 $0x2  }
0x70: {  	s31 =	sadd.s32 $0x1, s31;
	_ =	swait.ge @!p3 [sflag:s0], $0x1900  }
0x71: {  	p5 =	sne.s32 s31, s14;
	s21 =	sshll.u32 @!p4 s1, $0x6;
	[sflag:s0] =	ssyncset.done @!p3 $0x0  }
0x72: {  	[sflag:s0] =	ssyncadd.s32 @!p3 $0xFFFFE700;
	s0 =	sor.u32 @!p4 $0x1C02, s21;
	s21 =	sshrl.u32 @!p4 s6, $0x3  }
0x73: {  	[hbm:s9], [sflag:s0] =	dma.local @!p4 [spmem:s21], $0x2800  }
.Ltmp1:
0x74: {  	_ = 	snop;
	(pc) =	sbr.rel @p5 .LBB2_1-.Ltmp1, $4  }
0x75: {  	s0 =	simm.s32 @!p4 $0x2  }
0x76: {  	_ =	swait.ge @!p4 [sflag:s0], $0x2800  }
0x77: {  	[sflag:s0] =	ssyncset.done @!p4 $0x0  }
0x78: {  	[sflag:s0] =	ssyncadd.s32 @!p4 $0xFFFFD800  }
0x79: {  	_ =	sfence.sel $0x180000  }
0x7a: {  	[bflag:$0x0] =	sbarrier.arrive $0xFFFF  }
0x7b: {  	_ =	strace $0x90000047  }
0x7c: {  	[bflag:$0x2] =	sbarrier.arrive $0xFFFF  }
0x7d: {  	p0 =	sne.s32 s1, $0x0;
	s0 =	rddreg [dreg:$0x3]  }
0x7e: {  	s0 =	sadd.s32 @!p0 $0x100000, s0  }
0x7f: {  	[sflag:s0] =	ssyncadd.tile.s32 @!p0 $0x1;
	_ =	shalt  }
.Lfunc_end2:
_tile_overlayer_lowered:
.L_overlay_start_2:
0x80: {  	(tag) =	ssettag $0x2  }
0x81: {  	s0 =	rddreg [dreg:$0x0];
	s2 =	stileid.u32  }
0x82: {  	s1 =	rddreg [dreg:$0x1];
	p0 =	sne.s32 s2, $0x0  }
0x83: {  	s3 =	rddreg [dreg:$0x2];
	[bflag:$0x3] =	sbarrier.arrive $0xFFFF;
	s2 =	simm.s32 @!p0 $0x1C02  }
0x84: {  	[timem:s3], [sflag:s2] =	dma.local @!p0 [hbm:s0], s1  }
0x85: {  	s0 =	simm.s32 @!p0 $0x2  }
0x86: {  	_ =	swait.ge @!p0 [sflag:s0], s1  }
0x87: {  	s1 =	ssub.s32 @!p0 $0x0, s1;
	[sflag:s0] =	ssyncset.done @!p0 $0x0  }
0x88: {  	[sflag:s0] =	ssyncadd.s32 @!p0 s1  }
0x89: {  	[bflag:$0x3] =	sbarrier.arrive $0xFFFF  }
0x8a: {  	_ =	shalt  }

</sc_bundles>
